<compile_context>
chip_gen: v7x
topology: tpu7x:2x2x1
jax: 0.10.2.dev20260603
libtpu: 0.0.44.dev20260713+nightly
codegen_flags: <defaults>
</compile_context>

<pallas_src>
import functools

import jax
import jax.numpy as jnp
from jax import lax
from jax.experimental import pallas as pl
from jax.experimental.pallas import tpu as pltpu
from jax.experimental.pallas import tpu_sc as plsc

H = 224
W = 224
L = 4
B = 1024
LANES = 16
NC = 2
NS = 16
NW = NC * NS
SPW = B // NW
R = 28
NCHUNK = H // R
NBLK = W // LANES
HW = H * W

_mesh = plsc.VectorSubcoreMesh(
    core_axis_name="c", subcore_axis_name="s", num_cores=NC, num_subcores=NS
)


@functools.partial(
    pl.kernel,
    out_type=jax.ShapeDtypeStruct((3, B, LANES), jnp.float32),
    mesh=_mesh,
    scratch_types=[
        pltpu.VMEM((R * W * L,), jnp.float32),
        pltpu.VMEM(((R + 1) * W,), jnp.int32),
        pltpu.VMEM(((R + 1) * W,), jnp.int32),
        pltpu.VMEM((SPW, LANES), jnp.float32),
        pltpu.VMEM((SPW, LANES), jnp.float32),
        pltpu.VMEM((SPW, LANES), jnp.float32),
        pltpu.SemaphoreType.DMA,
        pltpu.SemaphoreType.DMA,
    ],
    compiler_params=pltpu.CompilerParams(needs_layout_passes=False),
)
def _ebm_sc(x_hbm, bias_hbm, out_hbm, bias_v, xb0, xb1, pb, ph, pv, sem0, sem1):
    wid = lax.axis_index("s") * NC + lax.axis_index("c")
    sbase = wid * SPW

    lane = lax.iota(jnp.int32, LANES)
    iota4 = lane * L
    ones = jnp.full((LANES,), 1.0, jnp.float32)
    zeros = jnp.zeros((LANES,), jnp.float32)
    mask15 = jnp.where(lane < LANES - 1, 1.0, 0.0).astype(jnp.float32)

    def init_body(s, _):
        pb[s] = zeros
        ph[s] = zeros
        pv[s] = zeros
        return 0

    lax.fori_loop(0, SPW, init_body, 0)

    def issue(s, r0, nr, buf, sem):
        pltpu.async_copy(
            x_hbm.at[pl.ds((sbase + s) * HW + r0 * W, nr * W)],
            buf.at[pl.ds(0, nr * W)],
            sem,
        )

    def process(buf, s):

        def row_body(r, carry):
            xrow, ba, ha, va = carry
            rowvec = iota4 + r * (W * L)
            newrow = []
            for c in range(NBLK):
                off = r * W + c * LANES
                xr = xrow[c]
                xd = buf[pl.ds(off + W, LANES)]
                xr1 = buf[pl.ds(off + 1, LANES)]
                if c == 0:
                    idx = xr + rowvec
                else:
                    idx = (xr + c * (LANES * L)) + rowvec
                bv = plsc.load_gather(bias_v, [idx])
                ba = ba + bv
                hmask = mask15 if c == NBLK - 1 else ones
                ha = ha + jnp.where(xr == xr1, hmask, zeros)
                va = va + jnp.where(xr == xd, ones, zeros)
                newrow.append(xd)
            return (tuple(newrow), ba, ha, va)

        xrow0 = tuple(buf[pl.ds(c * LANES, LANES)] for c in range(NBLK))
        _, ba, ha, va = lax.fori_loop(
            0, R, row_body, (xrow0, zeros, zeros, zeros)
        )
        plsc.addupdate(pb.at[s], ba)
        plsc.addupdate(ph.at[s], ha)
        plsc.addupdate(pv.at[s], va)

    def run_chunk(k, nr):
        r0 = k * R
        issue(0, r0, nr, xb0, sem0)
        pltpu.sync_copy(bias_hbm.at[pl.ds(r0 * (W * L), R * W * L)], bias_v)

        def pair_body(i, _):
            for b in range(2):
                buf, sem = (xb0, sem0) if b == 0 else (xb1, sem1)
                obuf, osem = (xb1, sem1) if b == 0 else (xb0, sem0)
                s = 2 * i + b
                pltpu.make_async_copy(
                    x_hbm.at[pl.ds(0, nr * W)], buf.at[pl.ds(0, nr * W)], sem
                ).wait()

                @pl.when(s + 1 < SPW)
                def _():
                    issue(s + 1, r0, nr, obuf, osem)

                process(buf, s)
            return 0

        lax.fori_loop(0, SPW // 2, pair_body, 0)

    lax.fori_loop(0, NCHUNK - 1, lambda k, _: (run_chunk(k, R + 1), 0)[1], 0)

    neg = jnp.full((LANES,), -1, jnp.int32)
    for c in range(NBLK):
        xb0[pl.ds(R * W + c * LANES, LANES)] = neg
        xb1[pl.ds(R * W + c * LANES, LANES)] = neg
    run_chunk(NCHUNK - 1, R)

    pltpu.sync_copy(pb, out_hbm.at[0, pl.ds(sbase, SPW)])
    pltpu.sync_copy(ph, out_hbm.at[1, pl.ds(sbase, SPW)])
    pltpu.sync_copy(pv, out_hbm.at[2, pl.ds(sbase, SPW)])


def kernel(x, biases, weight_h, weight_v):
    xf = x.reshape(-1)
    bf = biases.reshape(-1)
    parts = _ebm_sc(xf, bf)
    sums = parts.sum(axis=-1)
    return -(sums[0] + weight_h * sums[1] + weight_v * sums[2])

# --- scband reference (transcript-rebuilt; emitter-appended) ---
"""Pipeline reference for scband-categorical-ebm-82910048682104 (READ-ONLY COPY).

The authoritative reference and input builder live on the scoring server;
editing this copy changes nothing except your own understanding.
"""

import jax, jax.numpy as jnp
import numpy as np

H, W, L, B = 224, 224, 4, 1024

def setup_inputs(seed: int = 0) -> dict:
    key = jax.random.key(seed)
    k1, k2 = jax.random.split(key)
    x = jax.random.randint(k1, (B, H, W), 0, L, dtype=jnp.int32)
    biases = jax.random.normal(k2, (H, W, L), dtype=jnp.float32) * 0.01
    weight_h = jnp.asarray(0.1, dtype=jnp.float32)
    weight_v = jnp.asarray(0.1, dtype=jnp.float32)
    return {"x": x, "biases": biases, "weight_h": weight_h, "weight_v": weight_v}

def reference(x, biases, weight_h, weight_v):
    xl = x.astype(jnp.int32)
    b = xl.shape[0]
    # per-pixel bias gather: biases[i, j, x[b, i, j]]
    bflat = biases.reshape(H * W, L)
    xf = xl.reshape(b, H * W)
    bias_energy = bflat[jnp.arange(H * W)[None, :], xf]  # (B, H*W)
    bias_term = bias_energy.sum(axis=1)
    # horizontal Potts interactions
    h_same = (xl[:, :, :-1] == xl[:, :, 1:]).astype(jnp.float32)
    h_energy = weight_h * h_same.sum(axis=(1, 2))
    # vertical Potts interactions
    v_same = (xl[:, :-1, :] == xl[:, 1:, :]).astype(jnp.float32)
    v_energy = weight_v * v_same.sum(axis=(1, 2))
    pairwise_term = h_energy + v_energy
    energy = -(bias_term + pairwise_term)
    return energy

if __name__ == "__main__":
    import jax
    _d = setup_inputs()
    print(jax.jit(kernel)(*tuple(_d.values())))

</pallas_src>

<mosaic_0001>
#map = affine_map<(d0, d1) -> (0)>
#map1 = affine_map<(d0, d1) -> (0, 0, 0)>
module attributes {stable_mosaic.version = 14 : i64} {
  func.func @_ebm_sc(%arg0: i32, %arg1: i32, %arg2: memref<51380224xi32, #tpu.memory_space<hbm>>, %arg3: memref<200704xf32, #tpu.memory_space<hbm>>, %arg4: memref<3x1024x16xf32, #tpu.memory_space<hbm>>, %arg5: memref<25088xf32, #tpu.memory_space<vmem>>, %arg6: memref<6496xi32, #tpu.memory_space<vmem>>, %arg7: memref<6496xi32, #tpu.memory_space<vmem>>, %arg8: memref<32x16xf32, #tpu.memory_space<vmem>>, %arg9: memref<32x16xf32, #tpu.memory_space<vmem>>, %arg10: memref<32x16xf32, #tpu.memory_space<vmem>>, %arg11: memref<!tpu.dma_semaphore, #tpu.memory_space<semaphore_mem>>, %arg12: memref<!tpu.dma_semaphore, #tpu.memory_space<semaphore_mem>>) attributes {dimension_semantics = [#tpu.dimension_semantics<core_parallel>, #tpu.dimension_semantics<subcore_parallel>], iteration_bounds = array<i64: 2, 16>, scalar_prefetch = 0 : i64, scratch_operands = 8 : i64, tpu.core_type = #tpu.core_type<sc_vector_subcore>, window_params = [{transform_indices = #map}, {transform_indices = #map}, {transform_indices = #map1}]} {
    %mul3A = arith.constant 2 : i32
    %mul3A_0 = arith.muli %arg1, %mul3A : i32
    %add3A = arith.addi %mul3A_0, %arg0 : i32
    %mul3A_1 = arith.constant 32 : i32
    %mul3A_2 = arith.muli %add3A, %mul3A_1 : i32
    %iota3A = tpu.iota {dimensions = array<i32: 0>} : vector<16xi32>
    %mul3A_3 = arith.constant 4 : i32
    %mul3A_4 = vector.broadcast %mul3A_3 : i32 to vector<16xi32>
    %mul3A_5 = arith.muli %iota3A, %mul3A_4 : vector<16xi32>
    %broadcast_in_dim3A = arith.constant 1.000000e+00 : f32
    %broadcast_in_dim3A_6 = vector.broadcast %broadcast_in_dim3A : f32 to vector<16xf32>
    %broadcast_in_dim3A_7 = arith.constant 0.000000e+00 : f32
    %broadcast_in_dim3A_8 = vector.broadcast %broadcast_in_dim3A_7 : f32 to vector<16xf32>
    %lt3A = arith.constant 15 : i32
    %lt3A_9 = vector.broadcast %lt3A : i32 to vector<16xi32>
    %lt3A_10 = arith.cmpi slt, %iota3A, %lt3A_9 : vector<16xi32>
    %jit3A = arith.constant 1.000000e+00 : f32
    %jit3A_11 = arith.constant 0.000000e+00 : f32
    %broadcast_in_dim3A_12 = vector.broadcast %jit3A : f32 to vector<16xf32>
    %broadcast_in_dim3A_13 = vector.broadcast %jit3A_11 : f32 to vector<16xf32>
    %select_n3A = arith.select %lt3A_10, %broadcast_in_dim3A_12, %broadcast_in_dim3A_13 : vector<16xi1>, vector<16xf32>
    %scan3A = arith.constant 0 : i32
    %scan3A_14 = arith.constant 0 : i32
    %scan3A_15 = arith.constant 32 : i32
    %scan3A_16 = arith.addi %scan3A_14, %scan3A_15 : i32
    %scan3A_17 = arith.constant 1 : i32
    %scan3A_18 = scf.for %scan3A_104 = %scan3A_14 to %scan3A_16 step %scan3A_17 iter_args(%scan3A_105 = %scan3A) -> (i32)  : i32 {
      %swap3A_106 = arith.index_cast %scan3A_104 : i32 to index
      %swap3A_107 = arith.constant 0 : index
      %swap3A_108 = tpu.vector_load %arg8[%swap3A_106, %swap3A_107] {strides = array<i32>} : memref<32x16xf32, #tpu.memory_space<vmem>>, vector<16xf32>,
      tpu.vector_store %arg8[%swap3A_106, %swap3A_107], %broadcast_in_dim3A_8 {strides = array<i32>} : memref<32x16xf32, #tpu.memory_space<vmem>>, vector<16xf32>,
      %swap3A_109 = arith.index_cast %scan3A_104 : i32 to index
      %swap3A_110 = arith.constant 0 : index
      %swap3A_111 = tpu.vector_load %arg9[%swap3A_109, %swap3A_110] {strides = array<i32>} : memref<32x16xf32, #tpu.memory_space<vmem>>, vector<16xf32>,
      tpu.vector_store %arg9[%swap3A_109, %swap3A_110], %broadcast_in_dim3A_8 {strides = array<i32>} : memref<32x16xf32, #tpu.memory_space<vmem>>, vector<16xf32>,
      %swap3A_112 = arith.index_cast %scan3A_104 : i32 to index
      %swap3A_113 = arith.constant 0 : index
      %swap3A_114 = tpu.vector_load %arg10[%swap3A_112, %swap3A_113] {strides = array<i32>} : memref<32x16xf32, #tpu.memory_space<vmem>>, vector<16xf32>,
      tpu.vector_store %arg10[%swap3A_112, %swap3A_113], %broadcast_in_dim3A_8 {strides = array<i32>} : memref<32x16xf32, #tpu.memory_space<vmem>>, vector<16xf32>,
      %scan3A_115 = arith.constant 0 : i32
      scf.yield %scan3A_115 : i32
    }
    %scan3A_19 = arith.constant 32 : i32
    %scan3A_20 = arith.constant 0 : i32
    %scan3A_21 = arith.constant 0 : i32
    %scan3A_22 = arith.constant 7 : i32
    %scan3A_23 = arith.addi %scan3A_21, %scan3A_22 : i32
    %scan3A_24 = arith.constant 1 : i32
    %scan3A_25 = scf.for %scan3A_104 = %scan3A_21 to %scan3A_23 step %scan3A_24 iter_args(%scan3A_105 = %scan3A_20) -> (i32)  : i32 {
      %mul3A_106 = arith.constant 28 : i32
      %mul3A_107 = arith.muli %scan3A_104, %mul3A_106 : i32
      %add3A_108 = arith.constant 0 : i32
      %add3A_109 = arith.addi %mul3A_2, %add3A_108 : i32
      %mul3A_110 = arith.constant 50176 : i32
      %mul3A_111 = arith.muli %add3A_109, %mul3A_110 : i32
      %mul3A_112 = arith.constant 224 : i32
      %mul3A_113 = arith.muli %mul3A_107, %mul3A_112 : i32
      %add3A_114 = arith.addi %mul3A_111, %mul3A_113 : i32
      %dma_start3A_115 = arith.constant 0 : i32
      %dma_start3A_116 = tpu.memref_slice %arg6[%dma_start3A_115] : memref<6496xi32, #tpu.memory_space<vmem>> -> memref<6496xi32, #tpu.memory_space<vmem>>
      %dma_start3A_117 = tpu.memref_slice %arg2[%add3A_114] : memref<51380224xi32, #tpu.memory_space<hbm>> -> memref<6496xi32, #tpu.memory_space<hbm>>
      %dma_start3A_118 = arith.constant 0 : i32
      %dma_start3A_119 = tpu.memref_slice %arg6[%dma_start3A_118] : memref<6496xi32, #tpu.memory_space<vmem>> -> memref<6496xi32, #tpu.memory_space<vmem>>
      %dma_start3A_120 = tpu.memref_slice %arg2[%add3A_114] : memref<51380224xi32, #tpu.memory_space<hbm>> -> memref<6496xi32, #tpu.memory_space<hbm>>
      tpu.enqueue_dma source(%dma_start3A_120 : memref<6496xi32, #tpu.memory_space<hbm>>) target(%dma_start3A_119 : memref<6496xi32, #tpu.memory_space<vmem>>) target_semaphore(%arg11 : memref<!tpu.dma_semaphore, #tpu.memory_space<semaphore_mem>>)
      %mul3A_121 = arith.constant 896 : i32
      %mul3A_122 = arith.muli %mul3A_107, %mul3A_121 : i32
      "tpu.region"() ({
        %run_scoped3A_131 = tpu.sem_alloc : memref<!tpu.dma_semaphore, #tpu.memory_space<semaphore_mem>>
        %dma_start3A_132 = tpu.memref_slice %arg3[%mul3A_122] : memref<200704xf32, #tpu.memory_space<hbm>> -> memref<25088xf32, #tpu.memory_space<hbm>>
        %dma_start3A_133 = tpu.memref_slice %arg3[%mul3A_122] : memref<200704xf32, #tpu.memory_space<hbm>> -> memref<25088xf32, #tpu.memory_space<hbm>>
        tpu.enqueue_dma source(%dma_start3A_133 : memref<25088xf32, #tpu.memory_space<hbm>>) target(%arg5 : memref<25088xf32, #tpu.memory_space<vmem>>) target_semaphore(%run_scoped3A_131 : memref<!tpu.dma_semaphore, #tpu.memory_space<semaphore_mem>>)
        %dma_wait3A = tpu.memref_slice %arg3[%mul3A_122] : memref<200704xf32, #tpu.memory_space<hbm>> -> memref<25088xf32, #tpu.memory_space<hbm>>
        %dma_wait3A_134 = tpu.memref_slice %arg3[%mul3A_122] : memref<200704xf32, #tpu.memory_space<hbm>> -> memref<25088xf32, #tpu.memory_space<hbm>>
        tpu.wait_dma2 semaphore(%run_scoped3A_131 : memref<!tpu.dma_semaphore, #tpu.memory_space<semaphore_mem>>) src(%dma_wait3A_134 : memref<25088xf32, #tpu.memory_space<hbm>>) dst(%arg5 : memref<25088xf32, #tpu.memory_space<vmem>>)
        tpu.yield
      }) : () -> ()
      %scan3A_123 = arith.constant 0 : i32
      %scan3A_124 = arith.constant 0 : i32
      %scan3A_125 = arith.constant 16 : i32
      %scan3A_126 = arith.addi %scan3A_124, %scan3A_125 : i32
      %scan3A_127 = arith.constant 1 : i32
      %scan3A_128 = scf.for %scan3A_131 = %scan3A_124 to %scan3A_126 step %scan3A_127 iter_args(%scan3A_132 = %scan3A_123) -> (i32)  : i32 {
        %mul3A_133 = arith.constant 2 : i32
        %mul3A_134 = arith.muli %mul3A_133, %scan3A_131 : i32
        %add3A_135 = arith.constant 0 : i32
        %add3A_136 = arith.addi %mul3A_134, %add3A_135 : i32
        %dma_wait3A = arith.constant 0 : i32
        %dma_wait3A_137 = tpu.memref_slice %arg6[%dma_wait3A] : memref<6496xi32, #tpu.memory_space<vmem>> -> memref<6496xi32, #tpu.memory_space<vmem>>
        %dma_wait3A_138 = arith.constant 0 : i32
        %dma_wait3A_139 = tpu.memref_slice %arg2[%dma_wait3A_138] : memref<51380224xi32, #tpu.memory_space<hbm>> -> memref<6496xi32, #tpu.memory_space<hbm>>
        %dma_wait3A_140 = arith.constant 0 : i32
        %dma_wait3A_141 = tpu.memref_slice %arg6[%dma_wait3A_140] : memref<6496xi32, #tpu.memory_space<vmem>> -> memref<6496xi32, #tpu.memory_space<vmem>>
        %dma_wait3A_142 = arith.constant 0 : i32
        %dma_wait3A_143 = tpu.memref_slice %arg2[%dma_wait3A_142] : memref<51380224xi32, #tpu.memory_space<hbm>> -> memref<6496xi32, #tpu.memory_space<hbm>>
        tpu.wait_dma2 semaphore(%arg11 : memref<!tpu.dma_semaphore, #tpu.memory_space<semaphore_mem>>) src(%dma_wait3A_143 : memref<6496xi32, #tpu.memory_space<hbm>>) dst(%dma_wait3A_141 : memref<6496xi32, #tpu.memory_space<vmem>>)
        %add3A_144 = arith.constant 1 : i32
        %add3A_145 = arith.addi %add3A_136, %add3A_144 : i32
        %lt3A_146 = arith.constant 32 : i32
        %lt3A_147 = arith.cmpi slt, %add3A_145, %lt3A_146 : i32
        %convert_element_type3A = arith.extui %lt3A_147 : i1 to i32
        %cond3A = arith.constant 0 : i32
        %cond3A_148 = arith.cmpi ne, %convert_element_type3A, %cond3A : i32
        scf.if %cond3A_148 {
          %add3A_254 = arith.constant 1 : i32
          %add3A_255 = arith.addi %add3A_136, %add3A_254 : i32
          %add3A_256 = arith.addi %mul3A_2, %add3A_255 : i32
          %mul3A_257 = arith.constant 50176 : i32
          %mul3A_258 = arith.muli %add3A_256, %mul3A_257 : i32
          %mul3A_259 = arith.constant 224 : i32
          %mul3A_260 = arith.muli %mul3A_107, %mul3A_259 : i32
          %add3A_261 = arith.addi %mul3A_258, %mul3A_260 : i32
          %dma_start3A_262 = arith.constant 0 : i32
          %dma_start3A_263 = tpu.memref_slice %arg7[%dma_start3A_262] : memref<6496xi32, #tpu.memory_space<vmem>> -> memref<6496xi32, #tpu.memory_space<vmem>>
          %dma_start3A_264 = tpu.memref_slice %arg2[%add3A_261] : memref<51380224xi32, #tpu.memory_space<hbm>> -> memref<6496xi32, #tpu.memory_space<hbm>>
          %dma_start3A_265 = arith.constant 0 : i32
          %dma_start3A_266 = tpu.memref_slice %arg7[%dma_start3A_265] : memref<6496xi32, #tpu.memory_space<vmem>> -> memref<6496xi32, #tpu.memory_space<vmem>>
          %dma_start3A_267 = tpu.memref_slice %arg2[%add3A_261] : memref<51380224xi32, #tpu.memory_space<hbm>> -> memref<6496xi32, #tpu.memory_space<hbm>>
          tpu.enqueue_dma source(%dma_start3A_267 : memref<6496xi32, #tpu.memory_space<hbm>>) target(%dma_start3A_266 : memref<6496xi32, #tpu.memory_space<vmem>>) target_semaphore(%arg12 : memref<!tpu.dma_semaphore, #tpu.memory_space<semaphore_mem>>)
        } else {
        }
        %get3A = arith.constant 0 : index
        %get3A_149 = tpu.vector_load %arg6[%get3A] {strides = array<i32>} : memref<6496xi32, #tpu.memory_space<vmem>>, vector<16xi32>,
        %get3A_150 = arith.constant 16 : index
        %get3A_151 = tpu.vector_load %arg6[%get3A_150] {strides = array<i32>} : memref<6496xi32, #tpu.memory_space<vmem>>, vector<16xi32>,
        %get3A_152 = arith.constant 32 : index
        %get3A_153 = tpu.vector_load %arg6[%get3A_152] {strides = array<i32>} : memref<6496xi32, #tpu.memory_space<vmem>>, vector<16xi32>,
        %get3A_154 = arith.constant 48 : index
        %get3A_155 = tpu.vector_load %arg6[%get3A_154] {strides = array<i32>} : memref<6496xi32, #tpu.memory_space<vmem>>, vector<16xi32>,
        %get3A_156 = arith.constant 64 : index
        %get3A_157 = tpu.vector_load %arg6[%get3A_156] {strides = array<i32>} : memref<6496xi32, #tpu.memory_space<vmem>>, vector<16xi32>,
        %get3A_158 = arith.constant 80 : index
        %get3A_159 = tpu.vector_load %arg6[%get3A_158] {strides = array<i32>} : memref<6496xi32, #tpu.memory_space<vmem>>, vector<16xi32>,
        %get3A_160 = arith.constant 96 : index
        %get3A_161 = tpu.vector_load %arg6[%get3A_160] {strides = array<i32>} : memref<6496xi32, #tpu.memory_space<vmem>>, vector<16xi32>,
        %get3A_162 = arith.constant 112 : index
        %get3A_163 = tpu.vector_load %arg6[%get3A_162] {strides = array<i32>} : memref<6496xi32, #tpu.memory_space<vmem>>, vector<16xi32>,
        %get3A_164 = arith.constant 128 : index
        %get3A_165 = tpu.vector_load %arg6[%get3A_164] {strides = array<i32>} : memref<6496xi32, #tpu.memory_space<vmem>>, vector<16xi32>,
        %get3A_166 = arith.constant 144 : index
        %get3A_167 = tpu.vector_load %arg6[%get3A_166] {strides = array<i32>} : memref<6496xi32, #tpu.memory_space<vmem>>, vector<16xi32>,
        %get3A_168 = arith.constant 160 : index
        %get3A_169 = tpu.vector_load %arg6[%get3A_168] {strides = array<i32>} : memref<6496xi32, #tpu.memory_space<vmem>>, vector<16xi32>,
        %get3A_170 = arith.constant 176 : index
        %get3A_171 = tpu.vector_load %arg6[%get3A_170] {strides = array<i32>} : memref<6496xi32, #tpu.memory_space<vmem>>, vector<16xi32>,
        %get3A_172 = arith.constant 192 : index
        %get3A_173 = tpu.vector_load %arg6[%get3A_172] {strides = array<i32>} : memref<6496xi32, #tpu.memory_space<vmem>>, vector<16xi32>,
        %get3A_174 = arith.constant 208 : index
        %get3A_175 = tpu.vector_load %arg6[%get3A_174] {strides = array<i32>} : memref<6496xi32, #tpu.memory_space<vmem>>, vector<16xi32>,
        %scan3A_176 = arith.constant 0 : i32
        %scan3A_177 = arith.constant 28 : i32
        %scan3A_178 = arith.addi %scan3A_176, %scan3A_177 : i32
        %scan3A_179 = arith.constant 1 : i32
        %scan3A_180:17 = scf.for %scan3A_254 = %scan3A_176 to %scan3A_178 step %scan3A_179 iter_args(%scan3A_255 = %get3A_149, %scan3A_256 = %get3A_151, %scan3A_257 = %get3A_153, %scan3A_258 = %get3A_155, %scan3A_259 = %get3A_157, %scan3A_260 = %get3A_159, %scan3A_261 = %get3A_161, %scan3A_262 = %get3A_163, %scan3A_263 = %get3A_165, %scan3A_264 = %get3A_167, %scan3A_265 = %get3A_169, %scan3A_266 = %get3A_171, %scan3A_267 = %get3A_173, %scan3A_268 = %get3A_175, %scan3A_269 = %broadcast_in_dim3A_8, %scan3A_270 = %broadcast_in_dim3A_8, %scan3A_271 = %broadcast_in_dim3A_8) -> (vector<16xi32>, vector<16xi32>, vector<16xi32>, vector<16xi32>, vector<16xi32>, vector<16xi32>, vector<16xi32>, vector<16xi32>, vector<16xi32>, vector<16xi32>, vector<16xi32>, vector<16xi32>, vector<16xi32>, vector<16xi32>, vector<16xf32>, vector<16xf32>, vector<16xf32>)  : i32 {
          %mul3A_272 = arith.constant 896 : i32
          %mul3A_273 = arith.muli %scan3A_254, %mul3A_272 : i32
          %add3A_274 = vector.broadcast %mul3A_273 : i32 to vector<16xi32>
          %add3A_275 = arith.addi %mul3A_5, %add3A_274 : vector<16xi32>
          %mul3A_276 = arith.constant 224 : i32
          %mul3A_277 = arith.muli %scan3A_254, %mul3A_276 : i32
          %add3A_278 = arith.constant 0 : i32
          %add3A_279 = arith.addi %mul3A_277, %add3A_278 : i32
          %add3A_280 = arith.constant 224 : i32
          %add3A_281 = arith.addi %add3A_279, %add3A_280 : i32
          %get3A_282 = arith.index_cast %add3A_281 : i32 to index
          %get3A_283 = tpu.vector_load %arg6[%get3A_282] {strides = array<i32>} : memref<6496xi32, #tpu.memory_space<vmem>>, vector<16xi32>,
          %add3A_284 = arith.constant 1 : i32
          %add3A_285 = arith.addi %add3A_279, %add3A_284 : i32
          %get3A_286 = arith.index_cast %add3A_285 : i32 to index
          %get3A_287 = tpu.vector_load %arg6[%get3A_286] {strides = array<i32>} : memref<6496xi32, #tpu.memory_space<vmem>>, vector<16xi32>,
          %add3A_288 = arith.addi %scan3A_255, %add3A_275 : vector<16xi32>
          %gather3A = tpu.vector_load_idx %arg5[%add3A_288] : memref<25088xf32, #tpu.memory_space<vmem>>[vector<16xi32>], vector<16xf32>,
          %add3A_289 = arith.addf %scan3A_269, %gather3A : vector<16xf32>
          %eq3A = arith.cmpi eq, %scan3A_255, %get3A_287 : vector<16xi32>
          %select_n3A_290 = arith.select %eq3A, %broadcast_in_dim3A_6, %broadcast_in_dim3A_8 : vector<16xi1>, vector<16xf32>
          %add3A_291 = arith.addf %scan3A_270, %select_n3A_290 : vector<16xf32>
          %eq3A_292 = arith.cmpi eq, %scan3A_255, %get3A_283 : vector<16xi32>
          %select_n3A_293 = arith.select %eq3A_292, %broadcast_in_dim3A_6, %broadcast_in_dim3A_8 : vector<16xi1>, vector<16xf32>
          %add3A_294 = arith.addf %scan3A_271, %select_n3A_293 : vector<16xf32>
          %mul3A_295 = arith.constant 224 : i32
          %mul3A_296 = arith.muli %scan3A_254, %mul3A_295 : i32
          %add3A_297 = arith.constant 16 : i32
          %add3A_298 = arith.addi %mul3A_296, %add3A_297 : i32
          %add3A_299 = arith.constant 224 : i32
          %add3A_300 = arith.addi %add3A_298, %add3A_299 : i32
          %get3A_301 = arith.index_cast %add3A_300 : i32 to index
          %get3A_302 = tpu.vector_load %arg6[%get3A_301] {strides = array<i32>} : memref<6496xi32, #tpu.memory_space<vmem>>, vector<16xi32>,
          %add3A_303 = arith.constant 1 : i32
          %add3A_304 = arith.addi %add3A_298, %add3A_303 : i32
          %get3A_305 = arith.index_cast %add3A_304 : i32 to index
          %get3A_306 = tpu.vector_load %arg6[%get3A_305] {strides = array<i32>} : memref<6496xi32, #tpu.memory_space<vmem>>, vector<16xi32>,
          %add3A_307 = arith.constant 64 : i32
          %add3A_308 = vector.broadcast %add3A_307 : i32 to vector<16xi32>
          %add3A_309 = arith.addi %scan3A_256, %add3A_308 : vector<16xi32>
          %add3A_310 = arith.addi %add3A_309, %add3A_275 : vector<16xi32>
          %gather3A_311 = tpu.vector_load_idx %arg5[%add3A_310] : memref<25088xf32, #tpu.memory_space<vmem>>[vector<16xi32>], vector<16xf32>,
          %add3A_312 = arith.addf %add3A_289, %gather3A_311 : vector<16xf32>
          %eq3A_313 = arith.cmpi eq, %scan3A_256, %get3A_306 : vector<16xi32>
          %select_n3A_314 = arith.select %eq3A_313, %broadcast_in_dim3A_6, %broadcast_in_dim3A_8 : vector<16xi1>, vector<16xf32>
          %add3A_315 = arith.addf %add3A_291, %select_n3A_314 : vector<16xf32>
          %eq3A_316 = arith.cmpi eq, %scan3A_256, %get3A_302 : vector<16xi32>
          %select_n3A_317 = arith.select %eq3A_316, %broadcast_in_dim3A_6, %broadcast_in_dim3A_8 : vector<16xi1>, vector<16xf32>
          %add3A_318 = arith.addf %add3A_294, %select_n3A_317 : vector<16xf32>
          %mul3A_319 = arith.constant 224 : i32
          %mul3A_320 = arith.muli %scan3A_254, %mul3A_319 : i32
          %add3A_321 = arith.constant 32 : i32
          %add3A_322 = arith.addi %mul3A_320, %add3A_321 : i32
          %add3A_323 = arith.constant 224 : i32
          %add3A_324 = arith.addi %add3A_322, %add3A_323 : i32
          %get3A_325 = arith.index_cast %add3A_324 : i32 to index
          %get3A_326 = tpu.vector_load %arg6[%get3A_325] {strides = array<i32>} : memref<6496xi32, #tpu.memory_space<vmem>>, vector<16xi32>,
          %add3A_327 = arith.constant 1 : i32
          %add3A_328 = arith.addi %add3A_322, %add3A_327 : i32
          %get3A_329 = arith.index_cast %add3A_328 : i32 to index
          %get3A_330 = tpu.vector_load %arg6[%get3A_329] {strides = array<i32>} : memref<6496xi32, #tpu.memory_space<vmem>>, vector<16xi32>,
          %add3A_331 = arith.constant 128 : i32
          %add3A_332 = vector.broadcast %add3A_331 : i32 to vector<16xi32>
          %add3A_333 = arith.addi %scan3A_257, %add3A_332 : vector<16xi32>
          %add3A_334 = arith.addi %add3A_333, %add3A_275 : vector<16xi32>
          %gather3A_335 = tpu.vector_load_idx %arg5[%add3A_334] : memref<25088xf32, #tpu.memory_space<vmem>>[vector<16xi32>], vector<16xf32>,
          %add3A_336 = arith.addf %add3A_312, %gather3A_335 : vector<16xf32>
          %eq3A_337 = arith.cmpi eq, %scan3A_257, %get3A_330 : vector<16xi32>
          %select_n3A_338 = arith.select %eq3A_337, %broadcast_in_dim3A_6, %broadcast_in_dim3A_8 : vector<16xi1>, vector<16xf32>
          %add3A_339 = arith.addf %add3A_315, %select_n3A_338 : vector<16xf32>
          %eq3A_340 = arith.cmpi eq, %scan3A_257, %get3A_326 : vector<16xi32>
          %select_n3A_341 = arith.select %eq3A_340, %broadcast_in_dim3A_6, %broadcast_in_dim3A_8 : vector<16xi1>, vector<16xf32>
          %add3A_342 = arith.addf %add3A_318, %select_n3A_341 : vector<16xf32>
          %mul3A_343 = arith.constant 224 : i32
          %mul3A_344 = arith.muli %scan3A_254, %mul3A_343 : i32
          %add3A_345 = arith.constant 48 : i32
          %add3A_346 = arith.addi %mul3A_344, %add3A_345 : i32
          %add3A_347 = arith.constant 224 : i32
          %add3A_348 = arith.addi %add3A_346, %add3A_347 : i32
          %get3A_349 = arith.index_cast %add3A_348 : i32 to index
          %get3A_350 = tpu.vector_load %arg6[%get3A_349] {strides = array<i32>} : memref<6496xi32, #tpu.memory_space<vmem>>, vector<16xi32>,
          %add3A_351 = arith.constant 1 : i32
          %add3A_352 = arith.addi %add3A_346, %add3A_351 : i32
          %get3A_353 = arith.index_cast %add3A_352 : i32 to index
          %get3A_354 = tpu.vector_load %arg6[%get3A_353] {strides = array<i32>} : memref<6496xi32, #tpu.memory_space<vmem>>, vector<16xi32>,
          %add3A_355 = arith.constant 192 : i32
          %add3A_356 = vector.broadcast %add3A_355 : i32 to vector<16xi32>
          %add3A_357 = arith.addi %scan3A_258, %add3A_356 : vector<16xi32>
          %add3A_358 = arith.addi %add3A_357, %add3A_275 : vector<16xi32>
          %gather3A_359 = tpu.vector_load_idx %arg5[%add3A_358] : memref<25088xf32, #tpu.memory_space<vmem>>[vector<16xi32>], vector<16xf32>,
          %add3A_360 = arith.addf %add3A_336, %gather3A_359 : vector<16xf32>
          %eq3A_361 = arith.cmpi eq, %scan3A_258, %get3A_354 : vector<16xi32>
          %select_n3A_362 = arith.select %eq3A_361, %broadcast_in_dim3A_6, %broadcast_in_dim3A_8 : vector<16xi1>, vector<16xf32>
          %add3A_363 = arith.addf %add3A_339, %select_n3A_362 : vector<16xf32>
          %eq3A_364 = arith.cmpi eq, %scan3A_258, %get3A_350 : vector<16xi32>
          %select_n3A_365 = arith.select %eq3A_364, %broadcast_in_dim3A_6, %broadcast_in_dim3A_8 : vector<16xi1>, vector<16xf32>
          %add3A_366 = arith.addf %add3A_342, %select_n3A_365 : vector<16xf32>
          %mul3A_367 = arith.constant 224 : i32
          %mul3A_368 = arith.muli %scan3A_254, %mul3A_367 : i32
          %add3A_369 = arith.constant 64 : i32
          %add3A_370 = arith.addi %mul3A_368, %add3A_369 : i32
          %add3A_371 = arith.constant 224 : i32
          %add3A_372 = arith.addi %add3A_370, %add3A_371 : i32
          %get3A_373 = arith.index_cast %add3A_372 : i32 to index
          %get3A_374 = tpu.vector_load %arg6[%get3A_373] {strides = array<i32>} : memref<6496xi32, #tpu.memory_space<vmem>>, vector<16xi32>,
          %add3A_375 = arith.constant 1 : i32
          %add3A_376 = arith.addi %add3A_370, %add3A_375 : i32
          %get3A_377 = arith.index_cast %add3A_376 : i32 to index
          %get3A_378 = tpu.vector_load %arg6[%get3A_377] {strides = array<i32>} : memref<6496xi32, #tpu.memory_space<vmem>>, vector<16xi32>,
          %add3A_379 = arith.constant 256 : i32
          %add3A_380 = vector.broadcast %add3A_379 : i32 to vector<16xi32>
          %add3A_381 = arith.addi %scan3A_259, %add3A_380 : vector<16xi32>
          %add3A_382 = arith.addi %add3A_381, %add3A_275 : vector<16xi32>
          %gather3A_383 = tpu.vector_load_idx %arg5[%add3A_382] : memref<25088xf32, #tpu.memory_space<vmem>>[vector<16xi32>], vector<16xf32>,
          %add3A_384 = arith.addf %add3A_360, %gather3A_383 : vector<16xf32>
          %eq3A_385 = arith.cmpi eq, %scan3A_259, %get3A_378 : vector<16xi32>
          %select_n3A_386 = arith.select %eq3A_385, %broadcast_in_dim3A_6, %broadcast_in_dim3A_8 : vector<16xi1>, vector<16xf32>
          %add3A_387 = arith.addf %add3A_363, %select_n3A_386 : vector<16xf32>
          %eq3A_388 = arith.cmpi eq, %scan3A_259, %get3A_374 : vector<16xi32>
          %select_n3A_389 = arith.select %eq3A_388, %broadcast_in_dim3A_6, %broadcast_in_dim3A_8 : vector<16xi1>, vector<16xf32>
          %add3A_390 = arith.addf %add3A_366, %select_n3A_389 : vector<16xf32>
          %mul3A_391 = arith.constant 224 : i32
          %mul3A_392 = arith.muli %scan3A_254, %mul3A_391 : i32
          %add3A_393 = arith.constant 80 : i32
          %add3A_394 = arith.addi %mul3A_392, %add3A_393 : i32
          %add3A_395 = arith.constant 224 : i32
          %add3A_396 = arith.addi %add3A_394, %add3A_395 : i32
          %get3A_397 = arith.index_cast %add3A_396 : i32 to index
          %get3A_398 = tpu.vector_load %arg6[%get3A_397] {strides = array<i32>} : memref<6496xi32, #tpu.memory_space<vmem>>, vector<16xi32>,
          %add3A_399 = arith.constant 1 : i32
          %add3A_400 = arith.addi %add3A_394, %add3A_399 : i32
          %get3A_401 = arith.index_cast %add3A_400 : i32 to index
          %get3A_402 = tpu.vector_load %arg6[%get3A_401] {strides = array<i32>} : memref<6496xi32, #tpu.memory_space<vmem>>, vector<16xi32>,
          %add3A_403 = arith.constant 320 : i32
          %add3A_404 = vector.broadcast %add3A_403 : i32 to vector<16xi32>
          %add3A_405 = arith.addi %scan3A_260, %add3A_404 : vector<16xi32>
          %add3A_406 = arith.addi %add3A_405, %add3A_275 : vector<16xi32>
          %gather3A_407 = tpu.vector_load_idx %arg5[%add3A_406] : memref<25088xf32, #tpu.memory_space<vmem>>[vector<16xi32>], vector<16xf32>,
          %add3A_408 = arith.addf %add3A_384, %gather3A_407 : vector<16xf32>
          %eq3A_409 = arith.cmpi eq, %scan3A_260, %get3A_402 : vector<16xi32>
          %select_n3A_410 = arith.select %eq3A_409, %broadcast_in_dim3A_6, %broadcast_in_dim3A_8 : vector<16xi1>, vector<16xf32>
          %add3A_411 = arith.addf %add3A_387, %select_n3A_410 : vector<16xf32>
          %eq3A_412 = arith.cmpi eq, %scan3A_260, %get3A_398 : vector<16xi32>
          %select_n3A_413 = arith.select %eq3A_412, %broadcast_in_dim3A_6, %broadcast_in_dim3A_8 : vector<16xi1>, vector<16xf32>
          %add3A_414 = arith.addf %add3A_390, %select_n3A_413 : vector<16xf32>
          %mul3A_415 = arith.constant 224 : i32
          %mul3A_416 = arith.muli %scan3A_254, %mul3A_415 : i32
          %add3A_417 = arith.constant 96 : i32
          %add3A_418 = arith.addi %mul3A_416, %add3A_417 : i32
          %add3A_419 = arith.constant 224 : i32
          %add3A_420 = arith.addi %add3A_418, %add3A_419 : i32
          %get3A_421 = arith.index_cast %add3A_420 : i32 to index
          %get3A_422 = tpu.vector_load %arg6[%get3A_421] {strides = array<i32>} : memref<6496xi32, #tpu.memory_space<vmem>>, vector<16xi32>,
          %add3A_423 = arith.constant 1 : i32
          %add3A_424 = arith.addi %add3A_418, %add3A_423 : i32
          %get3A_425 = arith.index_cast %add3A_424 : i32 to index
          %get3A_426 = tpu.vector_load %arg6[%get3A_425] {strides = array<i32>} : memref<6496xi32, #tpu.memory_space<vmem>>, vector<16xi32>,
          %add3A_427 = arith.constant 384 : i32
          %add3A_428 = vector.broadcast %add3A_427 : i32 to vector<16xi32>
          %add3A_429 = arith.addi %scan3A_261, %add3A_428 : vector<16xi32>
          %add3A_430 = arith.addi %add3A_429, %add3A_275 : vector<16xi32>
          %gather3A_431 = tpu.vector_load_idx %arg5[%add3A_430] : memref<25088xf32, #tpu.memory_space<vmem>>[vector<16xi32>], vector<16xf32>,
          %add3A_432 = arith.addf %add3A_408, %gather3A_431 : vector<16xf32>
          %eq3A_433 = arith.cmpi eq, %scan3A_261, %get3A_426 : vector<16xi32>
          %select_n3A_434 = arith.select %eq3A_433, %broadcast_in_dim3A_6, %broadcast_in_dim3A_8 : vector<16xi1>, vector<16xf32>
          %add3A_435 = arith.addf %add3A_411, %select_n3A_434 : vector<16xf32>
          %eq3A_436 = arith.cmpi eq, %scan3A_261, %get3A_422 : vector<16xi32>
          %select_n3A_437 = arith.select %eq3A_436, %broadcast_in_dim3A_6, %broadcast_in_dim3A_8 : vector<16xi1>, vector<16xf32>
          %add3A_438 = arith.addf %add3A_414, %select_n3A_437 : vector<16xf32>
          %mul3A_439 = arith.constant 224 : i32
          %mul3A_440 = arith.muli %scan3A_254, %mul3A_439 : i32
          %add3A_441 = arith.constant 112 : i32
          %add3A_442 = arith.addi %mul3A_440, %add3A_441 : i32
          %add3A_443 = arith.constant 224 : i32
          %add3A_444 = arith.addi %add3A_442, %add3A_443 : i32
          %get3A_445 = arith.index_cast %add3A_444 : i32 to index
          %get3A_446 = tpu.vector_load %arg6[%get3A_445] {strides = array<i32>} : memref<6496xi32, #tpu.memory_space<vmem>>, vector<16xi32>,
          %add3A_447 = arith.constant 1 : i32
          %add3A_448 = arith.addi %add3A_442, %add3A_447 : i32
          %get3A_449 = arith.index_cast %add3A_448 : i32 to index
          %get3A_450 = tpu.vector_load %arg6[%get3A_449] {strides = array<i32>} : memref<6496xi32, #tpu.memory_space<vmem>>, vector<16xi32>,
          %add3A_451 = arith.constant 448 : i32
          %add3A_452 = vector.broadcast %add3A_451 : i32 to vector<16xi32>
          %add3A_453 = arith.addi %scan3A_262, %add3A_452 : vector<16xi32>
          %add3A_454 = arith.addi %add3A_453, %add3A_275 : vector<16xi32>
          %gather3A_455 = tpu.vector_load_idx %arg5[%add3A_454] : memref<25088xf32, #tpu.memory_space<vmem>>[vector<16xi32>], vector<16xf32>,
          %add3A_456 = arith.addf %add3A_432, %gather3A_455 : vector<16xf32>
          %eq3A_457 = arith.cmpi eq, %scan3A_262, %get3A_450 : vector<16xi32>
          %select_n3A_458 = arith.select %eq3A_457, %broadcast_in_dim3A_6, %broadcast_in_dim3A_8 : vector<16xi1>, vector<16xf32>
          %add3A_459 = arith.addf %add3A_435, %select_n3A_458 : vector<16xf32>
          %eq3A_460 = arith.cmpi eq, %scan3A_262, %get3A_446 : vector<16xi32>
          %select_n3A_461 = arith.select %eq3A_460, %broadcast_in_dim3A_6, %broadcast_in_dim3A_8 : vector<16xi1>, vector<16xf32>
          %add3A_462 = arith.addf %add3A_438, %select_n3A_461 : vector<16xf32>
          %mul3A_463 = arith.constant 224 : i32
          %mul3A_464 = arith.muli %scan3A_254, %mul3A_463 : i32
          %add3A_465 = arith.constant 128 : i32
          %add3A_466 = arith.addi %mul3A_464, %add3A_465 : i32
          %add3A_467 = arith.constant 224 : i32
          %add3A_468 = arith.addi %add3A_466, %add3A_467 : i32
          %get3A_469 = arith.index_cast %add3A_468 : i32 to index
          %get3A_470 = tpu.vector_load %arg6[%get3A_469] {strides = array<i32>} : memref<6496xi32, #tpu.memory_space<vmem>>, vector<16xi32>,
          %add3A_471 = arith.constant 1 : i32
          %add3A_472 = arith.addi %add3A_466, %add3A_471 : i32
          %get3A_473 = arith.index_cast %add3A_472 : i32 to index
          %get3A_474 = tpu.vector_load %arg6[%get3A_473] {strides = array<i32>} : memref<6496xi32, #tpu.memory_space<vmem>>, vector<16xi32>,
          %add3A_475 = arith.constant 512 : i32
          %add3A_476 = vector.broadcast %add3A_475 : i32 to vector<16xi32>
          %add3A_477 = arith.addi %scan3A_263, %add3A_476 : vector<16xi32>
          %add3A_478 = arith.addi %add3A_477, %add3A_275 : vector<16xi32>
          %gather3A_479 = tpu.vector_load_idx %arg5[%add3A_478] : memref<25088xf32, #tpu.memory_space<vmem>>[vector<16xi32>], vector<16xf32>,
          %add3A_480 = arith.addf %add3A_456, %gather3A_479 : vector<16xf32>
          %eq3A_481 = arith.cmpi eq, %scan3A_263, %get3A_474 : vector<16xi32>
          %select_n3A_482 = arith.select %eq3A_481, %broadcast_in_dim3A_6, %broadcast_in_dim3A_8 : vector<16xi1>, vector<16xf32>
          %add3A_483 = arith.addf %add3A_459, %select_n3A_482 : vector<16xf32>
          %eq3A_484 = arith.cmpi eq, %scan3A_263, %get3A_470 : vector<16xi32>
          %select_n3A_485 = arith.select %eq3A_484, %broadcast_in_dim3A_6, %broadcast_in_dim3A_8 : vector<16xi1>, vector<16xf32>
          %add3A_486 = arith.addf %add3A_462, %select_n3A_485 : vector<16xf32>
          %mul3A_487 = arith.constant 224 : i32
          %mul3A_488 = arith.muli %scan3A_254, %mul3A_487 : i32
          %add3A_489 = arith.constant 144 : i32
          %add3A_490 = arith.addi %mul3A_488, %add3A_489 : i32
          %add3A_491 = arith.constant 224 : i32
          %add3A_492 = arith.addi %add3A_490, %add3A_491 : i32
          %get3A_493 = arith.index_cast %add3A_492 : i32 to index
          %get3A_494 = tpu.vector_load %arg6[%get3A_493] {strides = array<i32>} : memref<6496xi32, #tpu.memory_space<vmem>>, vector<16xi32>,
          %add3A_495 = arith.constant 1 : i32
          %add3A_496 = arith.addi %add3A_490, %add3A_495 : i32
          %get3A_497 = arith.index_cast %add3A_496 : i32 to index
          %get3A_498 = tpu.vector_load %arg6[%get3A_497] {strides = array<i32>} : memref<6496xi32, #tpu.memory_space<vmem>>, vector<16xi32>,
          %add3A_499 = arith.constant 576 : i32
          %add3A_500 = vector.broadcast %add3A_499 : i32 to vector<16xi32>
          %add3A_501 = arith.addi %scan3A_264, %add3A_500 : vector<16xi32>
          %add3A_502 = arith.addi %add3A_501, %add3A_275 : vector<16xi32>
          %gather3A_503 = tpu.vector_load_idx %arg5[%add3A_502] : memref<25088xf32, #tpu.memory_space<vmem>>[vector<16xi32>], vector<16xf32>,
          %add3A_504 = arith.addf %add3A_480, %gather3A_503 : vector<16xf32>
          %eq3A_505 = arith.cmpi eq, %scan3A_264, %get3A_498 : vector<16xi32>
          %select_n3A_506 = arith.select %eq3A_505, %broadcast_in_dim3A_6, %broadcast_in_dim3A_8 : vector<16xi1>, vector<16xf32>
          %add3A_507 = arith.addf %add3A_483, %select_n3A_506 : vector<16xf32>
          %eq3A_508 = arith.cmpi eq, %scan3A_264, %get3A_494 : vector<16xi32>
          %select_n3A_509 = arith.select %eq3A_508, %broadcast_in_dim3A_6, %broadcast_in_dim3A_8 : vector<16xi1>, vector<16xf32>
          %add3A_510 = arith.addf %add3A_486, %select_n3A_509 : vector<16xf32>
          %mul3A_511 = arith.constant 224 : i32
          %mul3A_512 = arith.muli %scan3A_254, %mul3A_511 : i32
          %add3A_513 = arith.constant 160 : i32
          %add3A_514 = arith.addi %mul3A_512, %add3A_513 : i32
          %add3A_515 = arith.constant 224 : i32
          %add3A_516 = arith.addi %add3A_514, %add3A_515 : i32
          %get3A_517 = arith.index_cast %add3A_516 : i32 to index
          %get3A_518 = tpu.vector_load %arg6[%get3A_517] {strides = array<i32>} : memref<6496xi32, #tpu.memory_space<vmem>>, vector<16xi32>,
          %add3A_519 = arith.constant 1 : i32
          %add3A_520 = arith.addi %add3A_514, %add3A_519 : i32
          %get3A_521 = arith.index_cast %add3A_520 : i32 to index
          %get3A_522 = tpu.vector_load %arg6[%get3A_521] {strides = array<i32>} : memref<6496xi32, #tpu.memory_space<vmem>>, vector<16xi32>,
          %add3A_523 = arith.constant 640 : i32
          %add3A_524 = vector.broadcast %add3A_523 : i32 to vector<16xi32>
          %add3A_525 = arith.addi %scan3A_265, %add3A_524 : vector<16xi32>
          %add3A_526 = arith.addi %add3A_525, %add3A_275 : vector<16xi32>
          %gather3A_527 = tpu.vector_load_idx %arg5[%add3A_526] : memref<25088xf32, #tpu.memory_space<vmem>>[vector<16xi32>], vector<16xf32>,
          %add3A_528 = arith.addf %add3A_504, %gather3A_527 : vector<16xf32>
          %eq3A_529 = arith.cmpi eq, %scan3A_265, %get3A_522 : vector<16xi32>
          %select_n3A_530 = arith.select %eq3A_529, %broadcast_in_dim3A_6, %broadcast_in_dim3A_8 : vector<16xi1>, vector<16xf32>
          %add3A_531 = arith.addf %add3A_507, %select_n3A_530 : vector<16xf32>
          %eq3A_532 = arith.cmpi eq, %scan3A_265, %get3A_518 : vector<16xi32>
          %select_n3A_533 = arith.select %eq3A_532, %broadcast_in_dim3A_6, %broadcast_in_dim3A_8 : vector<16xi1>, vector<16xf32>
          %add3A_534 = arith.addf %add3A_510, %select_n3A_533 : vector<16xf32>
          %mul3A_535 = arith.constant 224 : i32
          %mul3A_536 = arith.muli %scan3A_254, %mul3A_535 : i32
          %add3A_537 = arith.constant 176 : i32
          %add3A_538 = arith.addi %mul3A_536, %add3A_537 : i32
          %add3A_539 = arith.constant 224 : i32
          %add3A_540 = arith.addi %add3A_538, %add3A_539 : i32
          %get3A_541 = arith.index_cast %add3A_540 : i32 to index
          %get3A_542 = tpu.vector_load %arg6[%get3A_541] {strides = array<i32>} : memref<6496xi32, #tpu.memory_space<vmem>>, vector<16xi32>,
          %add3A_543 = arith.constant 1 : i32
          %add3A_544 = arith.addi %add3A_538, %add3A_543 : i32
          %get3A_545 = arith.index_cast %add3A_544 : i32 to index
          %get3A_546 = tpu.vector_load %arg6[%get3A_545] {strides = array<i32>} : memref<6496xi32, #tpu.memory_space<vmem>>, vector<16xi32>,
          %add3A_547 = arith.constant 704 : i32
          %add3A_548 = vector.broadcast %add3A_547 : i32 to vector<16xi32>
          %add3A_549 = arith.addi %scan3A_266, %add3A_548 : vector<16xi32>
          %add3A_550 = arith.addi %add3A_549, %add3A_275 : vector<16xi32>
          %gather3A_551 = tpu.vector_load_idx %arg5[%add3A_550] : memref<25088xf32, #tpu.memory_space<vmem>>[vector<16xi32>], vector<16xf32>,
          %add3A_552 = arith.addf %add3A_528, %gather3A_551 : vector<16xf32>
          %eq3A_553 = arith.cmpi eq, %scan3A_266, %get3A_546 : vector<16xi32>
          %select_n3A_554 = arith.select %eq3A_553, %broadcast_in_dim3A_6, %broadcast_in_dim3A_8 : vector<16xi1>, vector<16xf32>
          %add3A_555 = arith.addf %add3A_531, %select_n3A_554 : vector<16xf32>
          %eq3A_556 = arith.cmpi eq, %scan3A_266, %get3A_542 : vector<16xi32>
          %select_n3A_557 = arith.select %eq3A_556, %broadcast_in_dim3A_6, %broadcast_in_dim3A_8 : vector<16xi1>, vector<16xf32>
          %add3A_558 = arith.addf %add3A_534, %select_n3A_557 : vector<16xf32>
          %mul3A_559 = arith.constant 224 : i32
          %mul3A_560 = arith.muli %scan3A_254, %mul3A_559 : i32
          %add3A_561 = arith.constant 192 : i32
          %add3A_562 = arith.addi %mul3A_560, %add3A_561 : i32
          %add3A_563 = arith.constant 224 : i32
          %add3A_564 = arith.addi %add3A_562, %add3A_563 : i32
          %get3A_565 = arith.index_cast %add3A_564 : i32 to index
          %get3A_566 = tpu.vector_load %arg6[%get3A_565] {strides = array<i32>} : memref<6496xi32, #tpu.memory_space<vmem>>, vector<16xi32>,
          %add3A_567 = arith.constant 1 : i32
          %add3A_568 = arith.addi %add3A_562, %add3A_567 : i32
          %get3A_569 = arith.index_cast %add3A_568 : i32 to index
          %get3A_570 = tpu.vector_load %arg6[%get3A_569] {strides = array<i32>} : memref<6496xi32, #tpu.memory_space<vmem>>, vector<16xi32>,
          %add3A_571 = arith.constant 768 : i32
          %add3A_572 = vector.broadcast %add3A_571 : i32 to vector<16xi32>
          %add3A_573 = arith.addi %scan3A_267, %add3A_572 : vector<16xi32>
          %add3A_574 = arith.addi %add3A_573, %add3A_275 : vector<16xi32>
          %gather3A_575 = tpu.vector_load_idx %arg5[%add3A_574] : memref<25088xf32, #tpu.memory_space<vmem>>[vector<16xi32>], vector<16xf32>,
          %add3A_576 = arith.addf %add3A_552, %gather3A_575 : vector<16xf32>
          %eq3A_577 = arith.cmpi eq, %scan3A_267, %get3A_570 : vector<16xi32>
          %select_n3A_578 = arith.select %eq3A_577, %broadcast_in_dim3A_6, %broadcast_in_dim3A_8 : vector<16xi1>, vector<16xf32>
          %add3A_579 = arith.addf %add3A_555, %select_n3A_578 : vector<16xf32>
          %eq3A_580 = arith.cmpi eq, %scan3A_267, %get3A_566 : vector<16xi32>
          %select_n3A_581 = arith.select %eq3A_580, %broadcast_in_dim3A_6, %broadcast_in_dim3A_8 : vector<16xi1>, vector<16xf32>
          %add3A_582 = arith.addf %add3A_558, %select_n3A_581 : vector<16xf32>
          %mul3A_583 = arith.constant 224 : i32
          %mul3A_584 = arith.muli %scan3A_254, %mul3A_583 : i32
          %add3A_585 = arith.constant 208 : i32
          %add3A_586 = arith.addi %mul3A_584, %add3A_585 : i32
          %add3A_587 = arith.constant 224 : i32
          %add3A_588 = arith.addi %add3A_586, %add3A_587 : i32
          %get3A_589 = arith.index_cast %add3A_588 : i32 to index
          %get3A_590 = tpu.vector_load %arg6[%get3A_589] {strides = array<i32>} : memref<6496xi32, #tpu.memory_space<vmem>>, vector<16xi32>,
          %add3A_591 = arith.constant 1 : i32
          %add3A_592 = arith.addi %add3A_586, %add3A_591 : i32
          %get3A_593 = arith.index_cast %add3A_592 : i32 to index
          %get3A_594 = tpu.vector_load %arg6[%get3A_593] {strides = array<i32>} : memref<6496xi32, #tpu.memory_space<vmem>>, vector<16xi32>,
          %add3A_595 = arith.constant 832 : i32
          %add3A_596 = vector.broadcast %add3A_595 : i32 to vector<16xi32>
          %add3A_597 = arith.addi %scan3A_268, %add3A_596 : vector<16xi32>
          %add3A_598 = arith.addi %add3A_597, %add3A_275 : vector<16xi32>
          %gather3A_599 = tpu.vector_load_idx %arg5[%add3A_598] : memref<25088xf32, #tpu.memory_space<vmem>>[vector<16xi32>], vector<16xf32>,
          %add3A_600 = arith.addf %add3A_576, %gather3A_599 : vector<16xf32>
          %eq3A_601 = arith.cmpi eq, %scan3A_268, %get3A_594 : vector<16xi32>
          %select_n3A_602 = arith.select %eq3A_601, %select_n3A, %broadcast_in_dim3A_8 : vector<16xi1>, vector<16xf32>
          %add3A_603 = arith.addf %add3A_579, %select_n3A_602 : vector<16xf32>
          %eq3A_604 = arith.cmpi eq, %scan3A_268, %get3A_590 : vector<16xi32>
          %select_n3A_605 = arith.select %eq3A_604, %broadcast_in_dim3A_6, %broadcast_in_dim3A_8 : vector<16xi1>, vector<16xf32>
          %add3A_606 = arith.addf %add3A_582, %select_n3A_605 : vector<16xf32>
          scf.yield %get3A_283, %get3A_302, %get3A_326, %get3A_350, %get3A_374, %get3A_398, %get3A_422, %get3A_446, %get3A_470, %get3A_494, %get3A_518, %get3A_542, %get3A_566, %get3A_590, %add3A_600, %add3A_603, %add3A_606 : vector<16xi32>, vector<16xi32>, vector<16xi32>, vector<16xi32>, vector<16xi32>, vector<16xi32>, vector<16xi32>, vector<16xi32>, vector<16xi32>, vector<16xi32>, vector<16xi32>, vector<16xi32>, vector<16xi32>, vector<16xi32>, vector<16xf32>, vector<16xf32>, vector<16xf32>
        }
        %scan3A_181 = arith.constant 28 : i32
        %swap3A_182 = arith.index_cast %add3A_136 : i32 to index
        %swap3A_183 = arith.constant 0 : index
        %swap3A_184 = tpu.vector_load %arg8[%swap3A_182, %swap3A_183] {strides = array<i32>} : memref<32x16xf32, #tpu.memory_space<vmem>>, vector<16xf32>,
        tpu.vector_store %arg8[%swap3A_182, %swap3A_183], %scan3A_180#14 {add = true, strides = array<i32>} : memref<32x16xf32, #tpu.memory_space<vmem>>, vector<16xf32>,
        %swap3A_185 = arith.index_cast %add3A_136 : i32 to index
        %swap3A_186 = arith.constant 0 : index
        %swap3A_187 = tpu.vector_load %arg9[%swap3A_185, %swap3A_186] {strides = array<i32>} : memref<32x16xf32, #tpu.memory_space<vmem>>, vector<16xf32>,
        tpu.vector_store %arg9[%swap3A_185, %swap3A_186], %scan3A_180#15 {add = true, strides = array<i32>} : memref<32x16xf32, #tpu.memory_space<vmem>>, vector<16xf32>,
        %swap3A_188 = arith.index_cast %add3A_136 : i32 to index
        %swap3A_189 = arith.constant 0 : index
        %swap3A_190 = tpu.vector_load %arg10[%swap3A_188, %swap3A_189] {strides = array<i32>} : memref<32x16xf32, #tpu.memory_space<vmem>>, vector<16xf32>,
        tpu.vector_store %arg10[%swap3A_188, %swap3A_189], %scan3A_180#16 {add = true, strides = array<i32>} : memref<32x16xf32, #tpu.memory_space<vmem>>, vector<16xf32>,
        %mul3A_191 = arith.constant 2 : i32
        %mul3A_192 = arith.muli %mul3A_191, %scan3A_131 : i32
        %add3A_193 = arith.constant 1 : i32
        %add3A_194 = arith.addi %mul3A_192, %add3A_193 : i32
        %dma_wait3A_195 = arith.constant 0 : i32
        %dma_wait3A_196 = tpu.memref_slice %arg7[%dma_wait3A_195] : memref<6496xi32, #tpu.memory_space<vmem>> -> memref<6496xi32, #tpu.memory_space<vmem>>
        %dma_wait3A_197 = arith.constant 0 : i32
        %dma_wait3A_198 = tpu.memref_slice %arg2[%dma_wait3A_197] : memref<51380224xi32, #tpu.memory_space<hbm>> -> memref<6496xi32, #tpu.memory_space<hbm>>
        %dma_wait3A_199 = arith.constant 0 : i32
        %dma_wait3A_200 = tpu.memref_slice %arg7[%dma_wait3A_199] : memref<6496xi32, #tpu.memory_space<vmem>> -> memref<6496xi32, #tpu.memory_space<vmem>>
        %dma_wait3A_201 = arith.constant 0 : i32
        %dma_wait3A_202 = tpu.memref_slice %arg2[%dma_wait3A_201] : memref<51380224xi32, #tpu.memory_space<hbm>> -> memref<6496xi32, #tpu.memory_space<hbm>>
        tpu.wait_dma2 semaphore(%arg12 : memref<!tpu.dma_semaphore, #tpu.memory_space<semaphore_mem>>) src(%dma_wait3A_202 : memref<6496xi32, #tpu.memory_space<hbm>>) dst(%dma_wait3A_200 : memref<6496xi32, #tpu.memory_space<vmem>>)
        %add3A_203 = arith.constant 1 : i32
        %add3A_204 = arith.addi %add3A_194, %add3A_203 : i32
        %lt3A_205 = arith.constant 32 : i32
        %lt3A_206 = arith.cmpi slt, %add3A_204, %lt3A_205 : i32
        %convert_element_type3A_207 = arith.extui %lt3A_206 : i1 to i32
        %cond3A_208 = arith.constant 0 : i32
        %cond3A_209 = arith.cmpi ne, %convert_element_type3A_207, %cond3A_208 : i32
        scf.if %cond3A_209 {
          %add3A_254 = arith.constant 1 : i32
          %add3A_255 = arith.addi %add3A_194, %add3A_254 : i32
          %add3A_256 = arith.addi %mul3A_2, %add3A_255 : i32
          %mul3A_257 = arith.constant 50176 : i32
          %mul3A_258 = arith.muli %add3A_256, %mul3A_257 : i32
          %mul3A_259 = arith.constant 224 : i32
          %mul3A_260 = arith.muli %mul3A_107, %mul3A_259 : i32
          %add3A_261 = arith.addi %mul3A_258, %mul3A_260 : i32
          %dma_start3A_262 = arith.constant 0 : i32
          %dma_start3A_263 = tpu.memref_slice %arg6[%dma_start3A_262] : memref<6496xi32, #tpu.memory_space<vmem>> -> memref<6496xi32, #tpu.memory_space<vmem>>
          %dma_start3A_264 = tpu.memref_slice %arg2[%add3A_261] : memref<51380224xi32, #tpu.memory_space<hbm>> -> memref<6496xi32, #tpu.memory_space<hbm>>
          %dma_start3A_265 = arith.constant 0 : i32
          %dma_start3A_266 = tpu.memref_slice %arg6[%dma_start3A_265] : memref<6496xi32, #tpu.memory_space<vmem>> -> memref<6496xi32, #tpu.memory_space<vmem>>
          %dma_start3A_267 = tpu.memref_slice %arg2[%add3A_261] : memref<51380224xi32, #tpu.memory_space<hbm>> -> memref<6496xi32, #tpu.memory_space<hbm>>
          tpu.enqueue_dma source(%dma_start3A_267 : memref<6496xi32, #tpu.memory_space<hbm>>) target(%dma_start3A_266 : memref<6496xi32, #tpu.memory_space<vmem>>) target_semaphore(%arg11 : memref<!tpu.dma_semaphore, #tpu.memory_space<semaphore_mem>>)
        } else {
        }
        %get3A_210 = arith.constant 0 : index
        %get3A_211 = tpu.vector_load %arg7[%get3A_210] {strides = array<i32>} : memref<6496xi32, #tpu.memory_space<vmem>>, vector<16xi32>,
        %get3A_212 = arith.constant 16 : index
        %get3A_213 = tpu.vector_load %arg7[%get3A_212] {strides = array<i32>} : memref<6496xi32, #tpu.memory_space<vmem>>, vector<16xi32>,
        %get3A_214 = arith.constant 32 : index
        %get3A_215 = tpu.vector_load %arg7[%get3A_214] {strides = array<i32>} : memref<6496xi32, #tpu.memory_space<vmem>>, vector<16xi32>,
        %get3A_216 = arith.constant 48 : index
        %get3A_217 = tpu.vector_load %arg7[%get3A_216] {strides = array<i32>} : memref<6496xi32, #tpu.memory_space<vmem>>, vector<16xi32>,
        %get3A_218 = arith.constant 64 : index
        %get3A_219 = tpu.vector_load %arg7[%get3A_218] {strides = array<i32>} : memref<6496xi32, #tpu.memory_space<vmem>>, vector<16xi32>,
        %get3A_220 = arith.constant 80 : index
        %get3A_221 = tpu.vector_load %arg7[%get3A_220] {strides = array<i32>} : memref<6496xi32, #tpu.memory_space<vmem>>, vector<16xi32>,
        %get3A_222 = arith.constant 96 : index
        %get3A_223 = tpu.vector_load %arg7[%get3A_222] {strides = array<i32>} : memref<6496xi32, #tpu.memory_space<vmem>>, vector<16xi32>,
        %get3A_224 = arith.constant 112 : index
        %get3A_225 = tpu.vector_load %arg7[%get3A_224] {strides = array<i32>} : memref<6496xi32, #tpu.memory_space<vmem>>, vector<16xi32>,
        %get3A_226 = arith.constant 128 : index
        %get3A_227 = tpu.vector_load %arg7[%get3A_226] {strides = array<i32>} : memref<6496xi32, #tpu.memory_space<vmem>>, vector<16xi32>,
        %get3A_228 = arith.constant 144 : index
        %get3A_229 = tpu.vector_load %arg7[%get3A_228] {strides = array<i32>} : memref<6496xi32, #tpu.memory_space<vmem>>, vector<16xi32>,
        %get3A_230 = arith.constant 160 : index
        %get3A_231 = tpu.vector_load %arg7[%get3A_230] {strides = array<i32>} : memref<6496xi32, #tpu.memory_space<vmem>>, vector<16xi32>,
        %get3A_232 = arith.constant 176 : index
        %get3A_233 = tpu.vector_load %arg7[%get3A_232] {strides = array<i32>} : memref<6496xi32, #tpu.memory_space<vmem>>, vector<16xi32>,
        %get3A_234 = arith.constant 192 : index
        %get3A_235 = tpu.vector_load %arg7[%get3A_234] {strides = array<i32>} : memref<6496xi32, #tpu.memory_space<vmem>>, vector<16xi32>,
        %get3A_236 = arith.constant 208 : index
        %get3A_237 = tpu.vector_load %arg7[%get3A_236] {strides = array<i32>} : memref<6496xi32, #tpu.memory_space<vmem>>, vector<16xi32>,
        %scan3A_238 = arith.constant 0 : i32
        %scan3A_239 = arith.constant 28 : i32
        %scan3A_240 = arith.addi %scan3A_238, %scan3A_239 : i32
        %scan3A_241 = arith.constant 1 : i32
        %scan3A_242:17 = scf.for %scan3A_254 = %scan3A_238 to %scan3A_240 step %scan3A_241 iter_args(%scan3A_255 = %get3A_211, %scan3A_256 = %get3A_213, %scan3A_257 = %get3A_215, %scan3A_258 = %get3A_217, %scan3A_259 = %get3A_219, %scan3A_260 = %get3A_221, %scan3A_261 = %get3A_223, %scan3A_262 = %get3A_225, %scan3A_263 = %get3A_227, %scan3A_264 = %get3A_229, %scan3A_265 = %get3A_231, %scan3A_266 = %get3A_233, %scan3A_267 = %get3A_235, %scan3A_268 = %get3A_237, %scan3A_269 = %broadcast_in_dim3A_8, %scan3A_270 = %broadcast_in_dim3A_8, %scan3A_271 = %broadcast_in_dim3A_8) -> (vector<16xi32>, vector<16xi32>, vector<16xi32>, vector<16xi32>, vector<16xi32>, vector<16xi32>, vector<16xi32>, vector<16xi32>, vector<16xi32>, vector<16xi32>, vector<16xi32>, vector<16xi32>, vector<16xi32>, vector<16xi32>, vector<16xf32>, vector<16xf32>, vector<16xf32>)  : i32 {
          %mul3A_272 = arith.constant 896 : i32
          %mul3A_273 = arith.muli %scan3A_254, %mul3A_272 : i32
          %add3A_274 = vector.broadcast %mul3A_273 : i32 to vector<16xi32>
          %add3A_275 = arith.addi %mul3A_5, %add3A_274 : vector<16xi32>
          %mul3A_276 = arith.constant 224 : i32
          %mul3A_277 = arith.muli %scan3A_254, %mul3A_276 : i32
          %add3A_278 = arith.constant 0 : i32
          %add3A_279 = arith.addi %mul3A_277, %add3A_278 : i32
          %add3A_280 = arith.constant 224 : i32
          %add3A_281 = arith.addi %add3A_279, %add3A_280 : i32
          %get3A_282 = arith.index_cast %add3A_281 : i32 to index
          %get3A_283 = tpu.vector_load %arg7[%get3A_282] {strides = array<i32>} : memref<6496xi32, #tpu.memory_space<vmem>>, vector<16xi32>,
          %add3A_284 = arith.constant 1 : i32
          %add3A_285 = arith.addi %add3A_279, %add3A_284 : i32
          %get3A_286 = arith.index_cast %add3A_285 : i32 to index
          %get3A_287 = tpu.vector_load %arg7[%get3A_286] {strides = array<i32>} : memref<6496xi32, #tpu.memory_space<vmem>>, vector<16xi32>,
          %add3A_288 = arith.addi %scan3A_255, %add3A_275 : vector<16xi32>
          %gather3A = tpu.vector_load_idx %arg5[%add3A_288] : memref<25088xf32, #tpu.memory_space<vmem>>[vector<16xi32>], vector<16xf32>,
          %add3A_289 = arith.addf %scan3A_269, %gather3A : vector<16xf32>
          %eq3A = arith.cmpi eq, %scan3A_255, %get3A_287 : vector<16xi32>
          %select_n3A_290 = arith.select %eq3A, %broadcast_in_dim3A_6, %broadcast_in_dim3A_8 : vector<16xi1>, vector<16xf32>
          %add3A_291 = arith.addf %scan3A_270, %select_n3A_290 : vector<16xf32>
          %eq3A_292 = arith.cmpi eq, %scan3A_255, %get3A_283 : vector<16xi32>
          %select_n3A_293 = arith.select %eq3A_292, %broadcast_in_dim3A_6, %broadcast_in_dim3A_8 : vector<16xi1>, vector<16xf32>
          %add3A_294 = arith.addf %scan3A_271, %select_n3A_293 : vector<16xf32>
          %mul3A_295 = arith.constant 224 : i32
          %mul3A_296 = arith.muli %scan3A_254, %mul3A_295 : i32
          %add3A_297 = arith.constant 16 : i32
          %add3A_298 = arith.addi %mul3A_296, %add3A_297 : i32
          %add3A_299 = arith.constant 224 : i32
          %add3A_300 = arith.addi %add3A_298, %add3A_299 : i32
          %get3A_301 = arith.index_cast %add3A_300 : i32 to index
          %get3A_302 = tpu.vector_load %arg7[%get3A_301] {strides = array<i32>} : memref<6496xi32, #tpu.memory_space<vmem>>, vector<16xi32>,
          %add3A_303 = arith.constant 1 : i32
          %add3A_304 = arith.addi %add3A_298, %add3A_303 : i32
          %get3A_305 = arith.index_cast %add3A_304 : i32 to index
          %get3A_306 = tpu.vector_load %arg7[%get3A_305] {strides = array<i32>} : memref<6496xi32, #tpu.memory_space<vmem>>, vector<16xi32>,
          %add3A_307 = arith.constant 64 : i32
          %add3A_308 = vector.broadcast %add3A_307 : i32 to vector<16xi32>
          %add3A_309 = arith.addi %scan3A_256, %add3A_308 : vector<16xi32>
          %add3A_310 = arith.addi %add3A_309, %add3A_275 : vector<16xi32>
          %gather3A_311 = tpu.vector_load_idx %arg5[%add3A_310] : memref<25088xf32, #tpu.memory_space<vmem>>[vector<16xi32>], vector<16xf32>,
          %add3A_312 = arith.addf %add3A_289, %gather3A_311 : vector<16xf32>
          %eq3A_313 = arith.cmpi eq, %scan3A_256, %get3A_306 : vector<16xi32>
          %select_n3A_314 = arith.select %eq3A_313, %broadcast_in_dim3A_6, %broadcast_in_dim3A_8 : vector<16xi1>, vector<16xf32>
          %add3A_315 = arith.addf %add3A_291, %select_n3A_314 : vector<16xf32>
          %eq3A_316 = arith.cmpi eq, %scan3A_256, %get3A_302 : vector<16xi32>
          %select_n3A_317 = arith.select %eq3A_316, %broadcast_in_dim3A_6, %broadcast_in_dim3A_8 : vector<16xi1>, vector<16xf32>
          %add3A_318 = arith.addf %add3A_294, %select_n3A_317 : vector<16xf32>
          %mul3A_319 = arith.constant 224 : i32
          %mul3A_320 = arith.muli %scan3A_254, %mul3A_319 : i32
          %add3A_321 = arith.constant 32 : i32
          %add3A_322 = arith.addi %mul3A_320, %add3A_321 : i32
          %add3A_323 = arith.constant 224 : i32
          %add3A_324 = arith.addi %add3A_322, %add3A_323 : i32
          %get3A_325 = arith.index_cast %add3A_324 : i32 to index
          %get3A_326 = tpu.vector_load %arg7[%get3A_325] {strides = array<i32>} : memref<6496xi32, #tpu.memory_space<vmem>>, vector<16xi32>,
          %add3A_327 = arith.constant 1 : i32
          %add3A_328 = arith.addi %add3A_322, %add3A_327 : i32
          %get3A_329 = arith.index_cast %add3A_328 : i32 to index
          %get3A_330 = tpu.vector_load %arg7[%get3A_329] {strides = array<i32>} : memref<6496xi32, #tpu.memory_space<vmem>>, vector<16xi32>,
          %add3A_331 = arith.constant 128 : i32
          %add3A_332 = vector.broadcast %add3A_331 : i32 to vector<16xi32>
          %add3A_333 = arith.addi %scan3A_257, %add3A_332 : vector<16xi32>
          %add3A_334 = arith.addi %add3A_333, %add3A_275 : vector<16xi32>
          %gather3A_335 = tpu.vector_load_idx %arg5[%add3A_334] : memref<25088xf32, #tpu.memory_space<vmem>>[vector<16xi32>], vector<16xf32>,
          %add3A_336 = arith.addf %add3A_312, %gather3A_335 : vector<16xf32>
          %eq3A_337 = arith.cmpi eq, %scan3A_257, %get3A_330 : vector<16xi32>
          %select_n3A_338 = arith.select %eq3A_337, %broadcast_in_dim3A_6, %broadcast_in_dim3A_8 : vector<16xi1>, vector<16xf32>
          %add3A_339 = arith.addf %add3A_315, %select_n3A_338 : vector<16xf32>
          %eq3A_340 = arith.cmpi eq, %scan3A_257, %get3A_326 : vector<16xi32>
          %select_n3A_341 = arith.select %eq3A_340, %broadcast_in_dim3A_6, %broadcast_in_dim3A_8 : vector<16xi1>, vector<16xf32>
          %add3A_342 = arith.addf %add3A_318, %select_n3A_341 : vector<16xf32>
          %mul3A_343 = arith.constant 224 : i32
          %mul3A_344 = arith.muli %scan3A_254, %mul3A_343 : i32
          %add3A_345 = arith.constant 48 : i32
          %add3A_346 = arith.addi %mul3A_344, %add3A_345 : i32
          %add3A_347 = arith.constant 224 : i32
          %add3A_348 = arith.addi %add3A_346, %add3A_347 : i32
          %get3A_349 = arith.index_cast %add3A_348 : i32 to index
          %get3A_350 = tpu.vector_load %arg7[%get3A_349] {strides = array<i32>} : memref<6496xi32, #tpu.memory_space<vmem>>, vector<16xi32>,
          %add3A_351 = arith.constant 1 : i32
          %add3A_352 = arith.addi %add3A_346, %add3A_351 : i32
          %get3A_353 = arith.index_cast %add3A_352 : i32 to index
          %get3A_354 = tpu.vector_load %arg7[%get3A_353] {strides = array<i32>} : memref<6496xi32, #tpu.memory_space<vmem>>, vector<16xi32>,
          %add3A_355 = arith.constant 192 : i32
          %add3A_356 = vector.broadcast %add3A_355 : i32 to vector<16xi32>
          %add3A_357 = arith.addi %scan3A_258, %add3A_356 : vector<16xi32>
          %add3A_358 = arith.addi %add3A_357, %add3A_275 : vector<16xi32>
          %gather3A_359 = tpu.vector_load_idx %arg5[%add3A_358] : memref<25088xf32, #tpu.memory_space<vmem>>[vector<16xi32>], vector<16xf32>,
          %add3A_360 = arith.addf %add3A_336, %gather3A_359 : vector<16xf32>
          %eq3A_361 = arith.cmpi eq, %scan3A_258, %get3A_354 : vector<16xi32>
          %select_n3A_362 = arith.select %eq3A_361, %broadcast_in_dim3A_6, %broadcast_in_dim3A_8 : vector<16xi1>, vector<16xf32>
          %add3A_363 = arith.addf %add3A_339, %select_n3A_362 : vector<16xf32>
          %eq3A_364 = arith.cmpi eq, %scan3A_258, %get3A_350 : vector<16xi32>
          %select_n3A_365 = arith.select %eq3A_364, %broadcast_in_dim3A_6, %broadcast_in_dim3A_8 : vector<16xi1>, vector<16xf32>
          %add3A_366 = arith.addf %add3A_342, %select_n3A_365 : vector<16xf32>
          %mul3A_367 = arith.constant 224 : i32
          %mul3A_368 = arith.muli %scan3A_254, %mul3A_367 : i32
          %add3A_369 = arith.constant 64 : i32
          %add3A_370 = arith.addi %mul3A_368, %add3A_369 : i32
          %add3A_371 = arith.constant 224 : i32
          %add3A_372 = arith.addi %add3A_370, %add3A_371 : i32
          %get3A_373 = arith.index_cast %add3A_372 : i32 to index
          %get3A_374 = tpu.vector_load %arg7[%get3A_373] {strides = array<i32>} : memref<6496xi32, #tpu.memory_space<vmem>>, vector<16xi32>,
          %add3A_375 = arith.constant 1 : i32
          %add3A_376 = arith.addi %add3A_370, %add3A_375 : i32
          %get3A_377 = arith.index_cast %add3A_376 : i32 to index
          %get3A_378 = tpu.vector_load %arg7[%get3A_377] {strides = array<i32>} : memref<6496xi32, #tpu.memory_space<vmem>>, vector<16xi32>,
          %add3A_379 = arith.constant 256 : i32
          %add3A_380 = vector.broadcast %add3A_379 : i32 to vector<16xi32>
          %add3A_381 = arith.addi %scan3A_259, %add3A_380 : vector<16xi32>
          %add3A_382 = arith.addi %add3A_381, %add3A_275 : vector<16xi32>
          %gather3A_383 = tpu.vector_load_idx %arg5[%add3A_382] : memref<25088xf32, #tpu.memory_space<vmem>>[vector<16xi32>], vector<16xf32>,
          %add3A_384 = arith.addf %add3A_360, %gather3A_383 : vector<16xf32>
          %eq3A_385 = arith.cmpi eq, %scan3A_259, %get3A_378 : vector<16xi32>
          %select_n3A_386 = arith.select %eq3A_385, %broadcast_in_dim3A_6, %broadcast_in_dim3A_8 : vector<16xi1>, vector<16xf32>
          %add3A_387 = arith.addf %add3A_363, %select_n3A_386 : vector<16xf32>
          %eq3A_388 = arith.cmpi eq, %scan3A_259, %get3A_374 : vector<16xi32>
          %select_n3A_389 = arith.select %eq3A_388, %broadcast_in_dim3A_6, %broadcast_in_dim3A_8 : vector<16xi1>, vector<16xf32>
          %add3A_390 = arith.addf %add3A_366, %select_n3A_389 : vector<16xf32>
          %mul3A_391 = arith.constant 224 : i32
          %mul3A_392 = arith.muli %scan3A_254, %mul3A_391 : i32
          %add3A_393 = arith.constant 80 : i32
          %add3A_394 = arith.addi %mul3A_392, %add3A_393 : i32
          %add3A_395 = arith.constant 224 : i32
          %add3A_396 = arith.addi %add3A_394, %add3A_395 : i32
          %get3A_397 = arith.index_cast %add3A_396 : i32 to index
          %get3A_398 = tpu.vector_load %arg7[%get3A_397] {strides = array<i32>} : memref<6496xi32, #tpu.memory_space<vmem>>, vector<16xi32>,
          %add3A_399 = arith.constant 1 : i32
          %add3A_400 = arith.addi %add3A_394, %add3A_399 : i32
          %get3A_401 = arith.index_cast %add3A_400 : i32 to index
          %get3A_402 = tpu.vector_load %arg7[%get3A_401] {strides = array<i32>} : memref<6496xi32, #tpu.memory_space<vmem>>, vector<16xi32>,
          %add3A_403 = arith.constant 320 : i32
          %add3A_404 = vector.broadcast %add3A_403 : i32 to vector<16xi32>
          %add3A_405 = arith.addi %scan3A_260, %add3A_404 : vector<16xi32>
          %add3A_406 = arith.addi %add3A_405, %add3A_275 : vector<16xi32>
          %gather3A_407 = tpu.vector_load_idx %arg5[%add3A_406] : memref<25088xf32, #tpu.memory_space<vmem>>[vector<16xi32>], vector<16xf32>,
          %add3A_408 = arith.addf %add3A_384, %gather3A_407 : vector<16xf32>
          %eq3A_409 = arith.cmpi eq, %scan3A_260, %get3A_402 : vector<16xi32>
          %select_n3A_410 = arith.select %eq3A_409, %broadcast_in_dim3A_6, %broadcast_in_dim3A_8 : vector<16xi1>, vector<16xf32>
          %add3A_411 = arith.addf %add3A_387, %select_n3A_410 : vector<16xf32>
          %eq3A_412 = arith.cmpi eq, %scan3A_260, %get3A_398 : vector<16xi32>
          %select_n3A_413 = arith.select %eq3A_412, %broadcast_in_dim3A_6, %broadcast_in_dim3A_8 : vector<16xi1>, vector<16xf32>
          %add3A_414 = arith.addf %add3A_390, %select_n3A_413 : vector<16xf32>
          %mul3A_415 = arith.constant 224 : i32
          %mul3A_416 = arith.muli %scan3A_254, %mul3A_415 : i32
          %add3A_417 = arith.constant 96 : i32
          %add3A_418 = arith.addi %mul3A_416, %add3A_417 : i32
          %add3A_419 = arith.constant 224 : i32
          %add3A_420 = arith.addi %add3A_418, %add3A_419 : i32
          %get3A_421 = arith.index_cast %add3A_420 : i32 to index
          %get3A_422 = tpu.vector_load %arg7[%get3A_421] {strides = array<i32>} : memref<6496xi32, #tpu.memory_space<vmem>>, vector<16xi32>,
          %add3A_423 = arith.constant 1 : i32
          %add3A_424 = arith.addi %add3A_418, %add3A_423 : i32
          %get3A_425 = arith.index_cast %add3A_424 : i32 to index
          %get3A_426 = tpu.vector_load %arg7[%get3A_425] {strides = array<i32>} : memref<6496xi32, #tpu.memory_space<vmem>>, vector<16xi32>,
          %add3A_427 = arith.constant 384 : i32
          %add3A_428 = vector.broadcast %add3A_427 : i32 to vector<16xi32>
          %add3A_429 = arith.addi %scan3A_261, %add3A_428 : vector<16xi32>
          %add3A_430 = arith.addi %add3A_429, %add3A_275 : vector<16xi32>
          %gather3A_431 = tpu.vector_load_idx %arg5[%add3A_430] : memref<25088xf32, #tpu.memory_space<vmem>>[vector<16xi32>], vector<16xf32>,
          %add3A_432 = arith.addf %add3A_408, %gather3A_431 : vector<16xf32>
          %eq3A_433 = arith.cmpi eq, %scan3A_261, %get3A_426 : vector<16xi32>
          %select_n3A_434 = arith.select %eq3A_433, %broadcast_in_dim3A_6, %broadcast_in_dim3A_8 : vector<16xi1>, vector<16xf32>
          %add3A_435 = arith.addf %add3A_411, %select_n3A_434 : vector<16xf32>
          %eq3A_436 = arith.cmpi eq, %scan3A_261, %get3A_422 : vector<16xi32>
          %select_n3A_437 = arith.select %eq3A_436, %broadcast_in_dim3A_6, %broadcast_in_dim3A_8 : vector<16xi1>, vector<16xf32>
          %add3A_438 = arith.addf %add3A_414, %select_n3A_437 : vector<16xf32>
          %mul3A_439 = arith.constant 224 : i32
          %mul3A_440 = arith.muli %scan3A_254, %mul3A_439 : i32
          %add3A_441 = arith.constant 112 : i32
          %add3A_442 = arith.addi %mul3A_440, %add3A_441 : i32
          %add3A_443 = arith.constant 224 : i32
          %add3A_444 = arith.addi %add3A_442, %add3A_443 : i32
          %get3A_445 = arith.index_cast %add3A_444 : i32 to index
          %get3A_446 = tpu.vector_load %arg7[%get3A_445] {strides = array<i32>} : memref<6496xi32, #tpu.memory_space<vmem>>, vector<16xi32>,
          %add3A_447 = arith.constant 1 : i32
          %add3A_448 = arith.addi %add3A_442, %add3A_447 : i32
          %get3A_449 = arith.index_cast %add3A_448 : i32 to index
          %get3A_450 = tpu.vector_load %arg7[%get3A_449] {strides = array<i32>} : memref<6496xi32, #tpu.memory_space<vmem>>, vector<16xi32>,
          %add3A_451 = arith.constant 448 : i32
          %add3A_452 = vector.broadcast %add3A_451 : i32 to vector<16xi32>
          %add3A_453 = arith.addi %scan3A_262, %add3A_452 : vector<16xi32>
          %add3A_454 = arith.addi %add3A_453, %add3A_275 : vector<16xi32>
          %gather3A_455 = tpu.vector_load_idx %arg5[%add3A_454] : memref<25088xf32, #tpu.memory_space<vmem>>[vector<16xi32>], vector<16xf32>,
          %add3A_456 = arith.addf %add3A_432, %gather3A_455 : vector<16xf32>
          %eq3A_457 = arith.cmpi eq, %scan3A_262, %get3A_450 : vector<16xi32>
          %select_n3A_458 = arith.select %eq3A_457, %broadcast_in_dim3A_6, %broadcast_in_dim3A_8 : vector<16xi1>, vector<16xf32>
          %add3A_459 = arith.addf %add3A_435, %select_n3A_458 : vector<16xf32>
          %eq3A_460 = arith.cmpi eq, %scan3A_262, %get3A_446 : vector<16xi32>
          %select_n3A_461 = arith.select %eq3A_460, %broadcast_in_dim3A_6, %broadcast_in_dim3A_8 : vector<16xi1>, vector<16xf32>
          %add3A_462 = arith.addf %add3A_438, %select_n3A_461 : vector<16xf32>
          %mul3A_463 = arith.constant 224 : i32
          %mul3A_464 = arith.muli %scan3A_254, %mul3A_463 : i32
          %add3A_465 = arith.constant 128 : i32
          %add3A_466 = arith.addi %mul3A_464, %add3A_465 : i32
          %add3A_467 = arith.constant 224 : i32
          %add3A_468 = arith.addi %add3A_466, %add3A_467 : i32
          %get3A_469 = arith.index_cast %add3A_468 : i32 to index
          %get3A_470 = tpu.vector_load %arg7[%get3A_469] {strides = array<i32>} : memref<6496xi32, #tpu.memory_space<vmem>>, vector<16xi32>,
          %add3A_471 = arith.constant 1 : i32
          %add3A_472 = arith.addi %add3A_466, %add3A_471 : i32
          %get3A_473 = arith.index_cast %add3A_472 : i32 to index
          %get3A_474 = tpu.vector_load %arg7[%get3A_473] {strides = array<i32>} : memref<6496xi32, #tpu.memory_space<vmem>>, vector<16xi32>,
          %add3A_475 = arith.constant 512 : i32
          %add3A_476 = vector.broadcast %add3A_475 : i32 to vector<16xi32>
          %add3A_477 = arith.addi %scan3A_263, %add3A_476 : vector<16xi32>
          %add3A_478 = arith.addi %add3A_477, %add3A_275 : vector<16xi32>
          %gather3A_479 = tpu.vector_load_idx %arg5[%add3A_478] : memref<25088xf32, #tpu.memory_space<vmem>>[vector<16xi32>], vector<16xf32>,
          %add3A_480 = arith.addf %add3A_456, %gather3A_479 : vector<16xf32>
          %eq3A_481 = arith.cmpi eq, %scan3A_263, %get3A_474 : vector<16xi32>
          %select_n3A_482 = arith.select %eq3A_481, %broadcast_in_dim3A_6, %broadcast_in_dim3A_8 : vector<16xi1>, vector<16xf32>
          %add3A_483 = arith.addf %add3A_459, %select_n3A_482 : vector<16xf32>
          %eq3A_484 = arith.cmpi eq, %scan3A_263, %get3A_470 : vector<16xi32>
          %select_n3A_485 = arith.select %eq3A_484, %broadcast_in_dim3A_6, %broadcast_in_dim3A_8 : vector<16xi1>, vector<16xf32>
          %add3A_486 = arith.addf %add3A_462, %select_n3A_485 : vector<16xf32>
          %mul3A_487 = arith.constant 224 : i32
          %mul3A_488 = arith.muli %scan3A_254, %mul3A_487 : i32
          %add3A_489 = arith.constant 144 : i32
          %add3A_490 = arith.addi %mul3A_488, %add3A_489 : i32
          %add3A_491 = arith.constant 224 : i32
          %add3A_492 = arith.addi %add3A_490, %add3A_491 : i32
          %get3A_493 = arith.index_cast %add3A_492 : i32 to index
          %get3A_494 = tpu.vector_load %arg7[%get3A_493] {strides = array<i32>} : memref<6496xi32, #tpu.memory_space<vmem>>, vector<16xi32>,
          %add3A_495 = arith.constant 1 : i32
          %add3A_496 = arith.addi %add3A_490, %add3A_495 : i32
          %get3A_497 = arith.index_cast %add3A_496 : i32 to index
          %get3A_498 = tpu.vector_load %arg7[%get3A_497] {strides = array<i32>} : memref<6496xi32, #tpu.memory_space<vmem>>, vector<16xi32>,
          %add3A_499 = arith.constant 576 : i32
          %add3A_500 = vector.broadcast %add3A_499 : i32 to vector<16xi32>
          %add3A_501 = arith.addi %scan3A_264, %add3A_500 : vector<16xi32>
          %add3A_502 = arith.addi %add3A_501, %add3A_275 : vector<16xi32>
          %gather3A_503 = tpu.vector_load_idx %arg5[%add3A_502] : memref<25088xf32, #tpu.memory_space<vmem>>[vector<16xi32>], vector<16xf32>,
          %add3A_504 = arith.addf %add3A_480, %gather3A_503 : vector<16xf32>
          %eq3A_505 = arith.cmpi eq, %scan3A_264, %get3A_498 : vector<16xi32>
          %select_n3A_506 = arith.select %eq3A_505, %broadcast_in_dim3A_6, %broadcast_in_dim3A_8 : vector<16xi1>, vector<16xf32>
          %add3A_507 = arith.addf %add3A_483, %select_n3A_506 : vector<16xf32>
          %eq3A_508 = arith.cmpi eq, %scan3A_264, %get3A_494 : vector<16xi32>
          %select_n3A_509 = arith.select %eq3A_508, %broadcast_in_dim3A_6, %broadcast_in_dim3A_8 : vector<16xi1>, vector<16xf32>
          %add3A_510 = arith.addf %add3A_486, %select_n3A_509 : vector<16xf32>
          %mul3A_511 = arith.constant 224 : i32
          %mul3A_512 = arith.muli %scan3A_254, %mul3A_511 : i32
          %add3A_513 = arith.constant 160 : i32
          %add3A_514 = arith.addi %mul3A_512, %add3A_513 : i32
          %add3A_515 = arith.constant 224 : i32
          %add3A_516 = arith.addi %add3A_514, %add3A_515 : i32
          %get3A_517 = arith.index_cast %add3A_516 : i32 to index
          %get3A_518 = tpu.vector_load %arg7[%get3A_517] {strides = array<i32>} : memref<6496xi32, #tpu.memory_space<vmem>>, vector<16xi32>,
          %add3A_519 = arith.constant 1 : i32
          %add3A_520 = arith.addi %add3A_514, %add3A_519 : i32
          %get3A_521 = arith.index_cast %add3A_520 : i32 to index
          %get3A_522 = tpu.vector_load %arg7[%get3A_521] {strides = array<i32>} : memref<6496xi32, #tpu.memory_space<vmem>>, vector<16xi32>,
          %add3A_523 = arith.constant 640 : i32
          %add3A_524 = vector.broadcast %add3A_523 : i32 to vector<16xi32>
          %add3A_525 = arith.addi %scan3A_265, %add3A_524 : vector<16xi32>
          %add3A_526 = arith.addi %add3A_525, %add3A_275 : vector<16xi32>
          %gather3A_527 = tpu.vector_load_idx %arg5[%add3A_526] : memref<25088xf32, #tpu.memory_space<vmem>>[vector<16xi32>], vector<16xf32>,
          %add3A_528 = arith.addf %add3A_504, %gather3A_527 : vector<16xf32>
          %eq3A_529 = arith.cmpi eq, %scan3A_265, %get3A_522 : vector<16xi32>
          %select_n3A_530 = arith.select %eq3A_529, %broadcast_in_dim3A_6, %broadcast_in_dim3A_8 : vector<16xi1>, vector<16xf32>
          %add3A_531 = arith.addf %add3A_507, %select_n3A_530 : vector<16xf32>
          %eq3A_532 = arith.cmpi eq, %scan3A_265, %get3A_518 : vector<16xi32>
          %select_n3A_533 = arith.select %eq3A_532, %broadcast_in_dim3A_6, %broadcast_in_dim3A_8 : vector<16xi1>, vector<16xf32>
          %add3A_534 = arith.addf %add3A_510, %select_n3A_533 : vector<16xf32>
          %mul3A_535 = arith.constant 224 : i32
          %mul3A_536 = arith.muli %scan3A_254, %mul3A_535 : i32
          %add3A_537 = arith.constant 176 : i32
          %add3A_538 = arith.addi %mul3A_536, %add3A_537 : i32
          %add3A_539 = arith.constant 224 : i32
          %add3A_540 = arith.addi %add3A_538, %add3A_539 : i32
          %get3A_541 = arith.index_cast %add3A_540 : i32 to index
          %get3A_542 = tpu.vector_load %arg7[%get3A_541] {strides = array<i32>} : memref<6496xi32, #tpu.memory_space<vmem>>, vector<16xi32>,
          %add3A_543 = arith.constant 1 : i32
          %add3A_544 = arith.addi %add3A_538, %add3A_543 : i32
          %get3A_545 = arith.index_cast %add3A_544 : i32 to index
          %get3A_546 = tpu.vector_load %arg7[%get3A_545] {strides = array<i32>} : memref<6496xi32, #tpu.memory_space<vmem>>, vector<16xi32>,
          %add3A_547 = arith.constant 704 : i32
          %add3A_548 = vector.broadcast %add3A_547 : i32 to vector<16xi32>
          %add3A_549 = arith.addi %scan3A_266, %add3A_548 : vector<16xi32>
          %add3A_550 = arith.addi %add3A_549, %add3A_275 : vector<16xi32>
          %gather3A_551 = tpu.vector_load_idx %arg5[%add3A_550] : memref<25088xf32, #tpu.memory_space<vmem>>[vector<16xi32>], vector<16xf32>,
          %add3A_552 = arith.addf %add3A_528, %gather3A_551 : vector<16xf32>
          %eq3A_553 = arith.cmpi eq, %scan3A_266, %get3A_546 : vector<16xi32>
          %select_n3A_554 = arith.select %eq3A_553, %broadcast_in_dim3A_6, %broadcast_in_dim3A_8 : vector<16xi1>, vector<16xf32>
          %add3A_555 = arith.addf %add3A_531, %select_n3A_554 : vector<16xf32>
          %eq3A_556 = arith.cmpi eq, %scan3A_266, %get3A_542 : vector<16xi32>
          %select_n3A_557 = arith.select %eq3A_556, %broadcast_in_dim3A_6, %broadcast_in_dim3A_8 : vector<16xi1>, vector<16xf32>
          %add3A_558 = arith.addf %add3A_534, %select_n3A_557 : vector<16xf32>
          %mul3A_559 = arith.constant 224 : i32
          %mul3A_560 = arith.muli %scan3A_254, %mul3A_559 : i32
          %add3A_561 = arith.constant 192 : i32
          %add3A_562 = arith.addi %mul3A_560, %add3A_561 : i32
          %add3A_563 = arith.constant 224 : i32
          %add3A_564 = arith.addi %add3A_562, %add3A_563 : i32
          %get3A_565 = arith.index_cast %add3A_564 : i32 to index
          %get3A_566 = tpu.vector_load %arg7[%get3A_565] {strides = array<i32>} : memref<6496xi32, #tpu.memory_space<vmem>>, vector<16xi32>,
          %add3A_567 = arith.constant 1 : i32
          %add3A_568 = arith.addi %add3A_562, %add3A_567 : i32
          %get3A_569 = arith.index_cast %add3A_568 : i32 to index
          %get3A_570 = tpu.vector_load %arg7[%get3A_569] {strides = array<i32>} : memref<6496xi32, #tpu.memory_space<vmem>>, vector<16xi32>,
          %add3A_571 = arith.constant 768 : i32
          %add3A_572 = vector.broadcast %add3A_571 : i32 to vector<16xi32>
          %add3A_573 = arith.addi %scan3A_267, %add3A_572 : vector<16xi32>
          %add3A_574 = arith.addi %add3A_573, %add3A_275 : vector<16xi32>
          %gather3A_575 = tpu.vector_load_idx %arg5[%add3A_574] : memref<25088xf32, #tpu.memory_space<vmem>>[vector<16xi32>], vector<16xf32>,
          %add3A_576 = arith.addf %add3A_552, %gather3A_575 : vector<16xf32>
          %eq3A_577 = arith.cmpi eq, %scan3A_267, %get3A_570 : vector<16xi32>
          %select_n3A_578 = arith.select %eq3A_577, %broadcast_in_dim3A_6, %broadcast_in_dim3A_8 : vector<16xi1>, vector<16xf32>
          %add3A_579 = arith.addf %add3A_555, %select_n3A_578 : vector<16xf32>
          %eq3A_580 = arith.cmpi eq, %scan3A_267, %get3A_566 : vector<16xi32>
          %select_n3A_581 = arith.select %eq3A_580, %broadcast_in_dim3A_6, %broadcast_in_dim3A_8 : vector<16xi1>, vector<16xf32>
          %add3A_582 = arith.addf %add3A_558, %select_n3A_581 : vector<16xf32>
          %mul3A_583 = arith.constant 224 : i32
          %mul3A_584 = arith.muli %scan3A_254, %mul3A_583 : i32
          %add3A_585 = arith.constant 208 : i32
          %add3A_586 = arith.addi %mul3A_584, %add3A_585 : i32
          %add3A_587 = arith.constant 224 : i32
          %add3A_588 = arith.addi %add3A_586, %add3A_587 : i32
          %get3A_589 = arith.index_cast %add3A_588 : i32 to index
          %get3A_590 = tpu.vector_load %arg7[%get3A_589] {strides = array<i32>} : memref<6496xi32, #tpu.memory_space<vmem>>, vector<16xi32>,
          %add3A_591 = arith.constant 1 : i32
          %add3A_592 = arith.addi %add3A_586, %add3A_591 : i32
          %get3A_593 = arith.index_cast %add3A_592 : i32 to index
          %get3A_594 = tpu.vector_load %arg7[%get3A_593] {strides = array<i32>} : memref<6496xi32, #tpu.memory_space<vmem>>, vector<16xi32>,
          %add3A_595 = arith.constant 832 : i32
          %add3A_596 = vector.broadcast %add3A_595 : i32 to vector<16xi32>
          %add3A_597 = arith.addi %scan3A_268, %add3A_596 : vector<16xi32>
          %add3A_598 = arith.addi %add3A_597, %add3A_275 : vector<16xi32>
          %gather3A_599 = tpu.vector_load_idx %arg5[%add3A_598] : memref<25088xf32, #tpu.memory_space<vmem>>[vector<16xi32>], vector<16xf32>,
          %add3A_600 = arith.addf %add3A_576, %gather3A_599 : vector<16xf32>
          %eq3A_601 = arith.cmpi eq, %scan3A_268, %get3A_594 : vector<16xi32>
          %select_n3A_602 = arith.select %eq3A_601, %select_n3A, %broadcast_in_dim3A_8 : vector<16xi1>, vector<16xf32>
          %add3A_603 = arith.addf %add3A_579, %select_n3A_602 : vector<16xf32>
          %eq3A_604 = arith.cmpi eq, %scan3A_268, %get3A_590 : vector<16xi32>
          %select_n3A_605 = arith.select %eq3A_604, %broadcast_in_dim3A_6, %broadcast_in_dim3A_8 : vector<16xi1>, vector<16xf32>
          %add3A_606 = arith.addf %add3A_582, %select_n3A_605 : vector<16xf32>
          scf.yield %get3A_283, %get3A_302, %get3A_326, %get3A_350, %get3A_374, %get3A_398, %get3A_422, %get3A_446, %get3A_470, %get3A_494, %get3A_518, %get3A_542, %get3A_566, %get3A_590, %add3A_600, %add3A_603, %add3A_606 : vector<16xi32>, vector<16xi32>, vector<16xi32>, vector<16xi32>, vector<16xi32>, vector<16xi32>, vector<16xi32>, vector<16xi32>, vector<16xi32>, vector<16xi32>, vector<16xi32>, vector<16xi32>, vector<16xi32>, vector<16xi32>, vector<16xf32>, vector<16xf32>, vector<16xf32>
        }
        %scan3A_243 = arith.constant 28 : i32
        %swap3A_244 = arith.index_cast %add3A_194 : i32 to index
        %swap3A_245 = arith.constant 0 : index
        %swap3A_246 = tpu.vector_load %arg8[%swap3A_244, %swap3A_245] {strides = array<i32>} : memref<32x16xf32, #tpu.memory_space<vmem>>, vector<16xf32>,
        tpu.vector_store %arg8[%swap3A_244, %swap3A_245], %scan3A_242#14 {add = true, strides = array<i32>} : memref<32x16xf32, #tpu.memory_space<vmem>>, vector<16xf32>,
        %swap3A_247 = arith.index_cast %add3A_194 : i32 to index
        %swap3A_248 = arith.constant 0 : index
        %swap3A_249 = tpu.vector_load %arg9[%swap3A_247, %swap3A_248] {strides = array<i32>} : memref<32x16xf32, #tpu.memory_space<vmem>>, vector<16xf32>,
        tpu.vector_store %arg9[%swap3A_247, %swap3A_248], %scan3A_242#15 {add = true, strides = array<i32>} : memref<32x16xf32, #tpu.memory_space<vmem>>, vector<16xf32>,
        %swap3A_250 = arith.index_cast %add3A_194 : i32 to index
        %swap3A_251 = arith.constant 0 : index
        %swap3A_252 = tpu.vector_load %arg10[%swap3A_250, %swap3A_251] {strides = array<i32>} : memref<32x16xf32, #tpu.memory_space<vmem>>, vector<16xf32>,
        tpu.vector_store %arg10[%swap3A_250, %swap3A_251], %scan3A_242#16 {add = true, strides = array<i32>} : memref<32x16xf32, #tpu.memory_space<vmem>>, vector<16xf32>,
        %scan3A_253 = arith.constant 0 : i32
        scf.yield %scan3A_253 : i32
      }
      %scan3A_129 = arith.constant 16 : i32
      %scan3A_130 = arith.constant 0 : i32
      scf.yield %scan3A_130 : i32
    }
    %scan3A_26 = arith.constant 7 : i32
    %broadcast_in_dim3A_27 = arith.constant -1 : i32
    %broadcast_in_dim3A_28 = vector.broadcast %broadcast_in_dim3A_27 : i32 to vector<16xi32>
    %swap3A = arith.constant 6272 : index
    %swap3A_29 = tpu.vector_load %arg6[%swap3A] {strides = array<i32>} : memref<6496xi32, #tpu.memory_space<vmem>>, vector<16xi32>,
    tpu.vector_store %arg6[%swap3A], %broadcast_in_dim3A_28 {strides = array<i32>} : memref<6496xi32, #tpu.memory_space<vmem>>, vector<16xi32>,
    %swap3A_30 = arith.constant 6272 : index
    %swap3A_31 = tpu.vector_load %arg7[%swap3A_30] {strides = array<i32>} : memref<6496xi32, #tpu.memory_space<vmem>>, vector<16xi32>,
    tpu.vector_store %arg7[%swap3A_30], %broadcast_in_dim3A_28 {strides = array<i32>} : memref<6496xi32, #tpu.memory_space<vmem>>, vector<16xi32>,
    %swap3A_32 = arith.constant 6288 : index
    %swap3A_33 = tpu.vector_load %arg6[%swap3A_32] {strides = array<i32>} : memref<6496xi32, #tpu.memory_space<vmem>>, vector<16xi32>,
    tpu.vector_store %arg6[%swap3A_32], %broadcast_in_dim3A_28 {strides = array<i32>} : memref<6496xi32, #tpu.memory_space<vmem>>, vector<16xi32>,
    %swap3A_34 = arith.constant 6288 : index
    %swap3A_35 = tpu.vector_load %arg7[%swap3A_34] {strides = array<i32>} : memref<6496xi32, #tpu.memory_space<vmem>>, vector<16xi32>,
    tpu.vector_store %arg7[%swap3A_34], %broadcast_in_dim3A_28 {strides = array<i32>} : memref<6496xi32, #tpu.memory_space<vmem>>, vector<16xi32>,
    %swap3A_36 = arith.constant 6304 : index
    %swap3A_37 = tpu.vector_load %arg6[%swap3A_36] {strides = array<i32>} : memref<6496xi32, #tpu.memory_space<vmem>>, vector<16xi32>,
    tpu.vector_store %arg6[%swap3A_36], %broadcast_in_dim3A_28 {strides = array<i32>} : memref<6496xi32, #tpu.memory_space<vmem>>, vector<16xi32>,
    %swap3A_38 = arith.constant 6304 : index
    %swap3A_39 = tpu.vector_load %arg7[%swap3A_38] {strides = array<i32>} : memref<6496xi32, #tpu.memory_space<vmem>>, vector<16xi32>,
    tpu.vector_store %arg7[%swap3A_38], %broadcast_in_dim3A_28 {strides = array<i32>} : memref<6496xi32, #tpu.memory_space<vmem>>, vector<16xi32>,
    %swap3A_40 = arith.constant 6320 : index
    %swap3A_41 = tpu.vector_load %arg6[%swap3A_40] {strides = array<i32>} : memref<6496xi32, #tpu.memory_space<vmem>>, vector<16xi32>,
    tpu.vector_store %arg6[%swap3A_40], %broadcast_in_dim3A_28 {strides = array<i32>} : memref<6496xi32, #tpu.memory_space<vmem>>, vector<16xi32>,
    %swap3A_42 = arith.constant 6320 : index
    %swap3A_43 = tpu.vector_load %arg7[%swap3A_42] {strides = array<i32>} : memref<6496xi32, #tpu.memory_space<vmem>>, vector<16xi32>,
    tpu.vector_store %arg7[%swap3A_42], %broadcast_in_dim3A_28 {strides = array<i32>} : memref<6496xi32, #tpu.memory_space<vmem>>, vector<16xi32>,
    %swap3A_44 = arith.constant 6336 : index
    %swap3A_45 = tpu.vector_load %arg6[%swap3A_44] {strides = array<i32>} : memref<6496xi32, #tpu.memory_space<vmem>>, vector<16xi32>,
    tpu.vector_store %arg6[%swap3A_44], %broadcast_in_dim3A_28 {strides = array<i32>} : memref<6496xi32, #tpu.memory_space<vmem>>, vector<16xi32>,
    %swap3A_46 = arith.constant 6336 : index
    %swap3A_47 = tpu.vector_load %arg7[%swap3A_46] {strides = array<i32>} : memref<6496xi32, #tpu.memory_space<vmem>>, vector<16xi32>,
    tpu.vector_store %arg7[%swap3A_46], %broadcast_in_dim3A_28 {strides = array<i32>} : memref<6496xi32, #tpu.memory_space<vmem>>, vector<16xi32>,
    %swap3A_48 = arith.constant 6352 : index
    %swap3A_49 = tpu.vector_load %arg6[%swap3A_48] {strides = array<i32>} : memref<6496xi32, #tpu.memory_space<vmem>>, vector<16xi32>,
    tpu.vector_store %arg6[%swap3A_48], %broadcast_in_dim3A_28 {strides = array<i32>} : memref<6496xi32, #tpu.memory_space<vmem>>, vector<16xi32>,
    %swap3A_50 = arith.constant 6352 : index
    %swap3A_51 = tpu.vector_load %arg7[%swap3A_50] {strides = array<i32>} : memref<6496xi32, #tpu.memory_space<vmem>>, vector<16xi32>,
    tpu.vector_store %arg7[%swap3A_50], %broadcast_in_dim3A_28 {strides = array<i32>} : memref<6496xi32, #tpu.memory_space<vmem>>, vector<16xi32>,
    %swap3A_52 = arith.constant 6368 : index
    %swap3A_53 = tpu.vector_load %arg6[%swap3A_52] {strides = array<i32>} : memref<6496xi32, #tpu.memory_space<vmem>>, vector<16xi32>,
    tpu.vector_store %arg6[%swap3A_52], %broadcast_in_dim3A_28 {strides = array<i32>} : memref<6496xi32, #tpu.memory_space<vmem>>, vector<16xi32>,
    %swap3A_54 = arith.constant 6368 : index
    %swap3A_55 = tpu.vector_load %arg7[%swap3A_54] {strides = array<i32>} : memref<6496xi32, #tpu.memory_space<vmem>>, vector<16xi32>,
    tpu.vector_store %arg7[%swap3A_54], %broadcast_in_dim3A_28 {strides = array<i32>} : memref<6496xi32, #tpu.memory_space<vmem>>, vector<16xi32>,
    %swap3A_56 = arith.constant 6384 : index
    %swap3A_57 = tpu.vector_load %arg6[%swap3A_56] {strides = array<i32>} : memref<6496xi32, #tpu.memory_space<vmem>>, vector<16xi32>,
    tpu.vector_store %arg6[%swap3A_56], %broadcast_in_dim3A_28 {strides = array<i32>} : memref<6496xi32, #tpu.memory_space<vmem>>, vector<16xi32>,
    %swap3A_58 = arith.constant 6384 : index
    %swap3A_59 = tpu.vector_load %arg7[%swap3A_58] {strides = array<i32>} : memref<6496xi32, #tpu.memory_space<vmem>>, vector<16xi32>,
    tpu.vector_store %arg7[%swap3A_58], %broadcast_in_dim3A_28 {strides = array<i32>} : memref<6496xi32, #tpu.memory_space<vmem>>, vector<16xi32>,
    %swap3A_60 = arith.constant 6400 : index
    %swap3A_61 = tpu.vector_load %arg6[%swap3A_60] {strides = array<i32>} : memref<6496xi32, #tpu.memory_space<vmem>>, vector<16xi32>,
    tpu.vector_store %arg6[%swap3A_60], %broadcast_in_dim3A_28 {strides = array<i32>} : memref<6496xi32, #tpu.memory_space<vmem>>, vector<16xi32>,
    %swap3A_62 = arith.constant 6400 : index
    %swap3A_63 = tpu.vector_load %arg7[%swap3A_62] {strides = array<i32>} : memref<6496xi32, #tpu.memory_space<vmem>>, vector<16xi32>,
    tpu.vector_store %arg7[%swap3A_62], %broadcast_in_dim3A_28 {strides = array<i32>} : memref<6496xi32, #tpu.memory_space<vmem>>, vector<16xi32>,
    %swap3A_64 = arith.constant 6416 : index
    %swap3A_65 = tpu.vector_load %arg6[%swap3A_64] {strides = array<i32>} : memref<6496xi32, #tpu.memory_space<vmem>>, vector<16xi32>,
    tpu.vector_store %arg6[%swap3A_64], %broadcast_in_dim3A_28 {strides = array<i32>} : memref<6496xi32, #tpu.memory_space<vmem>>, vector<16xi32>,
    %swap3A_66 = arith.constant 6416 : index
    %swap3A_67 = tpu.vector_load %arg7[%swap3A_66] {strides = array<i32>} : memref<6496xi32, #tpu.memory_space<vmem>>, vector<16xi32>,
    tpu.vector_store %arg7[%swap3A_66], %broadcast_in_dim3A_28 {strides = array<i32>} : memref<6496xi32, #tpu.memory_space<vmem>>, vector<16xi32>,
    %swap3A_68 = arith.constant 6432 : index
    %swap3A_69 = tpu.vector_load %arg6[%swap3A_68] {strides = array<i32>} : memref<6496xi32, #tpu.memory_space<vmem>>, vector<16xi32>,
    tpu.vector_store %arg6[%swap3A_68], %broadcast_in_dim3A_28 {strides = array<i32>} : memref<6496xi32, #tpu.memory_space<vmem>>, vector<16xi32>,
    %swap3A_70 = arith.constant 6432 : index
    %swap3A_71 = tpu.vector_load %arg7[%swap3A_70] {strides = array<i32>} : memref<6496xi32, #tpu.memory_space<vmem>>, vector<16xi32>,
    tpu.vector_store %arg7[%swap3A_70], %broadcast_in_dim3A_28 {strides = array<i32>} : memref<6496xi32, #tpu.memory_space<vmem>>, vector<16xi32>,
    %swap3A_72 = arith.constant 6448 : index
    %swap3A_73 = tpu.vector_load %arg6[%swap3A_72] {strides = array<i32>} : memref<6496xi32, #tpu.memory_space<vmem>>, vector<16xi32>,
    tpu.vector_store %arg6[%swap3A_72], %broadcast_in_dim3A_28 {strides = array<i32>} : memref<6496xi32, #tpu.memory_space<vmem>>, vector<16xi32>,
    %swap3A_74 = arith.constant 6448 : index
    %swap3A_75 = tpu.vector_load %arg7[%swap3A_74] {strides = array<i32>} : memref<6496xi32, #tpu.memory_space<vmem>>, vector<16xi32>,
    tpu.vector_store %arg7[%swap3A_74], %broadcast_in_dim3A_28 {strides = array<i32>} : memref<6496xi32, #tpu.memory_space<vmem>>, vector<16xi32>,
    %swap3A_76 = arith.constant 6464 : index
    %swap3A_77 = tpu.vector_load %arg6[%swap3A_76] {strides = array<i32>} : memref<6496xi32, #tpu.memory_space<vmem>>, vector<16xi32>,
    tpu.vector_store %arg6[%swap3A_76], %broadcast_in_dim3A_28 {strides = array<i32>} : memref<6496xi32, #tpu.memory_space<vmem>>, vector<16xi32>,
    %swap3A_78 = arith.constant 6464 : index
    %swap3A_79 = tpu.vector_load %arg7[%swap3A_78] {strides = array<i32>} : memref<6496xi32, #tpu.memory_space<vmem>>, vector<16xi32>,
    tpu.vector_store %arg7[%swap3A_78], %broadcast_in_dim3A_28 {strides = array<i32>} : memref<6496xi32, #tpu.memory_space<vmem>>, vector<16xi32>,
    %swap3A_80 = arith.constant 6480 : index
    %swap3A_81 = tpu.vector_load %arg6[%swap3A_80] {strides = array<i32>} : memref<6496xi32, #tpu.memory_space<vmem>>, vector<16xi32>,
    tpu.vector_store %arg6[%swap3A_80], %broadcast_in_dim3A_28 {strides = array<i32>} : memref<6496xi32, #tpu.memory_space<vmem>>, vector<16xi32>,
    %swap3A_82 = arith.constant 6480 : index
    %swap3A_83 = tpu.vector_load %arg7[%swap3A_82] {strides = array<i32>} : memref<6496xi32, #tpu.memory_space<vmem>>, vector<16xi32>,
    tpu.vector_store %arg7[%swap3A_82], %broadcast_in_dim3A_28 {strides = array<i32>} : memref<6496xi32, #tpu.memory_space<vmem>>, vector<16xi32>,
    %add3A_84 = arith.constant 0 : i32
    %add3A_85 = arith.addi %mul3A_2, %add3A_84 : i32
    %mul3A_86 = arith.constant 50176 : i32
    %mul3A_87 = arith.muli %add3A_85, %mul3A_86 : i32
    %add3A_88 = arith.constant 43904 : i32
    %add3A_89 = arith.addi %mul3A_87, %add3A_88 : i32
    %dma_start3A = arith.constant 0 : i32
    %dma_start3A_90 = tpu.memref_slice %arg6[%dma_start3A] : memref<6496xi32, #tpu.memory_space<vmem>> -> memref<6272xi32, #tpu.memory_space<vmem>>
    %dma_start3A_91 = tpu.memref_slice %arg2[%add3A_89] : memref<51380224xi32, #tpu.memory_space<hbm>> -> memref<6272xi32, #tpu.memory_space<hbm>>
    %dma_start3A_92 = arith.constant 0 : i32
    %dma_start3A_93 = tpu.memref_slice %arg6[%dma_start3A_92] : memref<6496xi32, #tpu.memory_space<vmem>> -> memref<6272xi32, #tpu.memory_space<vmem>>
    %dma_start3A_94 = tpu.memref_slice %arg2[%add3A_89] : memref<51380224xi32, #tpu.memory_space<hbm>> -> memref<6272xi32, #tpu.memory_space<hbm>>
    tpu.enqueue_dma source(%dma_start3A_94 : memref<6272xi32, #tpu.memory_space<hbm>>) target(%dma_start3A_93 : memref<6272xi32, #tpu.memory_space<vmem>>) target_semaphore(%arg11 : memref<!tpu.dma_semaphore, #tpu.memory_space<semaphore_mem>>)
    "tpu.region"() ({
      %run_scoped3A_104 = tpu.sem_alloc : memref<!tpu.dma_semaphore, #tpu.memory_space<semaphore_mem>>
      %dma_start3A_105 = arith.constant 175616 : i32
      %dma_start3A_106 = tpu.memref_slice %arg3[%dma_start3A_105] : memref<200704xf32, #tpu.memory_space<hbm>> -> memref<25088xf32, #tpu.memory_space<hbm>>
      %dma_start3A_107 = arith.constant 175616 : i32
      %dma_start3A_108 = tpu.memref_slice %arg3[%dma_start3A_107] : memref<200704xf32, #tpu.memory_space<hbm>> -> memref<25088xf32, #tpu.memory_space<hbm>>
      tpu.enqueue_dma source(%dma_start3A_108 : memref<25088xf32, #tpu.memory_space<hbm>>) target(%arg5 : memref<25088xf32, #tpu.memory_space<vmem>>) target_semaphore(%run_scoped3A_104 : memref<!tpu.dma_semaphore, #tpu.memory_space<semaphore_mem>>)
      %dma_wait3A = arith.constant 175616 : i32
      %dma_wait3A_109 = tpu.memref_slice %arg3[%dma_wait3A] : memref<200704xf32, #tpu.memory_space<hbm>> -> memref<25088xf32, #tpu.memory_space<hbm>>
      %dma_wait3A_110 = arith.constant 175616 : i32
      %dma_wait3A_111 = tpu.memref_slice %arg3[%dma_wait3A_110] : memref<200704xf32, #tpu.memory_space<hbm>> -> memref<25088xf32, #tpu.memory_space<hbm>>
      tpu.wait_dma2 semaphore(%run_scoped3A_104 : memref<!tpu.dma_semaphore, #tpu.memory_space<semaphore_mem>>) src(%dma_wait3A_111 : memref<25088xf32, #tpu.memory_space<hbm>>) dst(%arg5 : memref<25088xf32, #tpu.memory_space<vmem>>)
      tpu.yield
    }) : () -> ()
    %scan3A_95 = arith.constant 0 : i32
    %scan3A_96 = arith.constant 0 : i32
    %scan3A_97 = arith.constant 16 : i32
    %scan3A_98 = arith.addi %scan3A_96, %scan3A_97 : i32
    %scan3A_99 = arith.constant 1 : i32
    %scan3A_100 = scf.for %scan3A_104 = %scan3A_96 to %scan3A_98 step %scan3A_99 iter_args(%scan3A_105 = %scan3A_95) -> (i32)  : i32 {
      %mul3A_106 = arith.constant 2 : i32
      %mul3A_107 = arith.muli %mul3A_106, %scan3A_104 : i32
      %add3A_108 = arith.constant 0 : i32
      %add3A_109 = arith.addi %mul3A_107, %add3A_108 : i32
      %dma_wait3A = arith.constant 0 : i32
      %dma_wait3A_110 = tpu.memref_slice %arg6[%dma_wait3A] : memref<6496xi32, #tpu.memory_space<vmem>> -> memref<6272xi32, #tpu.memory_space<vmem>>
      %dma_wait3A_111 = arith.constant 0 : i32
      %dma_wait3A_112 = tpu.memref_slice %arg2[%dma_wait3A_111] : memref<51380224xi32, #tpu.memory_space<hbm>> -> memref<6272xi32, #tpu.memory_space<hbm>>
      %dma_wait3A_113 = arith.constant 0 : i32
      %dma_wait3A_114 = tpu.memref_slice %arg6[%dma_wait3A_113] : memref<6496xi32, #tpu.memory_space<vmem>> -> memref<6272xi32, #tpu.memory_space<vmem>>
      %dma_wait3A_115 = arith.constant 0 : i32
      %dma_wait3A_116 = tpu.memref_slice %arg2[%dma_wait3A_115] : memref<51380224xi32, #tpu.memory_space<hbm>> -> memref<6272xi32, #tpu.memory_space<hbm>>
      tpu.wait_dma2 semaphore(%arg11 : memref<!tpu.dma_semaphore, #tpu.memory_space<semaphore_mem>>) src(%dma_wait3A_116 : memref<6272xi32, #tpu.memory_space<hbm>>) dst(%dma_wait3A_114 : memref<6272xi32, #tpu.memory_space<vmem>>)
      %add3A_117 = arith.constant 1 : i32
      %add3A_118 = arith.addi %add3A_109, %add3A_117 : i32
      %lt3A_119 = arith.constant 32 : i32
      %lt3A_120 = arith.cmpi slt, %add3A_118, %lt3A_119 : i32
      %convert_element_type3A = arith.extui %lt3A_120 : i1 to i32
      %cond3A = arith.constant 0 : i32
      %cond3A_121 = arith.cmpi ne, %convert_element_type3A, %cond3A : i32
      scf.if %cond3A_121 {
        %add3A_227 = arith.constant 1 : i32
        %add3A_228 = arith.addi %add3A_109, %add3A_227 : i32
        %add3A_229 = arith.addi %mul3A_2, %add3A_228 : i32
        %mul3A_230 = arith.constant 50176 : i32
        %mul3A_231 = arith.muli %add3A_229, %mul3A_230 : i32
        %add3A_232 = arith.constant 43904 : i32
        %add3A_233 = arith.addi %mul3A_231, %add3A_232 : i32
        %dma_start3A_234 = arith.constant 0 : i32
        %dma_start3A_235 = tpu.memref_slice %arg7[%dma_start3A_234] : memref<6496xi32, #tpu.memory_space<vmem>> -> memref<6272xi32, #tpu.memory_space<vmem>>
        %dma_start3A_236 = tpu.memref_slice %arg2[%add3A_233] : memref<51380224xi32, #tpu.memory_space<hbm>> -> memref<6272xi32, #tpu.memory_space<hbm>>
        %dma_start3A_237 = arith.constant 0 : i32
        %dma_start3A_238 = tpu.memref_slice %arg7[%dma_start3A_237] : memref<6496xi32, #tpu.memory_space<vmem>> -> memref<6272xi32, #tpu.memory_space<vmem>>
        %dma_start3A_239 = tpu.memref_slice %arg2[%add3A_233] : memref<51380224xi32, #tpu.memory_space<hbm>> -> memref<6272xi32, #tpu.memory_space<hbm>>
        tpu.enqueue_dma source(%dma_start3A_239 : memref<6272xi32, #tpu.memory_space<hbm>>) target(%dma_start3A_238 : memref<6272xi32, #tpu.memory_space<vmem>>) target_semaphore(%arg12 : memref<!tpu.dma_semaphore, #tpu.memory_space<semaphore_mem>>)
      } else {
      }
      %get3A = arith.constant 0 : index
      %get3A_122 = tpu.vector_load %arg6[%get3A] {strides = array<i32>} : memref<6496xi32, #tpu.memory_space<vmem>>, vector<16xi32>,
      %get3A_123 = arith.constant 16 : index
      %get3A_124 = tpu.vector_load %arg6[%get3A_123] {strides = array<i32>} : memref<6496xi32, #tpu.memory_space<vmem>>, vector<16xi32>,
      %get3A_125 = arith.constant 32 : index
      %get3A_126 = tpu.vector_load %arg6[%get3A_125] {strides = array<i32>} : memref<6496xi32, #tpu.memory_space<vmem>>, vector<16xi32>,
      %get3A_127 = arith.constant 48 : index
      %get3A_128 = tpu.vector_load %arg6[%get3A_127] {strides = array<i32>} : memref<6496xi32, #tpu.memory_space<vmem>>, vector<16xi32>,
      %get3A_129 = arith.constant 64 : index
      %get3A_130 = tpu.vector_load %arg6[%get3A_129] {strides = array<i32>} : memref<6496xi32, #tpu.memory_space<vmem>>, vector<16xi32>,
      %get3A_131 = arith.constant 80 : index
      %get3A_132 = tpu.vector_load %arg6[%get3A_131] {strides = array<i32>} : memref<6496xi32, #tpu.memory_space<vmem>>, vector<16xi32>,
      %get3A_133 = arith.constant 96 : index
      %get3A_134 = tpu.vector_load %arg6[%get3A_133] {strides = array<i32>} : memref<6496xi32, #tpu.memory_space<vmem>>, vector<16xi32>,
      %get3A_135 = arith.constant 112 : index
      %get3A_136 = tpu.vector_load %arg6[%get3A_135] {strides = array<i32>} : memref<6496xi32, #tpu.memory_space<vmem>>, vector<16xi32>,
      %get3A_137 = arith.constant 128 : index
      %get3A_138 = tpu.vector_load %arg6[%get3A_137] {strides = array<i32>} : memref<6496xi32, #tpu.memory_space<vmem>>, vector<16xi32>,
      %get3A_139 = arith.constant 144 : index
      %get3A_140 = tpu.vector_load %arg6[%get3A_139] {strides = array<i32>} : memref<6496xi32, #tpu.memory_space<vmem>>, vector<16xi32>,
      %get3A_141 = arith.constant 160 : index
      %get3A_142 = tpu.vector_load %arg6[%get3A_141] {strides = array<i32>} : memref<6496xi32, #tpu.memory_space<vmem>>, vector<16xi32>,
      %get3A_143 = arith.constant 176 : index
      %get3A_144 = tpu.vector_load %arg6[%get3A_143] {strides = array<i32>} : memref<6496xi32, #tpu.memory_space<vmem>>, vector<16xi32>,
      %get3A_145 = arith.constant 192 : index
      %get3A_146 = tpu.vector_load %arg6[%get3A_145] {strides = array<i32>} : memref<6496xi32, #tpu.memory_space<vmem>>, vector<16xi32>,
      %get3A_147 = arith.constant 208 : index
      %get3A_148 = tpu.vector_load %arg6[%get3A_147] {strides = array<i32>} : memref<6496xi32, #tpu.memory_space<vmem>>, vector<16xi32>,
      %scan3A_149 = arith.constant 0 : i32
      %scan3A_150 = arith.constant 28 : i32
      %scan3A_151 = arith.addi %scan3A_149, %scan3A_150 : i32
      %scan3A_152 = arith.constant 1 : i32
      %scan3A_153:17 = scf.for %scan3A_227 = %scan3A_149 to %scan3A_151 step %scan3A_152 iter_args(%scan3A_228 = %get3A_122, %scan3A_229 = %get3A_124, %scan3A_230 = %get3A_126, %scan3A_231 = %get3A_128, %scan3A_232 = %get3A_130, %scan3A_233 = %get3A_132, %scan3A_234 = %get3A_134, %scan3A_235 = %get3A_136, %scan3A_236 = %get3A_138, %scan3A_237 = %get3A_140, %scan3A_238 = %get3A_142, %scan3A_239 = %get3A_144, %scan3A_240 = %get3A_146, %scan3A_241 = %get3A_148, %scan3A_242 = %broadcast_in_dim3A_8, %scan3A_243 = %broadcast_in_dim3A_8, %scan3A_244 = %broadcast_in_dim3A_8) -> (vector<16xi32>, vector<16xi32>, vector<16xi32>, vector<16xi32>, vector<16xi32>, vector<16xi32>, vector<16xi32>, vector<16xi32>, vector<16xi32>, vector<16xi32>, vector<16xi32>, vector<16xi32>, vector<16xi32>, vector<16xi32>, vector<16xf32>, vector<16xf32>, vector<16xf32>)  : i32 {
        %mul3A_245 = arith.constant 896 : i32
        %mul3A_246 = arith.muli %scan3A_227, %mul3A_245 : i32
        %add3A_247 = vector.broadcast %mul3A_246 : i32 to vector<16xi32>
        %add3A_248 = arith.addi %mul3A_5, %add3A_247 : vector<16xi32>
        %mul3A_249 = arith.constant 224 : i32
        %mul3A_250 = arith.muli %scan3A_227, %mul3A_249 : i32
        %add3A_251 = arith.constant 0 : i32
        %add3A_252 = arith.addi %mul3A_250, %add3A_251 : i32
        %add3A_253 = arith.constant 224 : i32
        %add3A_254 = arith.addi %add3A_252, %add3A_253 : i32
        %get3A_255 = arith.index_cast %add3A_254 : i32 to index
        %get3A_256 = tpu.vector_load %arg6[%get3A_255] {strides = array<i32>} : memref<6496xi32, #tpu.memory_space<vmem>>, vector<16xi32>,
        %add3A_257 = arith.constant 1 : i32
        %add3A_258 = arith.addi %add3A_252, %add3A_257 : i32
        %get3A_259 = arith.index_cast %add3A_258 : i32 to index
        %get3A_260 = tpu.vector_load %arg6[%get3A_259] {strides = array<i32>} : memref<6496xi32, #tpu.memory_space<vmem>>, vector<16xi32>,
        %add3A_261 = arith.addi %scan3A_228, %add3A_248 : vector<16xi32>
        %gather3A = tpu.vector_load_idx %arg5[%add3A_261] : memref<25088xf32, #tpu.memory_space<vmem>>[vector<16xi32>], vector<16xf32>,
        %add3A_262 = arith.addf %scan3A_242, %gather3A : vector<16xf32>
        %eq3A = arith.cmpi eq, %scan3A_228, %get3A_260 : vector<16xi32>
        %select_n3A_263 = arith.select %eq3A, %broadcast_in_dim3A_6, %broadcast_in_dim3A_8 : vector<16xi1>, vector<16xf32>
        %add3A_264 = arith.addf %scan3A_243, %select_n3A_263 : vector<16xf32>
        %eq3A_265 = arith.cmpi eq, %scan3A_228, %get3A_256 : vector<16xi32>
        %select_n3A_266 = arith.select %eq3A_265, %broadcast_in_dim3A_6, %broadcast_in_dim3A_8 : vector<16xi1>, vector<16xf32>
        %add3A_267 = arith.addf %scan3A_244, %select_n3A_266 : vector<16xf32>
        %mul3A_268 = arith.constant 224 : i32
        %mul3A_269 = arith.muli %scan3A_227, %mul3A_268 : i32
        %add3A_270 = arith.constant 16 : i32
        %add3A_271 = arith.addi %mul3A_269, %add3A_270 : i32
        %add3A_272 = arith.constant 224 : i32
        %add3A_273 = arith.addi %add3A_271, %add3A_272 : i32
        %get3A_274 = arith.index_cast %add3A_273 : i32 to index
        %get3A_275 = tpu.vector_load %arg6[%get3A_274] {strides = array<i32>} : memref<6496xi32, #tpu.memory_space<vmem>>, vector<16xi32>,
        %add3A_276 = arith.constant 1 : i32
        %add3A_277 = arith.addi %add3A_271, %add3A_276 : i32
        %get3A_278 = arith.index_cast %add3A_277 : i32 to index
        %get3A_279 = tpu.vector_load %arg6[%get3A_278] {strides = array<i32>} : memref<6496xi32, #tpu.memory_space<vmem>>, vector<16xi32>,
        %add3A_280 = arith.constant 64 : i32
        %add3A_281 = vector.broadcast %add3A_280 : i32 to vector<16xi32>
        %add3A_282 = arith.addi %scan3A_229, %add3A_281 : vector<16xi32>
        %add3A_283 = arith.addi %add3A_282, %add3A_248 : vector<16xi32>
        %gather3A_284 = tpu.vector_load_idx %arg5[%add3A_283] : memref<25088xf32, #tpu.memory_space<vmem>>[vector<16xi32>], vector<16xf32>,
        %add3A_285 = arith.addf %add3A_262, %gather3A_284 : vector<16xf32>
        %eq3A_286 = arith.cmpi eq, %scan3A_229, %get3A_279 : vector<16xi32>
        %select_n3A_287 = arith.select %eq3A_286, %broadcast_in_dim3A_6, %broadcast_in_dim3A_8 : vector<16xi1>, vector<16xf32>
        %add3A_288 = arith.addf %add3A_264, %select_n3A_287 : vector<16xf32>
        %eq3A_289 = arith.cmpi eq, %scan3A_229, %get3A_275 : vector<16xi32>
        %select_n3A_290 = arith.select %eq3A_289, %broadcast_in_dim3A_6, %broadcast_in_dim3A_8 : vector<16xi1>, vector<16xf32>
        %add3A_291 = arith.addf %add3A_267, %select_n3A_290 : vector<16xf32>
        %mul3A_292 = arith.constant 224 : i32
        %mul3A_293 = arith.muli %scan3A_227, %mul3A_292 : i32
        %add3A_294 = arith.constant 32 : i32
        %add3A_295 = arith.addi %mul3A_293, %add3A_294 : i32
        %add3A_296 = arith.constant 224 : i32
        %add3A_297 = arith.addi %add3A_295, %add3A_296 : i32
        %get3A_298 = arith.index_cast %add3A_297 : i32 to index
        %get3A_299 = tpu.vector_load %arg6[%get3A_298] {strides = array<i32>} : memref<6496xi32, #tpu.memory_space<vmem>>, vector<16xi32>,
        %add3A_300 = arith.constant 1 : i32
        %add3A_301 = arith.addi %add3A_295, %add3A_300 : i32
        %get3A_302 = arith.index_cast %add3A_301 : i32 to index
        %get3A_303 = tpu.vector_load %arg6[%get3A_302] {strides = array<i32>} : memref<6496xi32, #tpu.memory_space<vmem>>, vector<16xi32>,
        %add3A_304 = arith.constant 128 : i32
        %add3A_305 = vector.broadcast %add3A_304 : i32 to vector<16xi32>
        %add3A_306 = arith.addi %scan3A_230, %add3A_305 : vector<16xi32>
        %add3A_307 = arith.addi %add3A_306, %add3A_248 : vector<16xi32>
        %gather3A_308 = tpu.vector_load_idx %arg5[%add3A_307] : memref<25088xf32, #tpu.memory_space<vmem>>[vector<16xi32>], vector<16xf32>,
        %add3A_309 = arith.addf %add3A_285, %gather3A_308 : vector<16xf32>
        %eq3A_310 = arith.cmpi eq, %scan3A_230, %get3A_303 : vector<16xi32>
        %select_n3A_311 = arith.select %eq3A_310, %broadcast_in_dim3A_6, %broadcast_in_dim3A_8 : vector<16xi1>, vector<16xf32>
        %add3A_312 = arith.addf %add3A_288, %select_n3A_311 : vector<16xf32>
        %eq3A_313 = arith.cmpi eq, %scan3A_230, %get3A_299 : vector<16xi32>
        %select_n3A_314 = arith.select %eq3A_313, %broadcast_in_dim3A_6, %broadcast_in_dim3A_8 : vector<16xi1>, vector<16xf32>
        %add3A_315 = arith.addf %add3A_291, %select_n3A_314 : vector<16xf32>
        %mul3A_316 = arith.constant 224 : i32
        %mul3A_317 = arith.muli %scan3A_227, %mul3A_316 : i32
        %add3A_318 = arith.constant 48 : i32
        %add3A_319 = arith.addi %mul3A_317, %add3A_318 : i32
        %add3A_320 = arith.constant 224 : i32
        %add3A_321 = arith.addi %add3A_319, %add3A_320 : i32
        %get3A_322 = arith.index_cast %add3A_321 : i32 to index
        %get3A_323 = tpu.vector_load %arg6[%get3A_322] {strides = array<i32>} : memref<6496xi32, #tpu.memory_space<vmem>>, vector<16xi32>,
        %add3A_324 = arith.constant 1 : i32
        %add3A_325 = arith.addi %add3A_319, %add3A_324 : i32
        %get3A_326 = arith.index_cast %add3A_325 : i32 to index
        %get3A_327 = tpu.vector_load %arg6[%get3A_326] {strides = array<i32>} : memref<6496xi32, #tpu.memory_space<vmem>>, vector<16xi32>,
        %add3A_328 = arith.constant 192 : i32
        %add3A_329 = vector.broadcast %add3A_328 : i32 to vector<16xi32>
        %add3A_330 = arith.addi %scan3A_231, %add3A_329 : vector<16xi32>
        %add3A_331 = arith.addi %add3A_330, %add3A_248 : vector<16xi32>
        %gather3A_332 = tpu.vector_load_idx %arg5[%add3A_331] : memref<25088xf32, #tpu.memory_space<vmem>>[vector<16xi32>], vector<16xf32>,
        %add3A_333 = arith.addf %add3A_309, %gather3A_332 : vector<16xf32>
        %eq3A_334 = arith.cmpi eq, %scan3A_231, %get3A_327 : vector<16xi32>
        %select_n3A_335 = arith.select %eq3A_334, %broadcast_in_dim3A_6, %broadcast_in_dim3A_8 : vector<16xi1>, vector<16xf32>
        %add3A_336 = arith.addf %add3A_312, %select_n3A_335 : vector<16xf32>
        %eq3A_337 = arith.cmpi eq, %scan3A_231, %get3A_323 : vector<16xi32>
        %select_n3A_338 = arith.select %eq3A_337, %broadcast_in_dim3A_6, %broadcast_in_dim3A_8 : vector<16xi1>, vector<16xf32>
        %add3A_339 = arith.addf %add3A_315, %select_n3A_338 : vector<16xf32>
        %mul3A_340 = arith.constant 224 : i32
        %mul3A_341 = arith.muli %scan3A_227, %mul3A_340 : i32
        %add3A_342 = arith.constant 64 : i32
        %add3A_343 = arith.addi %mul3A_341, %add3A_342 : i32
        %add3A_344 = arith.constant 224 : i32
        %add3A_345 = arith.addi %add3A_343, %add3A_344 : i32
        %get3A_346 = arith.index_cast %add3A_345 : i32 to index
        %get3A_347 = tpu.vector_load %arg6[%get3A_346] {strides = array<i32>} : memref<6496xi32, #tpu.memory_space<vmem>>, vector<16xi32>,
        %add3A_348 = arith.constant 1 : i32
        %add3A_349 = arith.addi %add3A_343, %add3A_348 : i32
        %get3A_350 = arith.index_cast %add3A_349 : i32 to index
        %get3A_351 = tpu.vector_load %arg6[%get3A_350] {strides = array<i32>} : memref<6496xi32, #tpu.memory_space<vmem>>, vector<16xi32>,
        %add3A_352 = arith.constant 256 : i32
        %add3A_353 = vector.broadcast %add3A_352 : i32 to vector<16xi32>
        %add3A_354 = arith.addi %scan3A_232, %add3A_353 : vector<16xi32>
        %add3A_355 = arith.addi %add3A_354, %add3A_248 : vector<16xi32>
        %gather3A_356 = tpu.vector_load_idx %arg5[%add3A_355] : memref<25088xf32, #tpu.memory_space<vmem>>[vector<16xi32>], vector<16xf32>,
        %add3A_357 = arith.addf %add3A_333, %gather3A_356 : vector<16xf32>
        %eq3A_358 = arith.cmpi eq, %scan3A_232, %get3A_351 : vector<16xi32>
        %select_n3A_359 = arith.select %eq3A_358, %broadcast_in_dim3A_6, %broadcast_in_dim3A_8 : vector<16xi1>, vector<16xf32>
        %add3A_360 = arith.addf %add3A_336, %select_n3A_359 : vector<16xf32>
        %eq3A_361 = arith.cmpi eq, %scan3A_232, %get3A_347 : vector<16xi32>
        %select_n3A_362 = arith.select %eq3A_361, %broadcast_in_dim3A_6, %broadcast_in_dim3A_8 : vector<16xi1>, vector<16xf32>
        %add3A_363 = arith.addf %add3A_339, %select_n3A_362 : vector<16xf32>
        %mul3A_364 = arith.constant 224 : i32
        %mul3A_365 = arith.muli %scan3A_227, %mul3A_364 : i32
        %add3A_366 = arith.constant 80 : i32
        %add3A_367 = arith.addi %mul3A_365, %add3A_366 : i32
        %add3A_368 = arith.constant 224 : i32
        %add3A_369 = arith.addi %add3A_367, %add3A_368 : i32
        %get3A_370 = arith.index_cast %add3A_369 : i32 to index
        %get3A_371 = tpu.vector_load %arg6[%get3A_370] {strides = array<i32>} : memref<6496xi32, #tpu.memory_space<vmem>>, vector<16xi32>,
        %add3A_372 = arith.constant 1 : i32
        %add3A_373 = arith.addi %add3A_367, %add3A_372 : i32
        %get3A_374 = arith.index_cast %add3A_373 : i32 to index
        %get3A_375 = tpu.vector_load %arg6[%get3A_374] {strides = array<i32>} : memref<6496xi32, #tpu.memory_space<vmem>>, vector<16xi32>,
        %add3A_376 = arith.constant 320 : i32
        %add3A_377 = vector.broadcast %add3A_376 : i32 to vector<16xi32>
        %add3A_378 = arith.addi %scan3A_233, %add3A_377 : vector<16xi32>
        %add3A_379 = arith.addi %add3A_378, %add3A_248 : vector<16xi32>
        %gather3A_380 = tpu.vector_load_idx %arg5[%add3A_379] : memref<25088xf32, #tpu.memory_space<vmem>>[vector<16xi32>], vector<16xf32>,
        %add3A_381 = arith.addf %add3A_357, %gather3A_380 : vector<16xf32>
        %eq3A_382 = arith.cmpi eq, %scan3A_233, %get3A_375 : vector<16xi32>
        %select_n3A_383 = arith.select %eq3A_382, %broadcast_in_dim3A_6, %broadcast_in_dim3A_8 : vector<16xi1>, vector<16xf32>
        %add3A_384 = arith.addf %add3A_360, %select_n3A_383 : vector<16xf32>
        %eq3A_385 = arith.cmpi eq, %scan3A_233, %get3A_371 : vector<16xi32>
        %select_n3A_386 = arith.select %eq3A_385, %broadcast_in_dim3A_6, %broadcast_in_dim3A_8 : vector<16xi1>, vector<16xf32>
        %add3A_387 = arith.addf %add3A_363, %select_n3A_386 : vector<16xf32>
        %mul3A_388 = arith.constant 224 : i32
        %mul3A_389 = arith.muli %scan3A_227, %mul3A_388 : i32
        %add3A_390 = arith.constant 96 : i32
        %add3A_391 = arith.addi %mul3A_389, %add3A_390 : i32
        %add3A_392 = arith.constant 224 : i32
        %add3A_393 = arith.addi %add3A_391, %add3A_392 : i32
        %get3A_394 = arith.index_cast %add3A_393 : i32 to index
        %get3A_395 = tpu.vector_load %arg6[%get3A_394] {strides = array<i32>} : memref<6496xi32, #tpu.memory_space<vmem>>, vector<16xi32>,
        %add3A_396 = arith.constant 1 : i32
        %add3A_397 = arith.addi %add3A_391, %add3A_396 : i32
        %get3A_398 = arith.index_cast %add3A_397 : i32 to index
        %get3A_399 = tpu.vector_load %arg6[%get3A_398] {strides = array<i32>} : memref<6496xi32, #tpu.memory_space<vmem>>, vector<16xi32>,
        %add3A_400 = arith.constant 384 : i32
        %add3A_401 = vector.broadcast %add3A_400 : i32 to vector<16xi32>
        %add3A_402 = arith.addi %scan3A_234, %add3A_401 : vector<16xi32>
        %add3A_403 = arith.addi %add3A_402, %add3A_248 : vector<16xi32>
        %gather3A_404 = tpu.vector_load_idx %arg5[%add3A_403] : memref<25088xf32, #tpu.memory_space<vmem>>[vector<16xi32>], vector<16xf32>,
        %add3A_405 = arith.addf %add3A_381, %gather3A_404 : vector<16xf32>
        %eq3A_406 = arith.cmpi eq, %scan3A_234, %get3A_399 : vector<16xi32>
        %select_n3A_407 = arith.select %eq3A_406, %broadcast_in_dim3A_6, %broadcast_in_dim3A_8 : vector<16xi1>, vector<16xf32>
        %add3A_408 = arith.addf %add3A_384, %select_n3A_407 : vector<16xf32>
        %eq3A_409 = arith.cmpi eq, %scan3A_234, %get3A_395 : vector<16xi32>
        %select_n3A_410 = arith.select %eq3A_409, %broadcast_in_dim3A_6, %broadcast_in_dim3A_8 : vector<16xi1>, vector<16xf32>
        %add3A_411 = arith.addf %add3A_387, %select_n3A_410 : vector<16xf32>
        %mul3A_412 = arith.constant 224 : i32
        %mul3A_413 = arith.muli %scan3A_227, %mul3A_412 : i32
        %add3A_414 = arith.constant 112 : i32
        %add3A_415 = arith.addi %mul3A_413, %add3A_414 : i32
        %add3A_416 = arith.constant 224 : i32
        %add3A_417 = arith.addi %add3A_415, %add3A_416 : i32
        %get3A_418 = arith.index_cast %add3A_417 : i32 to index
        %get3A_419 = tpu.vector_load %arg6[%get3A_418] {strides = array<i32>} : memref<6496xi32, #tpu.memory_space<vmem>>, vector<16xi32>,
        %add3A_420 = arith.constant 1 : i32
        %add3A_421 = arith.addi %add3A_415, %add3A_420 : i32
        %get3A_422 = arith.index_cast %add3A_421 : i32 to index
        %get3A_423 = tpu.vector_load %arg6[%get3A_422] {strides = array<i32>} : memref<6496xi32, #tpu.memory_space<vmem>>, vector<16xi32>,
        %add3A_424 = arith.constant 448 : i32
        %add3A_425 = vector.broadcast %add3A_424 : i32 to vector<16xi32>
        %add3A_426 = arith.addi %scan3A_235, %add3A_425 : vector<16xi32>
        %add3A_427 = arith.addi %add3A_426, %add3A_248 : vector<16xi32>
        %gather3A_428 = tpu.vector_load_idx %arg5[%add3A_427] : memref<25088xf32, #tpu.memory_space<vmem>>[vector<16xi32>], vector<16xf32>,
        %add3A_429 = arith.addf %add3A_405, %gather3A_428 : vector<16xf32>
        %eq3A_430 = arith.cmpi eq, %scan3A_235, %get3A_423 : vector<16xi32>
        %select_n3A_431 = arith.select %eq3A_430, %broadcast_in_dim3A_6, %broadcast_in_dim3A_8 : vector<16xi1>, vector<16xf32>
        %add3A_432 = arith.addf %add3A_408, %select_n3A_431 : vector<16xf32>
        %eq3A_433 = arith.cmpi eq, %scan3A_235, %get3A_419 : vector<16xi32>
        %select_n3A_434 = arith.select %eq3A_433, %broadcast_in_dim3A_6, %broadcast_in_dim3A_8 : vector<16xi1>, vector<16xf32>
        %add3A_435 = arith.addf %add3A_411, %select_n3A_434 : vector<16xf32>
        %mul3A_436 = arith.constant 224 : i32
        %mul3A_437 = arith.muli %scan3A_227, %mul3A_436 : i32
        %add3A_438 = arith.constant 128 : i32
        %add3A_439 = arith.addi %mul3A_437, %add3A_438 : i32
        %add3A_440 = arith.constant 224 : i32
        %add3A_441 = arith.addi %add3A_439, %add3A_440 : i32
        %get3A_442 = arith.index_cast %add3A_441 : i32 to index
        %get3A_443 = tpu.vector_load %arg6[%get3A_442] {strides = array<i32>} : memref<6496xi32, #tpu.memory_space<vmem>>, vector<16xi32>,
        %add3A_444 = arith.constant 1 : i32
        %add3A_445 = arith.addi %add3A_439, %add3A_444 : i32
        %get3A_446 = arith.index_cast %add3A_445 : i32 to index
        %get3A_447 = tpu.vector_load %arg6[%get3A_446] {strides = array<i32>} : memref<6496xi32, #tpu.memory_space<vmem>>, vector<16xi32>,
        %add3A_448 = arith.constant 512 : i32
        %add3A_449 = vector.broadcast %add3A_448 : i32 to vector<16xi32>
        %add3A_450 = arith.addi %scan3A_236, %add3A_449 : vector<16xi32>
        %add3A_451 = arith.addi %add3A_450, %add3A_248 : vector<16xi32>
        %gather3A_452 = tpu.vector_load_idx %arg5[%add3A_451] : memref<25088xf32, #tpu.memory_space<vmem>>[vector<16xi32>], vector<16xf32>,
        %add3A_453 = arith.addf %add3A_429, %gather3A_452 : vector<16xf32>
        %eq3A_454 = arith.cmpi eq, %scan3A_236, %get3A_447 : vector<16xi32>
        %select_n3A_455 = arith.select %eq3A_454, %broadcast_in_dim3A_6, %broadcast_in_dim3A_8 : vector<16xi1>, vector<16xf32>
        %add3A_456 = arith.addf %add3A_432, %select_n3A_455 : vector<16xf32>
        %eq3A_457 = arith.cmpi eq, %scan3A_236, %get3A_443 : vector<16xi32>
        %select_n3A_458 = arith.select %eq3A_457, %broadcast_in_dim3A_6, %broadcast_in_dim3A_8 : vector<16xi1>, vector<16xf32>
        %add3A_459 = arith.addf %add3A_435, %select_n3A_458 : vector<16xf32>
        %mul3A_460 = arith.constant 224 : i32
        %mul3A_461 = arith.muli %scan3A_227, %mul3A_460 : i32
        %add3A_462 = arith.constant 144 : i32
        %add3A_463 = arith.addi %mul3A_461, %add3A_462 : i32
        %add3A_464 = arith.constant 224 : i32
        %add3A_465 = arith.addi %add3A_463, %add3A_464 : i32
        %get3A_466 = arith.index_cast %add3A_465 : i32 to index
        %get3A_467 = tpu.vector_load %arg6[%get3A_466] {strides = array<i32>} : memref<6496xi32, #tpu.memory_space<vmem>>, vector<16xi32>,
        %add3A_468 = arith.constant 1 : i32
        %add3A_469 = arith.addi %add3A_463, %add3A_468 : i32
        %get3A_470 = arith.index_cast %add3A_469 : i32 to index
        %get3A_471 = tpu.vector_load %arg6[%get3A_470] {strides = array<i32>} : memref<6496xi32, #tpu.memory_space<vmem>>, vector<16xi32>,
        %add3A_472 = arith.constant 576 : i32
        %add3A_473 = vector.broadcast %add3A_472 : i32 to vector<16xi32>
        %add3A_474 = arith.addi %scan3A_237, %add3A_473 : vector<16xi32>
        %add3A_475 = arith.addi %add3A_474, %add3A_248 : vector<16xi32>
        %gather3A_476 = tpu.vector_load_idx %arg5[%add3A_475] : memref<25088xf32, #tpu.memory_space<vmem>>[vector<16xi32>], vector<16xf32>,
        %add3A_477 = arith.addf %add3A_453, %gather3A_476 : vector<16xf32>
        %eq3A_478 = arith.cmpi eq, %scan3A_237, %get3A_471 : vector<16xi32>
        %select_n3A_479 = arith.select %eq3A_478, %broadcast_in_dim3A_6, %broadcast_in_dim3A_8 : vector<16xi1>, vector<16xf32>
        %add3A_480 = arith.addf %add3A_456, %select_n3A_479 : vector<16xf32>
        %eq3A_481 = arith.cmpi eq, %scan3A_237, %get3A_467 : vector<16xi32>
        %select_n3A_482 = arith.select %eq3A_481, %broadcast_in_dim3A_6, %broadcast_in_dim3A_8 : vector<16xi1>, vector<16xf32>
        %add3A_483 = arith.addf %add3A_459, %select_n3A_482 : vector<16xf32>
        %mul3A_484 = arith.constant 224 : i32
        %mul3A_485 = arith.muli %scan3A_227, %mul3A_484 : i32
        %add3A_486 = arith.constant 160 : i32
        %add3A_487 = arith.addi %mul3A_485, %add3A_486 : i32
        %add3A_488 = arith.constant 224 : i32
        %add3A_489 = arith.addi %add3A_487, %add3A_488 : i32
        %get3A_490 = arith.index_cast %add3A_489 : i32 to index
        %get3A_491 = tpu.vector_load %arg6[%get3A_490] {strides = array<i32>} : memref<6496xi32, #tpu.memory_space<vmem>>, vector<16xi32>,
        %add3A_492 = arith.constant 1 : i32
        %add3A_493 = arith.addi %add3A_487, %add3A_492 : i32
        %get3A_494 = arith.index_cast %add3A_493 : i32 to index
        %get3A_495 = tpu.vector_load %arg6[%get3A_494] {strides = array<i32>} : memref<6496xi32, #tpu.memory_space<vmem>>, vector<16xi32>,
        %add3A_496 = arith.constant 640 : i32
        %add3A_497 = vector.broadcast %add3A_496 : i32 to vector<16xi32>
        %add3A_498 = arith.addi %scan3A_238, %add3A_497 : vector<16xi32>
        %add3A_499 = arith.addi %add3A_498, %add3A_248 : vector<16xi32>
        %gather3A_500 = tpu.vector_load_idx %arg5[%add3A_499] : memref<25088xf32, #tpu.memory_space<vmem>>[vector<16xi32>], vector<16xf32>,
        %add3A_501 = arith.addf %add3A_477, %gather3A_500 : vector<16xf32>
        %eq3A_502 = arith.cmpi eq, %scan3A_238, %get3A_495 : vector<16xi32>
        %select_n3A_503 = arith.select %eq3A_502, %broadcast_in_dim3A_6, %broadcast_in_dim3A_8 : vector<16xi1>, vector<16xf32>
        %add3A_504 = arith.addf %add3A_480, %select_n3A_503 : vector<16xf32>
        %eq3A_505 = arith.cmpi eq, %scan3A_238, %get3A_491 : vector<16xi32>
        %select_n3A_506 = arith.select %eq3A_505, %broadcast_in_dim3A_6, %broadcast_in_dim3A_8 : vector<16xi1>, vector<16xf32>
        %add3A_507 = arith.addf %add3A_483, %select_n3A_506 : vector<16xf32>
        %mul3A_508 = arith.constant 224 : i32
        %mul3A_509 = arith.muli %scan3A_227, %mul3A_508 : i32
        %add3A_510 = arith.constant 176 : i32
        %add3A_511 = arith.addi %mul3A_509, %add3A_510 : i32
        %add3A_512 = arith.constant 224 : i32
        %add3A_513 = arith.addi %add3A_511, %add3A_512 : i32
        %get3A_514 = arith.index_cast %add3A_513 : i32 to index
        %get3A_515 = tpu.vector_load %arg6[%get3A_514] {strides = array<i32>} : memref<6496xi32, #tpu.memory_space<vmem>>, vector<16xi32>,
        %add3A_516 = arith.constant 1 : i32
        %add3A_517 = arith.addi %add3A_511, %add3A_516 : i32
        %get3A_518 = arith.index_cast %add3A_517 : i32 to index
        %get3A_519 = tpu.vector_load %arg6[%get3A_518] {strides = array<i32>} : memref<6496xi32, #tpu.memory_space<vmem>>, vector<16xi32>,
        %add3A_520 = arith.constant 704 : i32
        %add3A_521 = vector.broadcast %add3A_520 : i32 to vector<16xi32>
        %add3A_522 = arith.addi %scan3A_239, %add3A_521 : vector<16xi32>
        %add3A_523 = arith.addi %add3A_522, %add3A_248 : vector<16xi32>
        %gather3A_524 = tpu.vector_load_idx %arg5[%add3A_523] : memref<25088xf32, #tpu.memory_space<vmem>>[vector<16xi32>], vector<16xf32>,
        %add3A_525 = arith.addf %add3A_501, %gather3A_524 : vector<16xf32>
        %eq3A_526 = arith.cmpi eq, %scan3A_239, %get3A_519 : vector<16xi32>
        %select_n3A_527 = arith.select %eq3A_526, %broadcast_in_dim3A_6, %broadcast_in_dim3A_8 : vector<16xi1>, vector<16xf32>
        %add3A_528 = arith.addf %add3A_504, %select_n3A_527 : vector<16xf32>
        %eq3A_529 = arith.cmpi eq, %scan3A_239, %get3A_515 : vector<16xi32>
        %select_n3A_530 = arith.select %eq3A_529, %broadcast_in_dim3A_6, %broadcast_in_dim3A_8 : vector<16xi1>, vector<16xf32>
        %add3A_531 = arith.addf %add3A_507, %select_n3A_530 : vector<16xf32>
        %mul3A_532 = arith.constant 224 : i32
        %mul3A_533 = arith.muli %scan3A_227, %mul3A_532 : i32
        %add3A_534 = arith.constant 192 : i32
        %add3A_535 = arith.addi %mul3A_533, %add3A_534 : i32
        %add3A_536 = arith.constant 224 : i32
        %add3A_537 = arith.addi %add3A_535, %add3A_536 : i32
        %get3A_538 = arith.index_cast %add3A_537 : i32 to index
        %get3A_539 = tpu.vector_load %arg6[%get3A_538] {strides = array<i32>} : memref<6496xi32, #tpu.memory_space<vmem>>, vector<16xi32>,
        %add3A_540 = arith.constant 1 : i32
        %add3A_541 = arith.addi %add3A_535, %add3A_540 : i32
        %get3A_542 = arith.index_cast %add3A_541 : i32 to index
        %get3A_543 = tpu.vector_load %arg6[%get3A_542] {strides = array<i32>} : memref<6496xi32, #tpu.memory_space<vmem>>, vector<16xi32>,
        %add3A_544 = arith.constant 768 : i32
        %add3A_545 = vector.broadcast %add3A_544 : i32 to vector<16xi32>
        %add3A_546 = arith.addi %scan3A_240, %add3A_545 : vector<16xi32>
        %add3A_547 = arith.addi %add3A_546, %add3A_248 : vector<16xi32>
        %gather3A_548 = tpu.vector_load_idx %arg5[%add3A_547] : memref<25088xf32, #tpu.memory_space<vmem>>[vector<16xi32>], vector<16xf32>,
        %add3A_549 = arith.addf %add3A_525, %gather3A_548 : vector<16xf32>
        %eq3A_550 = arith.cmpi eq, %scan3A_240, %get3A_543 : vector<16xi32>
        %select_n3A_551 = arith.select %eq3A_550, %broadcast_in_dim3A_6, %broadcast_in_dim3A_8 : vector<16xi1>, vector<16xf32>
        %add3A_552 = arith.addf %add3A_528, %select_n3A_551 : vector<16xf32>
        %eq3A_553 = arith.cmpi eq, %scan3A_240, %get3A_539 : vector<16xi32>
        %select_n3A_554 = arith.select %eq3A_553, %broadcast_in_dim3A_6, %broadcast_in_dim3A_8 : vector<16xi1>, vector<16xf32>
        %add3A_555 = arith.addf %add3A_531, %select_n3A_554 : vector<16xf32>
        %mul3A_556 = arith.constant 224 : i32
        %mul3A_557 = arith.muli %scan3A_227, %mul3A_556 : i32
        %add3A_558 = arith.constant 208 : i32
        %add3A_559 = arith.addi %mul3A_557, %add3A_558 : i32
        %add3A_560 = arith.constant 224 : i32
        %add3A_561 = arith.addi %add3A_559, %add3A_560 : i32
        %get3A_562 = arith.index_cast %add3A_561 : i32 to index
        %get3A_563 = tpu.vector_load %arg6[%get3A_562] {strides = array<i32>} : memref<6496xi32, #tpu.memory_space<vmem>>, vector<16xi32>,
        %add3A_564 = arith.constant 1 : i32
        %add3A_565 = arith.addi %add3A_559, %add3A_564 : i32
        %get3A_566 = arith.index_cast %add3A_565 : i32 to index
        %get3A_567 = tpu.vector_load %arg6[%get3A_566] {strides = array<i32>} : memref<6496xi32, #tpu.memory_space<vmem>>, vector<16xi32>,
        %add3A_568 = arith.constant 832 : i32
        %add3A_569 = vector.broadcast %add3A_568 : i32 to vector<16xi32>
        %add3A_570 = arith.addi %scan3A_241, %add3A_569 : vector<16xi32>
        %add3A_571 = arith.addi %add3A_570, %add3A_248 : vector<16xi32>
        %gather3A_572 = tpu.vector_load_idx %arg5[%add3A_571] : memref<25088xf32, #tpu.memory_space<vmem>>[vector<16xi32>], vector<16xf32>,
        %add3A_573 = arith.addf %add3A_549, %gather3A_572 : vector<16xf32>
        %eq3A_574 = arith.cmpi eq, %scan3A_241, %get3A_567 : vector<16xi32>
        %select_n3A_575 = arith.select %eq3A_574, %select_n3A, %broadcast_in_dim3A_8 : vector<16xi1>, vector<16xf32>
        %add3A_576 = arith.addf %add3A_552, %select_n3A_575 : vector<16xf32>
        %eq3A_577 = arith.cmpi eq, %scan3A_241, %get3A_563 : vector<16xi32>
        %select_n3A_578 = arith.select %eq3A_577, %broadcast_in_dim3A_6, %broadcast_in_dim3A_8 : vector<16xi1>, vector<16xf32>
        %add3A_579 = arith.addf %add3A_555, %select_n3A_578 : vector<16xf32>
        scf.yield %get3A_256, %get3A_275, %get3A_299, %get3A_323, %get3A_347, %get3A_371, %get3A_395, %get3A_419, %get3A_443, %get3A_467, %get3A_491, %get3A_515, %get3A_539, %get3A_563, %add3A_573, %add3A_576, %add3A_579 : vector<16xi32>, vector<16xi32>, vector<16xi32>, vector<16xi32>, vector<16xi32>, vector<16xi32>, vector<16xi32>, vector<16xi32>, vector<16xi32>, vector<16xi32>, vector<16xi32>, vector<16xi32>, vector<16xi32>, vector<16xi32>, vector<16xf32>, vector<16xf32>, vector<16xf32>
      }
      %scan3A_154 = arith.constant 28 : i32
      %swap3A_155 = arith.index_cast %add3A_109 : i32 to index
      %swap3A_156 = arith.constant 0 : index
      %swap3A_157 = tpu.vector_load %arg8[%swap3A_155, %swap3A_156] {strides = array<i32>} : memref<32x16xf32, #tpu.memory_space<vmem>>, vector<16xf32>,
      tpu.vector_store %arg8[%swap3A_155, %swap3A_156], %scan3A_153#14 {add = true, strides = array<i32>} : memref<32x16xf32, #tpu.memory_space<vmem>>, vector<16xf32>,
      %swap3A_158 = arith.index_cast %add3A_109 : i32 to index
      %swap3A_159 = arith.constant 0 : index
      %swap3A_160 = tpu.vector_load %arg9[%swap3A_158, %swap3A_159] {strides = array<i32>} : memref<32x16xf32, #tpu.memory_space<vmem>>, vector<16xf32>,
      tpu.vector_store %arg9[%swap3A_158, %swap3A_159], %scan3A_153#15 {add = true, strides = array<i32>} : memref<32x16xf32, #tpu.memory_space<vmem>>, vector<16xf32>,
      %swap3A_161 = arith.index_cast %add3A_109 : i32 to index
      %swap3A_162 = arith.constant 0 : index
      %swap3A_163 = tpu.vector_load %arg10[%swap3A_161, %swap3A_162] {strides = array<i32>} : memref<32x16xf32, #tpu.memory_space<vmem>>, vector<16xf32>,
      tpu.vector_store %arg10[%swap3A_161, %swap3A_162], %scan3A_153#16 {add = true, strides = array<i32>} : memref<32x16xf32, #tpu.memory_space<vmem>>, vector<16xf32>,
      %mul3A_164 = arith.constant 2 : i32
      %mul3A_165 = arith.muli %mul3A_164, %scan3A_104 : i32
      %add3A_166 = arith.constant 1 : i32
      %add3A_167 = arith.addi %mul3A_165, %add3A_166 : i32
      %dma_wait3A_168 = arith.constant 0 : i32
      %dma_wait3A_169 = tpu.memref_slice %arg7[%dma_wait3A_168] : memref<6496xi32, #tpu.memory_space<vmem>> -> memref<6272xi32, #tpu.memory_space<vmem>>
      %dma_wait3A_170 = arith.constant 0 : i32
      %dma_wait3A_171 = tpu.memref_slice %arg2[%dma_wait3A_170] : memref<51380224xi32, #tpu.memory_space<hbm>> -> memref<6272xi32, #tpu.memory_space<hbm>>
      %dma_wait3A_172 = arith.constant 0 : i32
      %dma_wait3A_173 = tpu.memref_slice %arg7[%dma_wait3A_172] : memref<6496xi32, #tpu.memory_space<vmem>> -> memref<6272xi32, #tpu.memory_space<vmem>>
      %dma_wait3A_174 = arith.constant 0 : i32
      %dma_wait3A_175 = tpu.memref_slice %arg2[%dma_wait3A_174] : memref<51380224xi32, #tpu.memory_space<hbm>> -> memref<6272xi32, #tpu.memory_space<hbm>>
      tpu.wait_dma2 semaphore(%arg12 : memref<!tpu.dma_semaphore, #tpu.memory_space<semaphore_mem>>) src(%dma_wait3A_175 : memref<6272xi32, #tpu.memory_space<hbm>>) dst(%dma_wait3A_173 : memref<6272xi32, #tpu.memory_space<vmem>>)
      %add3A_176 = arith.constant 1 : i32
      %add3A_177 = arith.addi %add3A_167, %add3A_176 : i32
      %lt3A_178 = arith.constant 32 : i32
      %lt3A_179 = arith.cmpi slt, %add3A_177, %lt3A_178 : i32
      %convert_element_type3A_180 = arith.extui %lt3A_179 : i1 to i32
      %cond3A_181 = arith.constant 0 : i32
      %cond3A_182 = arith.cmpi ne, %convert_element_type3A_180, %cond3A_181 : i32
      scf.if %cond3A_182 {
        %add3A_227 = arith.constant 1 : i32
        %add3A_228 = arith.addi %add3A_167, %add3A_227 : i32
        %add3A_229 = arith.addi %mul3A_2, %add3A_228 : i32
        %mul3A_230 = arith.constant 50176 : i32
        %mul3A_231 = arith.muli %add3A_229, %mul3A_230 : i32
        %add3A_232 = arith.constant 43904 : i32
        %add3A_233 = arith.addi %mul3A_231, %add3A_232 : i32
        %dma_start3A_234 = arith.constant 0 : i32
        %dma_start3A_235 = tpu.memref_slice %arg6[%dma_start3A_234] : memref<6496xi32, #tpu.memory_space<vmem>> -> memref<6272xi32, #tpu.memory_space<vmem>>
        %dma_start3A_236 = tpu.memref_slice %arg2[%add3A_233] : memref<51380224xi32, #tpu.memory_space<hbm>> -> memref<6272xi32, #tpu.memory_space<hbm>>
        %dma_start3A_237 = arith.constant 0 : i32
        %dma_start3A_238 = tpu.memref_slice %arg6[%dma_start3A_237] : memref<6496xi32, #tpu.memory_space<vmem>> -> memref<6272xi32, #tpu.memory_space<vmem>>
        %dma_start3A_239 = tpu.memref_slice %arg2[%add3A_233] : memref<51380224xi32, #tpu.memory_space<hbm>> -> memref<6272xi32, #tpu.memory_space<hbm>>
        tpu.enqueue_dma source(%dma_start3A_239 : memref<6272xi32, #tpu.memory_space<hbm>>) target(%dma_start3A_238 : memref<6272xi32, #tpu.memory_space<vmem>>) target_semaphore(%arg11 : memref<!tpu.dma_semaphore, #tpu.memory_space<semaphore_mem>>)
      } else {
      }
      %get3A_183 = arith.constant 0 : index
      %get3A_184 = tpu.vector_load %arg7[%get3A_183] {strides = array<i32>} : memref<6496xi32, #tpu.memory_space<vmem>>, vector<16xi32>,
      %get3A_185 = arith.constant 16 : index
      %get3A_186 = tpu.vector_load %arg7[%get3A_185] {strides = array<i32>} : memref<6496xi32, #tpu.memory_space<vmem>>, vector<16xi32>,
      %get3A_187 = arith.constant 32 : index
      %get3A_188 = tpu.vector_load %arg7[%get3A_187] {strides = array<i32>} : memref<6496xi32, #tpu.memory_space<vmem>>, vector<16xi32>,
      %get3A_189 = arith.constant 48 : index
      %get3A_190 = tpu.vector_load %arg7[%get3A_189] {strides = array<i32>} : memref<6496xi32, #tpu.memory_space<vmem>>, vector<16xi32>,
      %get3A_191 = arith.constant 64 : index
      %get3A_192 = tpu.vector_load %arg7[%get3A_191] {strides = array<i32>} : memref<6496xi32, #tpu.memory_space<vmem>>, vector<16xi32>,
      %get3A_193 = arith.constant 80 : index
      %get3A_194 = tpu.vector_load %arg7[%get3A_193] {strides = array<i32>} : memref<6496xi32, #tpu.memory_space<vmem>>, vector<16xi32>,
      %get3A_195 = arith.constant 96 : index
      %get3A_196 = tpu.vector_load %arg7[%get3A_195] {strides = array<i32>} : memref<6496xi32, #tpu.memory_space<vmem>>, vector<16xi32>,
      %get3A_197 = arith.constant 112 : index
      %get3A_198 = tpu.vector_load %arg7[%get3A_197] {strides = array<i32>} : memref<6496xi32, #tpu.memory_space<vmem>>, vector<16xi32>,
      %get3A_199 = arith.constant 128 : index
      %get3A_200 = tpu.vector_load %arg7[%get3A_199] {strides = array<i32>} : memref<6496xi32, #tpu.memory_space<vmem>>, vector<16xi32>,
      %get3A_201 = arith.constant 144 : index
      %get3A_202 = tpu.vector_load %arg7[%get3A_201] {strides = array<i32>} : memref<6496xi32, #tpu.memory_space<vmem>>, vector<16xi32>,
      %get3A_203 = arith.constant 160 : index
      %get3A_204 = tpu.vector_load %arg7[%get3A_203] {strides = array<i32>} : memref<6496xi32, #tpu.memory_space<vmem>>, vector<16xi32>,
      %get3A_205 = arith.constant 176 : index
      %get3A_206 = tpu.vector_load %arg7[%get3A_205] {strides = array<i32>} : memref<6496xi32, #tpu.memory_space<vmem>>, vector<16xi32>,
      %get3A_207 = arith.constant 192 : index
      %get3A_208 = tpu.vector_load %arg7[%get3A_207] {strides = array<i32>} : memref<6496xi32, #tpu.memory_space<vmem>>, vector<16xi32>,
      %get3A_209 = arith.constant 208 : index
      %get3A_210 = tpu.vector_load %arg7[%get3A_209] {strides = array<i32>} : memref<6496xi32, #tpu.memory_space<vmem>>, vector<16xi32>,
      %scan3A_211 = arith.constant 0 : i32
      %scan3A_212 = arith.constant 28 : i32
      %scan3A_213 = arith.addi %scan3A_211, %scan3A_212 : i32
      %scan3A_214 = arith.constant 1 : i32
      %scan3A_215:17 = scf.for %scan3A_227 = %scan3A_211 to %scan3A_213 step %scan3A_214 iter_args(%scan3A_228 = %get3A_184, %scan3A_229 = %get3A_186, %scan3A_230 = %get3A_188, %scan3A_231 = %get3A_190, %scan3A_232 = %get3A_192, %scan3A_233 = %get3A_194, %scan3A_234 = %get3A_196, %scan3A_235 = %get3A_198, %scan3A_236 = %get3A_200, %scan3A_237 = %get3A_202, %scan3A_238 = %get3A_204, %scan3A_239 = %get3A_206, %scan3A_240 = %get3A_208, %scan3A_241 = %get3A_210, %scan3A_242 = %broadcast_in_dim3A_8, %scan3A_243 = %broadcast_in_dim3A_8, %scan3A_244 = %broadcast_in_dim3A_8) -> (vector<16xi32>, vector<16xi32>, vector<16xi32>, vector<16xi32>, vector<16xi32>, vector<16xi32>, vector<16xi32>, vector<16xi32>, vector<16xi32>, vector<16xi32>, vector<16xi32>, vector<16xi32>, vector<16xi32>, vector<16xi32>, vector<16xf32>, vector<16xf32>, vector<16xf32>)  : i32 {
        %mul3A_245 = arith.constant 896 : i32
        %mul3A_246 = arith.muli %scan3A_227, %mul3A_245 : i32
        %add3A_247 = vector.broadcast %mul3A_246 : i32 to vector<16xi32>
        %add3A_248 = arith.addi %mul3A_5, %add3A_247 : vector<16xi32>
        %mul3A_249 = arith.constant 224 : i32
        %mul3A_250 = arith.muli %scan3A_227, %mul3A_249 : i32
        %add3A_251 = arith.constant 0 : i32
        %add3A_252 = arith.addi %mul3A_250, %add3A_251 : i32
        %add3A_253 = arith.constant 224 : i32
        %add3A_254 = arith.addi %add3A_252, %add3A_253 : i32
        %get3A_255 = arith.index_cast %add3A_254 : i32 to index
        %get3A_256 = tpu.vector_load %arg7[%get3A_255] {strides = array<i32>} : memref<6496xi32, #tpu.memory_space<vmem>>, vector<16xi32>,
        %add3A_257 = arith.constant 1 : i32
        %add3A_258 = arith.addi %add3A_252, %add3A_257 : i32
        %get3A_259 = arith.index_cast %add3A_258 : i32 to index
        %get3A_260 = tpu.vector_load %arg7[%get3A_259] {strides = array<i32>} : memref<6496xi32, #tpu.memory_space<vmem>>, vector<16xi32>,
        %add3A_261 = arith.addi %scan3A_228, %add3A_248 : vector<16xi32>
        %gather3A = tpu.vector_load_idx %arg5[%add3A_261] : memref<25088xf32, #tpu.memory_space<vmem>>[vector<16xi32>], vector<16xf32>,
        %add3A_262 = arith.addf %scan3A_242, %gather3A : vector<16xf32>
        %eq3A = arith.cmpi eq, %scan3A_228, %get3A_260 : vector<16xi32>
        %select_n3A_263 = arith.select %eq3A, %broadcast_in_dim3A_6, %broadcast_in_dim3A_8 : vector<16xi1>, vector<16xf32>
        %add3A_264 = arith.addf %scan3A_243, %select_n3A_263 : vector<16xf32>
        %eq3A_265 = arith.cmpi eq, %scan3A_228, %get3A_256 : vector<16xi32>
        %select_n3A_266 = arith.select %eq3A_265, %broadcast_in_dim3A_6, %broadcast_in_dim3A_8 : vector<16xi1>, vector<16xf32>
        %add3A_267 = arith.addf %scan3A_244, %select_n3A_266 : vector<16xf32>
        %mul3A_268 = arith.constant 224 : i32
        %mul3A_269 = arith.muli %scan3A_227, %mul3A_268 : i32
        %add3A_270 = arith.constant 16 : i32
        %add3A_271 = arith.addi %mul3A_269, %add3A_270 : i32
        %add3A_272 = arith.constant 224 : i32
        %add3A_273 = arith.addi %add3A_271, %add3A_272 : i32
        %get3A_274 = arith.index_cast %add3A_273 : i32 to index
        %get3A_275 = tpu.vector_load %arg7[%get3A_274] {strides = array<i32>} : memref<6496xi32, #tpu.memory_space<vmem>>, vector<16xi32>,
        %add3A_276 = arith.constant 1 : i32
        %add3A_277 = arith.addi %add3A_271, %add3A_276 : i32
        %get3A_278 = arith.index_cast %add3A_277 : i32 to index
        %get3A_279 = tpu.vector_load %arg7[%get3A_278] {strides = array<i32>} : memref<6496xi32, #tpu.memory_space<vmem>>, vector<16xi32>,
        %add3A_280 = arith.constant 64 : i32
        %add3A_281 = vector.broadcast %add3A_280 : i32 to vector<16xi32>
        %add3A_282 = arith.addi %scan3A_229, %add3A_281 : vector<16xi32>
        %add3A_283 = arith.addi %add3A_282, %add3A_248 : vector<16xi32>
        %gather3A_284 = tpu.vector_load_idx %arg5[%add3A_283] : memref<25088xf32, #tpu.memory_space<vmem>>[vector<16xi32>], vector<16xf32>,
        %add3A_285 = arith.addf %add3A_262, %gather3A_284 : vector<16xf32>
        %eq3A_286 = arith.cmpi eq, %scan3A_229, %get3A_279 : vector<16xi32>
        %select_n3A_287 = arith.select %eq3A_286, %broadcast_in_dim3A_6, %broadcast_in_dim3A_8 : vector<16xi1>, vector<16xf32>
        %add3A_288 = arith.addf %add3A_264, %select_n3A_287 : vector<16xf32>
        %eq3A_289 = arith.cmpi eq, %scan3A_229, %get3A_275 : vector<16xi32>
        %select_n3A_290 = arith.select %eq3A_289, %broadcast_in_dim3A_6, %broadcast_in_dim3A_8 : vector<16xi1>, vector<16xf32>
        %add3A_291 = arith.addf %add3A_267, %select_n3A_290 : vector<16xf32>
        %mul3A_292 = arith.constant 224 : i32
        %mul3A_293 = arith.muli %scan3A_227, %mul3A_292 : i32
        %add3A_294 = arith.constant 32 : i32
        %add3A_295 = arith.addi %mul3A_293, %add3A_294 : i32
        %add3A_296 = arith.constant 224 : i32
        %add3A_297 = arith.addi %add3A_295, %add3A_296 : i32
        %get3A_298 = arith.index_cast %add3A_297 : i32 to index
        %get3A_299 = tpu.vector_load %arg7[%get3A_298] {strides = array<i32>} : memref<6496xi32, #tpu.memory_space<vmem>>, vector<16xi32>,
        %add3A_300 = arith.constant 1 : i32
        %add3A_301 = arith.addi %add3A_295, %add3A_300 : i32
        %get3A_302 = arith.index_cast %add3A_301 : i32 to index
        %get3A_303 = tpu.vector_load %arg7[%get3A_302] {strides = array<i32>} : memref<6496xi32, #tpu.memory_space<vmem>>, vector<16xi32>,
        %add3A_304 = arith.constant 128 : i32
        %add3A_305 = vector.broadcast %add3A_304 : i32 to vector<16xi32>
        %add3A_306 = arith.addi %scan3A_230, %add3A_305 : vector<16xi32>
        %add3A_307 = arith.addi %add3A_306, %add3A_248 : vector<16xi32>
        %gather3A_308 = tpu.vector_load_idx %arg5[%add3A_307] : memref<25088xf32, #tpu.memory_space<vmem>>[vector<16xi32>], vector<16xf32>,
        %add3A_309 = arith.addf %add3A_285, %gather3A_308 : vector<16xf32>
        %eq3A_310 = arith.cmpi eq, %scan3A_230, %get3A_303 : vector<16xi32>
        %select_n3A_311 = arith.select %eq3A_310, %broadcast_in_dim3A_6, %broadcast_in_dim3A_8 : vector<16xi1>, vector<16xf32>
        %add3A_312 = arith.addf %add3A_288, %select_n3A_311 : vector<16xf32>
        %eq3A_313 = arith.cmpi eq, %scan3A_230, %get3A_299 : vector<16xi32>
        %select_n3A_314 = arith.select %eq3A_313, %broadcast_in_dim3A_6, %broadcast_in_dim3A_8 : vector<16xi1>, vector<16xf32>
        %add3A_315 = arith.addf %add3A_291, %select_n3A_314 : vector<16xf32>
        %mul3A_316 = arith.constant 224 : i32
        %mul3A_317 = arith.muli %scan3A_227, %mul3A_316 : i32
        %add3A_318 = arith.constant 48 : i32
        %add3A_319 = arith.addi %mul3A_317, %add3A_318 : i32
        %add3A_320 = arith.constant 224 : i32
        %add3A_321 = arith.addi %add3A_319, %add3A_320 : i32
        %get3A_322 = arith.index_cast %add3A_321 : i32 to index
        %get3A_323 = tpu.vector_load %arg7[%get3A_322] {strides = array<i32>} : memref<6496xi32, #tpu.memory_space<vmem>>, vector<16xi32>,
        %add3A_324 = arith.constant 1 : i32
        %add3A_325 = arith.addi %add3A_319, %add3A_324 : i32
        %get3A_326 = arith.index_cast %add3A_325 : i32 to index
        %get3A_327 = tpu.vector_load %arg7[%get3A_326] {strides = array<i32>} : memref<6496xi32, #tpu.memory_space<vmem>>, vector<16xi32>,
        %add3A_328 = arith.constant 192 : i32
        %add3A_329 = vector.broadcast %add3A_328 : i32 to vector<16xi32>
        %add3A_330 = arith.addi %scan3A_231, %add3A_329 : vector<16xi32>
        %add3A_331 = arith.addi %add3A_330, %add3A_248 : vector<16xi32>
        %gather3A_332 = tpu.vector_load_idx %arg5[%add3A_331] : memref<25088xf32, #tpu.memory_space<vmem>>[vector<16xi32>], vector<16xf32>,
        %add3A_333 = arith.addf %add3A_309, %gather3A_332 : vector<16xf32>
        %eq3A_334 = arith.cmpi eq, %scan3A_231, %get3A_327 : vector<16xi32>
        %select_n3A_335 = arith.select %eq3A_334, %broadcast_in_dim3A_6, %broadcast_in_dim3A_8 : vector<16xi1>, vector<16xf32>
        %add3A_336 = arith.addf %add3A_312, %select_n3A_335 : vector<16xf32>
        %eq3A_337 = arith.cmpi eq, %scan3A_231, %get3A_323 : vector<16xi32>
        %select_n3A_338 = arith.select %eq3A_337, %broadcast_in_dim3A_6, %broadcast_in_dim3A_8 : vector<16xi1>, vector<16xf32>
        %add3A_339 = arith.addf %add3A_315, %select_n3A_338 : vector<16xf32>
        %mul3A_340 = arith.constant 224 : i32
        %mul3A_341 = arith.muli %scan3A_227, %mul3A_340 : i32
        %add3A_342 = arith.constant 64 : i32
        %add3A_343 = arith.addi %mul3A_341, %add3A_342 : i32
        %add3A_344 = arith.constant 224 : i32
        %add3A_345 = arith.addi %add3A_343, %add3A_344 : i32
        %get3A_346 = arith.index_cast %add3A_345 : i32 to index
        %get3A_347 = tpu.vector_load %arg7[%get3A_346] {strides = array<i32>} : memref<6496xi32, #tpu.memory_space<vmem>>, vector<16xi32>,
        %add3A_348 = arith.constant 1 : i32
        %add3A_349 = arith.addi %add3A_343, %add3A_348 : i32
        %get3A_350 = arith.index_cast %add3A_349 : i32 to index
        %get3A_351 = tpu.vector_load %arg7[%get3A_350] {strides = array<i32>} : memref<6496xi32, #tpu.memory_space<vmem>>, vector<16xi32>,
        %add3A_352 = arith.constant 256 : i32
        %add3A_353 = vector.broadcast %add3A_352 : i32 to vector<16xi32>
        %add3A_354 = arith.addi %scan3A_232, %add3A_353 : vector<16xi32>
        %add3A_355 = arith.addi %add3A_354, %add3A_248 : vector<16xi32>
        %gather3A_356 = tpu.vector_load_idx %arg5[%add3A_355] : memref<25088xf32, #tpu.memory_space<vmem>>[vector<16xi32>], vector<16xf32>,
        %add3A_357 = arith.addf %add3A_333, %gather3A_356 : vector<16xf32>
        %eq3A_358 = arith.cmpi eq, %scan3A_232, %get3A_351 : vector<16xi32>
        %select_n3A_359 = arith.select %eq3A_358, %broadcast_in_dim3A_6, %broadcast_in_dim3A_8 : vector<16xi1>, vector<16xf32>
        %add3A_360 = arith.addf %add3A_336, %select_n3A_359 : vector<16xf32>
        %eq3A_361 = arith.cmpi eq, %scan3A_232, %get3A_347 : vector<16xi32>
        %select_n3A_362 = arith.select %eq3A_361, %broadcast_in_dim3A_6, %broadcast_in_dim3A_8 : vector<16xi1>, vector<16xf32>
        %add3A_363 = arith.addf %add3A_339, %select_n3A_362 : vector<16xf32>
        %mul3A_364 = arith.constant 224 : i32
        %mul3A_365 = arith.muli %scan3A_227, %mul3A_364 : i32
        %add3A_366 = arith.constant 80 : i32
        %add3A_367 = arith.addi %mul3A_365, %add3A_366 : i32
        %add3A_368 = arith.constant 224 : i32
        %add3A_369 = arith.addi %add3A_367, %add3A_368 : i32
        %get3A_370 = arith.index_cast %add3A_369 : i32 to index
        %get3A_371 = tpu.vector_load %arg7[%get3A_370] {strides = array<i32>} : memref<6496xi32, #tpu.memory_space<vmem>>, vector<16xi32>,
        %add3A_372 = arith.constant 1 : i32
        %add3A_373 = arith.addi %add3A_367, %add3A_372 : i32
        %get3A_374 = arith.index_cast %add3A_373 : i32 to index
        %get3A_375 = tpu.vector_load %arg7[%get3A_374] {strides = array<i32>} : memref<6496xi32, #tpu.memory_space<vmem>>, vector<16xi32>,
        %add3A_376 = arith.constant 320 : i32
        %add3A_377 = vector.broadcast %add3A_376 : i32 to vector<16xi32>
        %add3A_378 = arith.addi %scan3A_233, %add3A_377 : vector<16xi32>
        %add3A_379 = arith.addi %add3A_378, %add3A_248 : vector<16xi32>
        %gather3A_380 = tpu.vector_load_idx %arg5[%add3A_379] : memref<25088xf32, #tpu.memory_space<vmem>>[vector<16xi32>], vector<16xf32>,
        %add3A_381 = arith.addf %add3A_357, %gather3A_380 : vector<16xf32>
        %eq3A_382 = arith.cmpi eq, %scan3A_233, %get3A_375 : vector<16xi32>
        %select_n3A_383 = arith.select %eq3A_382, %broadcast_in_dim3A_6, %broadcast_in_dim3A_8 : vector<16xi1>, vector<16xf32>
        %add3A_384 = arith.addf %add3A_360, %select_n3A_383 : vector<16xf32>
        %eq3A_385 = arith.cmpi eq, %scan3A_233, %get3A_371 : vector<16xi32>
        %select_n3A_386 = arith.select %eq3A_385, %broadcast_in_dim3A_6, %broadcast_in_dim3A_8 : vector<16xi1>, vector<16xf32>
        %add3A_387 = arith.addf %add3A_363, %select_n3A_386 : vector<16xf32>
        %mul3A_388 = arith.constant 224 : i32
        %mul3A_389 = arith.muli %scan3A_227, %mul3A_388 : i32
        %add3A_390 = arith.constant 96 : i32
        %add3A_391 = arith.addi %mul3A_389, %add3A_390 : i32
        %add3A_392 = arith.constant 224 : i32
        %add3A_393 = arith.addi %add3A_391, %add3A_392 : i32
        %get3A_394 = arith.index_cast %add3A_393 : i32 to index
        %get3A_395 = tpu.vector_load %arg7[%get3A_394] {strides = array<i32>} : memref<6496xi32, #tpu.memory_space<vmem>>, vector<16xi32>,
        %add3A_396 = arith.constant 1 : i32
        %add3A_397 = arith.addi %add3A_391, %add3A_396 : i32
        %get3A_398 = arith.index_cast %add3A_397 : i32 to index
        %get3A_399 = tpu.vector_load %arg7[%get3A_398] {strides = array<i32>} : memref<6496xi32, #tpu.memory_space<vmem>>, vector<16xi32>,
        %add3A_400 = arith.constant 384 : i32
        %add3A_401 = vector.broadcast %add3A_400 : i32 to vector<16xi32>
        %add3A_402 = arith.addi %scan3A_234, %add3A_401 : vector<16xi32>
        %add3A_403 = arith.addi %add3A_402, %add3A_248 : vector<16xi32>
        %gather3A_404 = tpu.vector_load_idx %arg5[%add3A_403] : memref<25088xf32, #tpu.memory_space<vmem>>[vector<16xi32>], vector<16xf32>,
        %add3A_405 = arith.addf %add3A_381, %gather3A_404 : vector<16xf32>
        %eq3A_406 = arith.cmpi eq, %scan3A_234, %get3A_399 : vector<16xi32>
        %select_n3A_407 = arith.select %eq3A_406, %broadcast_in_dim3A_6, %broadcast_in_dim3A_8 : vector<16xi1>, vector<16xf32>
        %add3A_408 = arith.addf %add3A_384, %select_n3A_407 : vector<16xf32>
        %eq3A_409 = arith.cmpi eq, %scan3A_234, %get3A_395 : vector<16xi32>
        %select_n3A_410 = arith.select %eq3A_409, %broadcast_in_dim3A_6, %broadcast_in_dim3A_8 : vector<16xi1>, vector<16xf32>
        %add3A_411 = arith.addf %add3A_387, %select_n3A_410 : vector<16xf32>
        %mul3A_412 = arith.constant 224 : i32
        %mul3A_413 = arith.muli %scan3A_227, %mul3A_412 : i32
        %add3A_414 = arith.constant 112 : i32
        %add3A_415 = arith.addi %mul3A_413, %add3A_414 : i32
        %add3A_416 = arith.constant 224 : i32
        %add3A_417 = arith.addi %add3A_415, %add3A_416 : i32
        %get3A_418 = arith.index_cast %add3A_417 : i32 to index
        %get3A_419 = tpu.vector_load %arg7[%get3A_418] {strides = array<i32>} : memref<6496xi32, #tpu.memory_space<vmem>>, vector<16xi32>,
        %add3A_420 = arith.constant 1 : i32
        %add3A_421 = arith.addi %add3A_415, %add3A_420 : i32
        %get3A_422 = arith.index_cast %add3A_421 : i32 to index
        %get3A_423 = tpu.vector_load %arg7[%get3A_422] {strides = array<i32>} : memref<6496xi32, #tpu.memory_space<vmem>>, vector<16xi32>,
        %add3A_424 = arith.constant 448 : i32
        %add3A_425 = vector.broadcast %add3A_424 : i32 to vector<16xi32>
        %add3A_426 = arith.addi %scan3A_235, %add3A_425 : vector<16xi32>
        %add3A_427 = arith.addi %add3A_426, %add3A_248 : vector<16xi32>
        %gather3A_428 = tpu.vector_load_idx %arg5[%add3A_427] : memref<25088xf32, #tpu.memory_space<vmem>>[vector<16xi32>], vector<16xf32>,
        %add3A_429 = arith.addf %add3A_405, %gather3A_428 : vector<16xf32>
        %eq3A_430 = arith.cmpi eq, %scan3A_235, %get3A_423 : vector<16xi32>
        %select_n3A_431 = arith.select %eq3A_430, %broadcast_in_dim3A_6, %broadcast_in_dim3A_8 : vector<16xi1>, vector<16xf32>
        %add3A_432 = arith.addf %add3A_408, %select_n3A_431 : vector<16xf32>
        %eq3A_433 = arith.cmpi eq, %scan3A_235, %get3A_419 : vector<16xi32>
        %select_n3A_434 = arith.select %eq3A_433, %broadcast_in_dim3A_6, %broadcast_in_dim3A_8 : vector<16xi1>, vector<16xf32>
        %add3A_435 = arith.addf %add3A_411, %select_n3A_434 : vector<16xf32>
        %mul3A_436 = arith.constant 224 : i32
        %mul3A_437 = arith.muli %scan3A_227, %mul3A_436 : i32
        %add3A_438 = arith.constant 128 : i32
        %add3A_439 = arith.addi %mul3A_437, %add3A_438 : i32
        %add3A_440 = arith.constant 224 : i32
        %add3A_441 = arith.addi %add3A_439, %add3A_440 : i32
        %get3A_442 = arith.index_cast %add3A_441 : i32 to index
        %get3A_443 = tpu.vector_load %arg7[%get3A_442] {strides = array<i32>} : memref<6496xi32, #tpu.memory_space<vmem>>, vector<16xi32>,
        %add3A_444 = arith.constant 1 : i32
        %add3A_445 = arith.addi %add3A_439, %add3A_444 : i32
        %get3A_446 = arith.index_cast %add3A_445 : i32 to index
        %get3A_447 = tpu.vector_load %arg7[%get3A_446] {strides = array<i32>} : memref<6496xi32, #tpu.memory_space<vmem>>, vector<16xi32>,
        %add3A_448 = arith.constant 512 : i32
        %add3A_449 = vector.broadcast %add3A_448 : i32 to vector<16xi32>
        %add3A_450 = arith.addi %scan3A_236, %add3A_449 : vector<16xi32>
        %add3A_451 = arith.addi %add3A_450, %add3A_248 : vector<16xi32>
        %gather3A_452 = tpu.vector_load_idx %arg5[%add3A_451] : memref<25088xf32, #tpu.memory_space<vmem>>[vector<16xi32>], vector<16xf32>,
        %add3A_453 = arith.addf %add3A_429, %gather3A_452 : vector<16xf32>
        %eq3A_454 = arith.cmpi eq, %scan3A_236, %get3A_447 : vector<16xi32>
        %select_n3A_455 = arith.select %eq3A_454, %broadcast_in_dim3A_6, %broadcast_in_dim3A_8 : vector<16xi1>, vector<16xf32>
        %add3A_456 = arith.addf %add3A_432, %select_n3A_455 : vector<16xf32>
        %eq3A_457 = arith.cmpi eq, %scan3A_236, %get3A_443 : vector<16xi32>
        %select_n3A_458 = arith.select %eq3A_457, %broadcast_in_dim3A_6, %broadcast_in_dim3A_8 : vector<16xi1>, vector<16xf32>
        %add3A_459 = arith.addf %add3A_435, %select_n3A_458 : vector<16xf32>
        %mul3A_460 = arith.constant 224 : i32
        %mul3A_461 = arith.muli %scan3A_227, %mul3A_460 : i32
        %add3A_462 = arith.constant 144 : i32
        %add3A_463 = arith.addi %mul3A_461, %add3A_462 : i32
        %add3A_464 = arith.constant 224 : i32
        %add3A_465 = arith.addi %add3A_463, %add3A_464 : i32
        %get3A_466 = arith.index_cast %add3A_465 : i32 to index
        %get3A_467 = tpu.vector_load %arg7[%get3A_466] {strides = array<i32>} : memref<6496xi32, #tpu.memory_space<vmem>>, vector<16xi32>,
        %add3A_468 = arith.constant 1 : i32
        %add3A_469 = arith.addi %add3A_463, %add3A_468 : i32
        %get3A_470 = arith.index_cast %add3A_469 : i32 to index
        %get3A_471 = tpu.vector_load %arg7[%get3A_470] {strides = array<i32>} : memref<6496xi32, #tpu.memory_space<vmem>>, vector<16xi32>,
        %add3A_472 = arith.constant 576 : i32
        %add3A_473 = vector.broadcast %add3A_472 : i32 to vector<16xi32>
        %add3A_474 = arith.addi %scan3A_237, %add3A_473 : vector<16xi32>
        %add3A_475 = arith.addi %add3A_474, %add3A_248 : vector<16xi32>
        %gather3A_476 = tpu.vector_load_idx %arg5[%add3A_475] : memref<25088xf32, #tpu.memory_space<vmem>>[vector<16xi32>], vector<16xf32>,
        %add3A_477 = arith.addf %add3A_453, %gather3A_476 : vector<16xf32>
        %eq3A_478 = arith.cmpi eq, %scan3A_237, %get3A_471 : vector<16xi32>
        %select_n3A_479 = arith.select %eq3A_478, %broadcast_in_dim3A_6, %broadcast_in_dim3A_8 : vector<16xi1>, vector<16xf32>
        %add3A_480 = arith.addf %add3A_456, %select_n3A_479 : vector<16xf32>
        %eq3A_481 = arith.cmpi eq, %scan3A_237, %get3A_467 : vector<16xi32>
        %select_n3A_482 = arith.select %eq3A_481, %broadcast_in_dim3A_6, %broadcast_in_dim3A_8 : vector<16xi1>, vector<16xf32>
        %add3A_483 = arith.addf %add3A_459, %select_n3A_482 : vector<16xf32>
        %mul3A_484 = arith.constant 224 : i32
        %mul3A_485 = arith.muli %scan3A_227, %mul3A_484 : i32
        %add3A_486 = arith.constant 160 : i32
        %add3A_487 = arith.addi %mul3A_485, %add3A_486 : i32
        %add3A_488 = arith.constant 224 : i32
        %add3A_489 = arith.addi %add3A_487, %add3A_488 : i32
        %get3A_490 = arith.index_cast %add3A_489 : i32 to index
        %get3A_491 = tpu.vector_load %arg7[%get3A_490] {strides = array<i32>} : memref<6496xi32, #tpu.memory_space<vmem>>, vector<16xi32>,
        %add3A_492 = arith.constant 1 : i32
        %add3A_493 = arith.addi %add3A_487, %add3A_492 : i32
        %get3A_494 = arith.index_cast %add3A_493 : i32 to index
        %get3A_495 = tpu.vector_load %arg7[%get3A_494] {strides = array<i32>} : memref<6496xi32, #tpu.memory_space<vmem>>, vector<16xi32>,
        %add3A_496 = arith.constant 640 : i32
        %add3A_497 = vector.broadcast %add3A_496 : i32 to vector<16xi32>
        %add3A_498 = arith.addi %scan3A_238, %add3A_497 : vector<16xi32>
        %add3A_499 = arith.addi %add3A_498, %add3A_248 : vector<16xi32>
        %gather3A_500 = tpu.vector_load_idx %arg5[%add3A_499] : memref<25088xf32, #tpu.memory_space<vmem>>[vector<16xi32>], vector<16xf32>,
        %add3A_501 = arith.addf %add3A_477, %gather3A_500 : vector<16xf32>
        %eq3A_502 = arith.cmpi eq, %scan3A_238, %get3A_495 : vector<16xi32>
        %select_n3A_503 = arith.select %eq3A_502, %broadcast_in_dim3A_6, %broadcast_in_dim3A_8 : vector<16xi1>, vector<16xf32>
        %add3A_504 = arith.addf %add3A_480, %select_n3A_503 : vector<16xf32>
        %eq3A_505 = arith.cmpi eq, %scan3A_238, %get3A_491 : vector<16xi32>
        %select_n3A_506 = arith.select %eq3A_505, %broadcast_in_dim3A_6, %broadcast_in_dim3A_8 : vector<16xi1>, vector<16xf32>
        %add3A_507 = arith.addf %add3A_483, %select_n3A_506 : vector<16xf32>
        %mul3A_508 = arith.constant 224 : i32
        %mul3A_509 = arith.muli %scan3A_227, %mul3A_508 : i32
        %add3A_510 = arith.constant 176 : i32
        %add3A_511 = arith.addi %mul3A_509, %add3A_510 : i32
        %add3A_512 = arith.constant 224 : i32
        %add3A_513 = arith.addi %add3A_511, %add3A_512 : i32
        %get3A_514 = arith.index_cast %add3A_513 : i32 to index
        %get3A_515 = tpu.vector_load %arg7[%get3A_514] {strides = array<i32>} : memref<6496xi32, #tpu.memory_space<vmem>>, vector<16xi32>,
        %add3A_516 = arith.constant 1 : i32
        %add3A_517 = arith.addi %add3A_511, %add3A_516 : i32
        %get3A_518 = arith.index_cast %add3A_517 : i32 to index
        %get3A_519 = tpu.vector_load %arg7[%get3A_518] {strides = array<i32>} : memref<6496xi32, #tpu.memory_space<vmem>>, vector<16xi32>,
        %add3A_520 = arith.constant 704 : i32
        %add3A_521 = vector.broadcast %add3A_520 : i32 to vector<16xi32>
        %add3A_522 = arith.addi %scan3A_239, %add3A_521 : vector<16xi32>
        %add3A_523 = arith.addi %add3A_522, %add3A_248 : vector<16xi32>
        %gather3A_524 = tpu.vector_load_idx %arg5[%add3A_523] : memref<25088xf32, #tpu.memory_space<vmem>>[vector<16xi32>], vector<16xf32>,
        %add3A_525 = arith.addf %add3A_501, %gather3A_524 : vector<16xf32>
        %eq3A_526 = arith.cmpi eq, %scan3A_239, %get3A_519 : vector<16xi32>
        %select_n3A_527 = arith.select %eq3A_526, %broadcast_in_dim3A_6, %broadcast_in_dim3A_8 : vector<16xi1>, vector<16xf32>
        %add3A_528 = arith.addf %add3A_504, %select_n3A_527 : vector<16xf32>
        %eq3A_529 = arith.cmpi eq, %scan3A_239, %get3A_515 : vector<16xi32>
        %select_n3A_530 = arith.select %eq3A_529, %broadcast_in_dim3A_6, %broadcast_in_dim3A_8 : vector<16xi1>, vector<16xf32>
        %add3A_531 = arith.addf %add3A_507, %select_n3A_530 : vector<16xf32>
        %mul3A_532 = arith.constant 224 : i32
        %mul3A_533 = arith.muli %scan3A_227, %mul3A_532 : i32
        %add3A_534 = arith.constant 192 : i32
        %add3A_535 = arith.addi %mul3A_533, %add3A_534 : i32
        %add3A_536 = arith.constant 224 : i32
        %add3A_537 = arith.addi %add3A_535, %add3A_536 : i32
        %get3A_538 = arith.index_cast %add3A_537 : i32 to index
        %get3A_539 = tpu.vector_load %arg7[%get3A_538] {strides = array<i32>} : memref<6496xi32, #tpu.memory_space<vmem>>, vector<16xi32>,
        %add3A_540 = arith.constant 1 : i32
        %add3A_541 = arith.addi %add3A_535, %add3A_540 : i32
        %get3A_542 = arith.index_cast %add3A_541 : i32 to index
        %get3A_543 = tpu.vector_load %arg7[%get3A_542] {strides = array<i32>} : memref<6496xi32, #tpu.memory_space<vmem>>, vector<16xi32>,
        %add3A_544 = arith.constant 768 : i32
        %add3A_545 = vector.broadcast %add3A_544 : i32 to vector<16xi32>
        %add3A_546 = arith.addi %scan3A_240, %add3A_545 : vector<16xi32>
        %add3A_547 = arith.addi %add3A_546, %add3A_248 : vector<16xi32>
        %gather3A_548 = tpu.vector_load_idx %arg5[%add3A_547] : memref<25088xf32, #tpu.memory_space<vmem>>[vector<16xi32>], vector<16xf32>,
        %add3A_549 = arith.addf %add3A_525, %gather3A_548 : vector<16xf32>
        %eq3A_550 = arith.cmpi eq, %scan3A_240, %get3A_543 : vector<16xi32>
        %select_n3A_551 = arith.select %eq3A_550, %broadcast_in_dim3A_6, %broadcast_in_dim3A_8 : vector<16xi1>, vector<16xf32>
        %add3A_552 = arith.addf %add3A_528, %select_n3A_551 : vector<16xf32>
        %eq3A_553 = arith.cmpi eq, %scan3A_240, %get3A_539 : vector<16xi32>
        %select_n3A_554 = arith.select %eq3A_553, %broadcast_in_dim3A_6, %broadcast_in_dim3A_8 : vector<16xi1>, vector<16xf32>
        %add3A_555 = arith.addf %add3A_531, %select_n3A_554 : vector<16xf32>
        %mul3A_556 = arith.constant 224 : i32
        %mul3A_557 = arith.muli %scan3A_227, %mul3A_556 : i32
        %add3A_558 = arith.constant 208 : i32
        %add3A_559 = arith.addi %mul3A_557, %add3A_558 : i32
        %add3A_560 = arith.constant 224 : i32
        %add3A_561 = arith.addi %add3A_559, %add3A_560 : i32
        %get3A_562 = arith.index_cast %add3A_561 : i32 to index
        %get3A_563 = tpu.vector_load %arg7[%get3A_562] {strides = array<i32>} : memref<6496xi32, #tpu.memory_space<vmem>>, vector<16xi32>,
        %add3A_564 = arith.constant 1 : i32
        %add3A_565 = arith.addi %add3A_559, %add3A_564 : i32
        %get3A_566 = arith.index_cast %add3A_565 : i32 to index
        %get3A_567 = tpu.vector_load %arg7[%get3A_566] {strides = array<i32>} : memref<6496xi32, #tpu.memory_space<vmem>>, vector<16xi32>,
        %add3A_568 = arith.constant 832 : i32
        %add3A_569 = vector.broadcast %add3A_568 : i32 to vector<16xi32>
        %add3A_570 = arith.addi %scan3A_241, %add3A_569 : vector<16xi32>
        %add3A_571 = arith.addi %add3A_570, %add3A_248 : vector<16xi32>
        %gather3A_572 = tpu.vector_load_idx %arg5[%add3A_571] : memref<25088xf32, #tpu.memory_space<vmem>>[vector<16xi32>], vector<16xf32>,
        %add3A_573 = arith.addf %add3A_549, %gather3A_572 : vector<16xf32>
        %eq3A_574 = arith.cmpi eq, %scan3A_241, %get3A_567 : vector<16xi32>
        %select_n3A_575 = arith.select %eq3A_574, %select_n3A, %broadcast_in_dim3A_8 : vector<16xi1>, vector<16xf32>
        %add3A_576 = arith.addf %add3A_552, %select_n3A_575 : vector<16xf32>
        %eq3A_577 = arith.cmpi eq, %scan3A_241, %get3A_563 : vector<16xi32>
        %select_n3A_578 = arith.select %eq3A_577, %broadcast_in_dim3A_6, %broadcast_in_dim3A_8 : vector<16xi1>, vector<16xf32>
        %add3A_579 = arith.addf %add3A_555, %select_n3A_578 : vector<16xf32>
        scf.yield %get3A_256, %get3A_275, %get3A_299, %get3A_323, %get3A_347, %get3A_371, %get3A_395, %get3A_419, %get3A_443, %get3A_467, %get3A_491, %get3A_515, %get3A_539, %get3A_563, %add3A_573, %add3A_576, %add3A_579 : vector<16xi32>, vector<16xi32>, vector<16xi32>, vector<16xi32>, vector<16xi32>, vector<16xi32>, vector<16xi32>, vector<16xi32>, vector<16xi32>, vector<16xi32>, vector<16xi32>, vector<16xi32>, vector<16xi32>, vector<16xi32>, vector<16xf32>, vector<16xf32>, vector<16xf32>
      }
      %scan3A_216 = arith.constant 28 : i32
      %swap3A_217 = arith.index_cast %add3A_167 : i32 to index
      %swap3A_218 = arith.constant 0 : index
      %swap3A_219 = tpu.vector_load %arg8[%swap3A_217, %swap3A_218] {strides = array<i32>} : memref<32x16xf32, #tpu.memory_space<vmem>>, vector<16xf32>,
      tpu.vector_store %arg8[%swap3A_217, %swap3A_218], %scan3A_215#14 {add = true, strides = array<i32>} : memref<32x16xf32, #tpu.memory_space<vmem>>, vector<16xf32>,
      %swap3A_220 = arith.index_cast %add3A_167 : i32 to index
      %swap3A_221 = arith.constant 0 : index
      %swap3A_222 = tpu.vector_load %arg9[%swap3A_220, %swap3A_221] {strides = array<i32>} : memref<32x16xf32, #tpu.memory_space<vmem>>, vector<16xf32>,
      tpu.vector_store %arg9[%swap3A_220, %swap3A_221], %scan3A_215#15 {add = true, strides = array<i32>} : memref<32x16xf32, #tpu.memory_space<vmem>>, vector<16xf32>,
      %swap3A_223 = arith.index_cast %add3A_167 : i32 to index
      %swap3A_224 = arith.constant 0 : index
      %swap3A_225 = tpu.vector_load %arg10[%swap3A_223, %swap3A_224] {strides = array<i32>} : memref<32x16xf32, #tpu.memory_space<vmem>>, vector<16xf32>,
      tpu.vector_store %arg10[%swap3A_223, %swap3A_224], %scan3A_215#16 {add = true, strides = array<i32>} : memref<32x16xf32, #tpu.memory_space<vmem>>, vector<16xf32>,
      %scan3A_226 = arith.constant 0 : i32
      scf.yield %scan3A_226 : i32
    }
    %scan3A_101 = arith.constant 16 : i32
    %run_scoped3A = arith.constant 0 : i32
    "tpu.region"() ({
      %run_scoped3A_104 = tpu.sem_alloc : memref<!tpu.dma_semaphore, #tpu.memory_space<semaphore_mem>>
      %dma_start3A_105 = arith.constant 0 : i32
      %dma_start3A_106 = tpu.memref_slice %arg4[%run_scoped3A, %mul3A_2, %dma_start3A_105] : memref<3x1024x16xf32, #tpu.memory_space<hbm>> -> memref<1x32x16xf32, #tpu.memory_space<hbm>>
      %dma_start3A_107 = tpu.memref_squeeze %dma_start3A_106 : memref<1x32x16xf32, #tpu.memory_space<hbm>> -> memref<32x16xf32, #tpu.memory_space<hbm>>
      %dma_start3A_108 = arith.constant 0 : i32
      %dma_start3A_109 = tpu.memref_slice %arg4[%run_scoped3A, %mul3A_2, %dma_start3A_108] : memref<3x1024x16xf32, #tpu.memory_space<hbm>> -> memref<1x32x16xf32, #tpu.memory_space<hbm>>
      %dma_start3A_110 = tpu.memref_squeeze %dma_start3A_109 : memref<1x32x16xf32, #tpu.memory_space<hbm>> -> memref<32x16xf32, #tpu.memory_space<hbm>>
      tpu.enqueue_dma source(%arg8 : memref<32x16xf32, #tpu.memory_space<vmem>>) target(%dma_start3A_110 : memref<32x16xf32, #tpu.memory_space<hbm>>) target_semaphore(%run_scoped3A_104 : memref<!tpu.dma_semaphore, #tpu.memory_space<semaphore_mem>>)
      %dma_wait3A = arith.constant 0 : i32
      %dma_wait3A_111 = tpu.memref_slice %arg4[%run_scoped3A, %mul3A_2, %dma_wait3A] : memref<3x1024x16xf32, #tpu.memory_space<hbm>> -> memref<1x32x16xf32, #tpu.memory_space<hbm>>
      %dma_wait3A_112 = tpu.memref_squeeze %dma_wait3A_111 : memref<1x32x16xf32, #tpu.memory_space<hbm>> -> memref<32x16xf32, #tpu.memory_space<hbm>>
      %dma_wait3A_113 = arith.constant 0 : i32
      %dma_wait3A_114 = tpu.memref_slice %arg4[%run_scoped3A, %mul3A_2, %dma_wait3A_113] : memref<3x1024x16xf32, #tpu.memory_space<hbm>> -> memref<1x32x16xf32, #tpu.memory_space<hbm>>
      %dma_wait3A_115 = tpu.memref_squeeze %dma_wait3A_114 : memref<1x32x16xf32, #tpu.memory_space<hbm>> -> memref<32x16xf32, #tpu.memory_space<hbm>>
      tpu.wait_dma2 semaphore(%run_scoped3A_104 : memref<!tpu.dma_semaphore, #tpu.memory_space<semaphore_mem>>) src(%arg8 : memref<32x16xf32, #tpu.memory_space<vmem>>) dst(%dma_wait3A_115 : memref<32x16xf32, #tpu.memory_space<hbm>>)
      tpu.yield
    }) : () -> ()
    %run_scoped3A_102 = arith.constant 1 : i32
    "tpu.region"() ({
      %run_scoped3A_104 = tpu.sem_alloc : memref<!tpu.dma_semaphore, #tpu.memory_space<semaphore_mem>>
      %dma_start3A_105 = arith.constant 0 : i32
      %dma_start3A_106 = tpu.memref_slice %arg4[%run_scoped3A_102, %mul3A_2, %dma_start3A_105] : memref<3x1024x16xf32, #tpu.memory_space<hbm>> -> memref<1x32x16xf32, #tpu.memory_space<hbm>>
      %dma_start3A_107 = tpu.memref_squeeze %dma_start3A_106 : memref<1x32x16xf32, #tpu.memory_space<hbm>> -> memref<32x16xf32, #tpu.memory_space<hbm>>
      %dma_start3A_108 = arith.constant 0 : i32
      %dma_start3A_109 = tpu.memref_slice %arg4[%run_scoped3A_102, %mul3A_2, %dma_start3A_108] : memref<3x1024x16xf32, #tpu.memory_space<hbm>> -> memref<1x32x16xf32, #tpu.memory_space<hbm>>
      %dma_start3A_110 = tpu.memref_squeeze %dma_start3A_109 : memref<1x32x16xf32, #tpu.memory_space<hbm>> -> memref<32x16xf32, #tpu.memory_space<hbm>>
      tpu.enqueue_dma source(%arg9 : memref<32x16xf32, #tpu.memory_space<vmem>>) target(%dma_start3A_110 : memref<32x16xf32, #tpu.memory_space<hbm>>) target_semaphore(%run_scoped3A_104 : memref<!tpu.dma_semaphore, #tpu.memory_space<semaphore_mem>>)
      %dma_wait3A = arith.constant 0 : i32
      %dma_wait3A_111 = tpu.memref_slice %arg4[%run_scoped3A_102, %mul3A_2, %dma_wait3A] : memref<3x1024x16xf32, #tpu.memory_space<hbm>> -> memref<1x32x16xf32, #tpu.memory_space<hbm>>
      %dma_wait3A_112 = tpu.memref_squeeze %dma_wait3A_111 : memref<1x32x16xf32, #tpu.memory_space<hbm>> -> memref<32x16xf32, #tpu.memory_space<hbm>>
      %dma_wait3A_113 = arith.constant 0 : i32
      %dma_wait3A_114 = tpu.memref_slice %arg4[%run_scoped3A_102, %mul3A_2, %dma_wait3A_113] : memref<3x1024x16xf32, #tpu.memory_space<hbm>> -> memref<1x32x16xf32, #tpu.memory_space<hbm>>
      %dma_wait3A_115 = tpu.memref_squeeze %dma_wait3A_114 : memref<1x32x16xf32, #tpu.memory_space<hbm>> -> memref<32x16xf32, #tpu.memory_space<hbm>>
      tpu.wait_dma2 semaphore(%run_scoped3A_104 : memref<!tpu.dma_semaphore, #tpu.memory_space<semaphore_mem>>) src(%arg9 : memref<32x16xf32, #tpu.memory_space<vmem>>) dst(%dma_wait3A_115 : memref<32x16xf32, #tpu.memory_space<hbm>>)
      tpu.yield
    }) : () -> ()
    %run_scoped3A_103 = arith.constant 2 : i32
    "tpu.region"() ({
      %run_scoped3A_104 = tpu.sem_alloc : memref<!tpu.dma_semaphore, #tpu.memory_space<semaphore_mem>>
      %dma_start3A_105 = arith.constant 0 : i32
      %dma_start3A_106 = tpu.memref_slice %arg4[%run_scoped3A_103, %mul3A_2, %dma_start3A_105] : memref<3x1024x16xf32, #tpu.memory_space<hbm>> -> memref<1x32x16xf32, #tpu.memory_space<hbm>>
      %dma_start3A_107 = tpu.memref_squeeze %dma_start3A_106 : memref<1x32x16xf32, #tpu.memory_space<hbm>> -> memref<32x16xf32, #tpu.memory_space<hbm>>
      %dma_start3A_108 = arith.constant 0 : i32
      %dma_start3A_109 = tpu.memref_slice %arg4[%run_scoped3A_103, %mul3A_2, %dma_start3A_108] : memref<3x1024x16xf32, #tpu.memory_space<hbm>> -> memref<1x32x16xf32, #tpu.memory_space<hbm>>
      %dma_start3A_110 = tpu.memref_squeeze %dma_start3A_109 : memref<1x32x16xf32, #tpu.memory_space<hbm>> -> memref<32x16xf32, #tpu.memory_space<hbm>>
      tpu.enqueue_dma source(%arg10 : memref<32x16xf32, #tpu.memory_space<vmem>>) target(%dma_start3A_110 : memref<32x16xf32, #tpu.memory_space<hbm>>) target_semaphore(%run_scoped3A_104 : memref<!tpu.dma_semaphore, #tpu.memory_space<semaphore_mem>>)
      %dma_wait3A = arith.constant 0 : i32
      %dma_wait3A_111 = tpu.memref_slice %arg4[%run_scoped3A_103, %mul3A_2, %dma_wait3A] : memref<3x1024x16xf32, #tpu.memory_space<hbm>> -> memref<1x32x16xf32, #tpu.memory_space<hbm>>
      %dma_wait3A_112 = tpu.memref_squeeze %dma_wait3A_111 : memref<1x32x16xf32, #tpu.memory_space<hbm>> -> memref<32x16xf32, #tpu.memory_space<hbm>>
      %dma_wait3A_113 = arith.constant 0 : i32
      %dma_wait3A_114 = tpu.memref_slice %arg4[%run_scoped3A_103, %mul3A_2, %dma_wait3A_113] : memref<3x1024x16xf32, #tpu.memory_space<hbm>> -> memref<1x32x16xf32, #tpu.memory_space<hbm>>
      %dma_wait3A_115 = tpu.memref_squeeze %dma_wait3A_114 : memref<1x32x16xf32, #tpu.memory_space<hbm>> -> memref<32x16xf32, #tpu.memory_space<hbm>>
      tpu.wait_dma2 semaphore(%run_scoped3A_104 : memref<!tpu.dma_semaphore, #tpu.memory_space<semaphore_mem>>) src(%arg10 : memref<32x16xf32, #tpu.memory_space<vmem>>) dst(%dma_wait3A_115 : memref<32x16xf32, #tpu.memory_space<hbm>>)
      tpu.yield
    }) : () -> ()
    return
  }
}

</mosaic_0001>

<sc_bundles>
// kernel: kernel.3.cloned.1.call-start
scs
__scs_entry_jumppad:
0x0: {  	(pc) =	sbr.rel $0x88, $3  }
0x1: {  	(tag) =	ssettag $0x0;
	lr =	simm.s32 $0x1  }
0x2: {  	[smem:$0x3F9D] =	sst lr;
	_ =	strace $0xD0000000  }
0x3: {  	_ = 	snop  }
0x4: {  	_ = 	snop  }
0x5: {  	_ = 	snop  }
0x6: {  	_ = 	snop  }
0x7: {  	_ = 	snop  }
__scs_overlays_trampoline_lowered:
0x8: {  	[smem:$0x3FAC] =	sst s0  }
0x9: {  	[smem:$0x3FAD] =	sst s1  }
0xa: {  	[smem:$0x3FAE] =	sst s2  }
0xb: {  	[smem:$0x3FAF] =	sst s3  }
0xc: {  	[smem:$0x3FB0] =	sst s4  }
0xd: {  	[smem:$0x3FB1] =	sst s5  }
0xe: {  	[smem:$0x3FB2] =	sst s6  }
0xf: {  	[smem:$0x3FB3] =	sst s7  }
0x10: {  	[smem:$0x3FB4] =	sst s8  }
0x11: {  	[smem:$0x3FB5] =	sst s9;
	s0 =	simm.s32 @!p0 $0x0  }
0x12: {  	s1 =	sld [smem:$0x3F9B];
	s0 =	simm.s32 @p0 $0x1  }
0x13: {  	[smem:$0x3FB6] =	sst s0;
	s0 =	simm.s32 @!p1 $0x0  }
0x14: {  	s2 =	sld [smem:$0x3F9A];
	s0 =	simm.s32 @p1 $0x1  }
0x15: {  	[smem:$0x3FB7] =	sst s0;
	s0 =	simm.s32 @!p2 $0x0  }
0x16: {  	s3 =	sld [smem:$0x3FDB];
	s0 =	simm.s32 @p2 $0x1  }
0x17: {  	s4 =	simm.s32 $0x1BF5;
	[smem:$0x3FB9] =	sst s0  }
0x18: {  	s0 =	sld [smem:$0x3F9C];
	_ =	swait.ge [sflag:s4], $0x0  }
0x19: {  	s7 =	sld [smem:$0x3F9D]  }
0x1a: {  	s8 =	sadd.s32 $0xFFFFE003, lr  }
0x1b: {  	s9 =	sadd.s32 $0xFFFFFEF7, lr;
	s5 =	simm.s32 $0xFFFFFFFF;
	p2 =	slt.u32 s8, $0xFFFFF086  }
0x1c: {  	p1 =	slt.u32 s9, $0xF7A;
	s5 =	simm.s32 @!p2 $0x0  }
0x1d: {  	s5 =	simm.s32 @p1 $0x1;
	p0 =	seq.s32 s7, s2  }
0x1e: {  	s7 =	smul.u32 @!p0 $0xF7A, s2;
	p2 =	seq.s32 @!p0 s5, $0x0  }
0x1f: {  	s9 =	smul.u32 $0xF7A, s1;
	s8 =	simm.s32 @!p0 $0x1BF5;
	p2 =	por !p2, p0  }
0x20: {  	[sflag:s8] =	ssyncset.s32 @!p0 $0xFFFFF086;
	s6 =	sadd.s32 @!p0 s3, s7;
	s7 =	simm.s32 @!p0 $0x108  }
0x21: {  	s3 =	sadd.s32 s3, s9;
	s6 =	sadd.s32 @!p0 $0x88, s6;
	s7 =	simm.s32 @p2 $0x1082  }
0x22: {  	[simem:s7], [sflag:s8] =	dma.local @!p0 [hbm:s6], $0xF7A  }
0x23: {  	s9 =	sor.u32 $0xD0000000, s2;
	s6 =	simm.s32 $0x108;
	_ =	swait.ge @!p0 [sflag:s8], $0x0  }
0x24: {  	s3 =	sadd.s32 $0x88, s3;
	s6 =	simm.s32 @!p1 $0x1082;
	[sflag:s4] =	ssyncset.s32 $0xFFFFF086  }
0x25: {  	[simem:s6], [sflag:s4] =	dma.local [hbm:s3], $0xF7A  }
0x26: {  	[smem:$0x3F9D] =	sst s1;
	(tag) =	ssettag s2;
	_ =	strace s9  }
0x27: {  	s1 =	sld [smem:$0x3FAD]  }
0x28: {  	s2 =	sld [smem:$0x3FAE]  }
0x29: {  	s4 =	sld [smem:$0x3FB0]  }
0x2a: {  	p0 =	seq.s32 s5, $0x0;
	s5 =	sld [smem:$0x3FB1]  }
0x2b: {  	s6 =	sld [smem:$0x3FB2]  }
0x2c: {  	s7 =	sld [smem:$0x3FB3]  }
0x2d: {  	s3 =	simm.s32 $0x108;
	s8 =	sld [smem:$0x3FB4]  }
0x2e: {  	s3 =	simm.s32 @!p0 $0x1082;
	s9 =	sld [smem:$0x3FB5]  }
0x2f: {  	lr =	sadd.s32 s0, s3;
	s0 =	sld [smem:$0x3FAC]  }
0x30: {  	s3 =	sld [smem:$0x3FAF]  }
0x31: {  	[smem:$0x3FB8] =	sst s10  }
0x32: {  	s10 =	sld [smem:$0x3FB6];
	_ =	sdelay $0x3  }
0x33: {  	p0 =	seq.s32 s10, $0x1;
	s10 =	sld [smem:$0x3FB8];
	_ =	sdelay $0x3  }
0x34: {  	[smem:$0x3FB8] =	sst s10  }
0x35: {  	s10 =	sld [smem:$0x3FB7];
	_ =	sdelay $0x3  }
0x36: {  	p1 =	seq.s32 s10, $0x1;
	s10 =	sld [smem:$0x3FB8];
	_ =	sdelay $0x3  }
0x37: {  	[smem:$0x3FB8] =	sst s10  }
0x38: {  	s10 =	sld [smem:$0x3FB9]  }
0x39: {  	_ = 	snop;
	(pc) =	sbr.ind lr, $3  }
0x3a: {  	_ = 	snop  }
0x3b: {  	_ = 	snop  }
0x3c: {  	p2 =	seq.s32 s10, $0x1;
	s10 =	sld [smem:$0x3FB8]  }
0x3d: {  	_ =	shalt  }
0x3e: {  	_ =	shalt  }
0x3f: {  	_ =	shalt  }
0x40: {  	_ =	shalt  }
0x41: {  	_ =	shalt  }
0x42: {  	_ =	shalt  }
0x43: {  	_ =	shalt  }
0x44: {  	_ =	shalt  }
0x45: {  	_ =	shalt  }
0x46: {  	_ =	shalt  }
0x47: {  	_ =	shalt  }
0x48: {  	_ =	shalt  }
0x49: {  	_ =	shalt  }
0x4a: {  	_ =	shalt  }
0x4b: {  	_ =	shalt  }
0x4c: {  	_ =	shalt  }
0x4d: {  	_ =	shalt  }
0x4e: {  	_ =	shalt  }
0x4f: {  	_ =	shalt  }
0x50: {  	_ =	shalt  }
0x51: {  	_ =	shalt  }
0x52: {  	_ =	shalt  }
0x53: {  	_ =	shalt  }
0x54: {  	_ =	shalt  }
0x55: {  	_ =	shalt  }
0x56: {  	_ =	shalt  }
0x57: {  	_ =	shalt  }
0x58: {  	_ =	shalt  }
0x59: {  	_ =	shalt  }
0x5a: {  	_ =	shalt  }
0x5b: {  	_ =	shalt  }
0x5c: {  	_ =	shalt  }
0x5d: {  	_ =	shalt  }
0x5e: {  	_ =	shalt  }
0x5f: {  	_ =	shalt  }
0x60: {  	_ =	shalt  }
0x61: {  	_ =	shalt  }
0x62: {  	_ =	shalt  }
0x63: {  	_ =	shalt  }
0x64: {  	_ =	shalt  }
0x65: {  	_ =	shalt  }
0x66: {  	_ =	shalt  }
0x67: {  	_ =	shalt  }
0x68: {  	_ =	shalt  }
0x69: {  	_ =	shalt  }
0x6a: {  	_ =	shalt  }
0x6b: {  	_ =	shalt  }
0x6c: {  	_ =	shalt  }
0x6d: {  	_ =	shalt  }
0x6e: {  	_ =	shalt  }
0x6f: {  	_ =	shalt  }
0x70: {  	_ =	shalt  }
0x71: {  	_ =	shalt  }
0x72: {  	_ =	shalt  }
0x73: {  	_ =	shalt  }
0x74: {  	_ =	shalt  }
0x75: {  	_ =	shalt  }
0x76: {  	_ =	shalt  }
0x77: {  	_ =	shalt  }
0x78: {  	_ =	shalt  }
0x79: {  	_ =	shalt  }
0x7a: {  	_ =	shalt  }
0x7b: {  	_ =	shalt  }
0x7c: {  	_ =	shalt  }
0x7d: {  	_ =	shalt  }
0x7e: {  	_ =	shalt  }
0x7f: {  	_ =	shalt  }
0x80: {  	_ =	shalt  }
0x81: {  	_ =	shalt  }
0x82: {  	_ =	shalt  }
0x83: {  	_ =	shalt  }
0x84: {  	_ =	shalt  }
0x85: {  	_ =	shalt  }
0x86: {  	_ =	shalt  }
0x87: {  	_ =	shalt  }
.Lfunc_end0:
.L_simem_size_0:
called_computation_lowered:
.L_overlay_start_0:
0x88: {  	s2 =	sld [smem:$0x3FD9]  }
0x89: {  	s3 =	sld [smem:$0x3FFE];
	_ =	sdelay $0x1  }
0x8a: {  	s1 =	srdreg.scid  }
0x8b: {  	s0 =	sand.u32 $0x1, s1  }
0x8c: {  	s16 =	sshll.u32 s0, $0xA;
	s2 =	sadd.s32 s3, s2  }
0x8d: {  	s2 =	sadd.s32 s2, s16  }
0x8e: {  	[smem:$0x3FC4] =	sst s2  }
0x8f: {  	_ = 	snop  }
0x90: {  	(tm) =	ssettm $0x1  }
0x91: {  	s17 =	sld [smem:$0x3FFB];
	_ =	sdelay $0x3  }
0x92: {  	_ =	strace s17  }
0x93: {  	s2 =	sld [smem:$0x3FFC];
	_ =	sdelay $0x3  }
0x94: {  	_ =	strace s2  }
0x95: {  	s2 =	sld [smem:$0x3FFD];
	_ =	sdelay $0x3  }
0x96: {  	_ =	strace s2  }
0x97: {  	_ =	strace $0x8FFFFFFF  }
0x98: {  	s18 =	sld [smem:$0x3FDB];
	_ =	sdelay $0x1  }
0x99: {  	s19 =	simm.s32 $_scs_section_size  }
0x9a: {  	s4 =	simm.s32 $_size__tile_overlayer_lowered;
	s5 =	simm.s32 $_tile_overlayer_lowered  }
0x9b: {  	s22 =	simm.s32 $0x1BFF;
	s21 =	sshll.u32 s5, $0x1;
	s2 =	sadd.s32 s19, s18  }
0x9c: {  	s6 =	simm.s32 $0x0;
	s20 =	sshll.u32 s4, $0x1;
	s4 =	sadd.s32 s21, s2  }
0x9d: {  	[timem:s6], [sflag:s22] =	dma.local [hbm:s4], s20  }
0x9e: {  	_ =	swait.ge [sflag:s22], s20  }
0x9f: {  	s3 =	ssub.s32 $0x0, s20;
	[sflag:s22] =	ssyncset.done $0x0  }
0xa0: {  	[sflag:s22] =	ssyncadd.s32 s3;
	_ =	sdelay $0x1  }
0xa1: {  	s23 =	simm.s32 $0x1B8B  }
0xa2: {  	_ =	swait.ge [sflag:s23], $0x1  }
0xa3: {  	[sflag:s23] =	ssyncset.done $0x0  }
0xa4: {  	s25 =	simm.s32 $0x1B8E;
	s24 =	sld [smem:$0x3FFE];
	[sflag:s23] =	ssyncadd.s32 $0xFFFFFFFF  }
0xa5: {  	s26 =	simm.s32 $execute0_lowered;
	[smem:$0x3FD2] =	sst s25  }
0xa6: {  	s4 =	sshll.u32 s26, $0x1;
	_ =	strace $0x80000046;
	[dreg:$0x1] =	wrdreg $0xFFFFFFFF  }
0xa7: {  	s28 =	simm.s32 $_size_execute0_lowered;
	s2 =	sadd.s32 s2, s4;
	[dreg:$0x0] =	wrdreg $0x0  }
0xa8: {  	s4 =	sshll.u32 s28, $0x1;
	[dreg:$0x2] =	wrdreg s2  }
0xa9: {  	[dreg:$0x3] =	wrdreg s4  }
0xaa: {  	[dreg:$0x4] =	wrdreg $0xC0  }
0xab: {  	_ =	task [dreg:s6], $0x5FFFF  }
0xac: {  	[dreg:$0x1] =	wrdreg $0xFFFFFFFF  }
0xad: {  	[dreg:$0x0] =	wrdreg $0x60  }
0xae: {  	[dreg:$0x2] =	wrdreg s24  }
0xaf: {  	[dreg:$0x3] =	wrdreg $0x9  }
0xb0: {  	_ =	task.clear_ibuf [dreg:s6], $0x4FFFF;
	_ =	strace $0x90000046  }
0xb1: {  	s29 =	simm.s32 $0x9;
	_ =	strace $0x80000048  }
0xb2: {  	_ =	swait.ge [sflag:s29], $0x1  }
0xb3: {  	[sflag:s29] =	ssyncadd.s32 $0xFFFFFFFF  }
0xb4: {  	_ =	strace $0x90000048  }
0xb5: {  	_ =	sfence  }
0xb6: {  	s30 =	sld [smem:$0x0];
	_ =	sdelay $0x2  }
0xb7: {  	s31 =	sshll.u32 s1, $0xD;
	s1 =	sshrl.u32 s1, $0x2  }
0xb8: {  	s3 =	sand.u32 $0x4000, s31;
	s1 =	sadd.s32 s1, s30  }
0xb9: {  	s0 =	sor.u32 s3, s0;
	s1 =	sshll.u32 s1, $0x11  }
0xba: {  	s0 =	sor.u32 s1, s0  }
0xbb: {  	s0 =	sadd.s32 $0x8F2B, s0  }
0xbc: {  	[sflag:s0] =	ssyncadd.remote.s32 $0x1  }
0xbd: {  	_ =	sfence.sel $0xFFFF  }
0xbe: {  	[dreg:$0x0] =	wrdreg $0xFFFFFFFF;
	(pc) =	sbr.abs _section_cstart, $3  }
0xbf: {  	[dreg:$0x1] =	wrdreg $0xFFFFFFFF  }
0xc0: {  	_ =	task.clear_ibuf [dreg:s6], $0x2FFFF;
	_ =	strace $0x9FFFFFFF  }
0xc1: {  	(tm) =	ssettm $0x7FFFFFFF  }
tec
execute0_lowered:
.L_overlay_start_1:
0x0: {  	(tag) =	ssettag $0x1  }
0x1: {  	s0 =	rddreg [dreg:$0x0]  }
0x2: {  	s2 =	simm.s32 $0x0;
	s1 =	srdreg.scid;
	s3 =	stileid.u32  }
0x3: {  	s14 =	simm.s32 $0x6200;
	s15 =	simm.s32 $0x3;
	s16 =	simm.s32 $0x1  }
0x4: {  	s17 =	simm.s32 $0x7B80;
	s18 =	simm.s32 $0x2;
	s21 =	simm.s32 $0xB500  }
0x5: {  	s22 =	simm.s32 $0x0;
	[smem:$0x7FF] =	sst s2;
	s1 =	sand.u32 $0x1, s1  }
0x6: {  	v0 =	vlaneseq.u32;
	s3 =	sshll.u32 s3, $0x1;
	s5 =	sadd.s32 $0x200, s0;
	s9 =	sadd.s32 $0x57C0, s0  }
0x7: {  	v0 =	vmul.u32 $0x4, v0;
	_ =	strace $0x80000047;
	s6 =	sor.u32 s1, s3;
	s3 =	sadd.s32 $0x700200, s0  }
0x8: {  	v1 =	vimm.f32 $0.0e+00;
	vm0 =	vcmask $0x3B00;
	s1 =	ssub.s32 $0x2, s1;
	s7 =	sshll.u32 s6, $0x9;
	s4 =	smul.u32 $0x188000, s6  }
0x9: {  	v13 =	vimm.s32 $0xFFFFFFFF;
	v12 =	vsel vm0, $0x3F800000, v1;
	s31 =	sshrl.u32 s1, $0x1;
	s6 =	sshll.u32 s6, $0x5;
	v2 =	vor.u32 $0x100, v0;
	s12 =	sadd.s32 s7, s0  }
0xa: {  	v3 =	vor.u32 $0x140, v0;
	v4 =	vor.u32 $0x180, v0;
	v5 =	vor.u32 $0x1C0, v0;
	s1 =	ssub.s32 s1, s31;
	s7 =	sor.u32 $0x2, s6;
	s8 =	sshrl.u32 s4, $0x3  }
0xb: {  	v6 =	vor.u32 $0x200, v0;
	v7 =	vor.u32 $0x240, v0;
	v8 =	vor.u32 $0x280, v0;
	s10 =	sadd.s32 $0x6400, s12;
	s11 =	sadd.s32 $0xA400, s12;
	s8 =	sadd.s32 s3, s8  }
0xc: {  	v9 =	vor.u32 $0x2C0, v0;
	v10 =	vor.u32 $0x300, v0;
	v11 =	vor.u32 $0x340, v0;
	s12 =	sadd.s32 $0xE400, s12;
	s13 =	smax.u32 s1, $0x1;
	s8 =	sadd.s32 $0x1570, s8  }
.LBB2_1:
0xd: {  	s0 =	simm.s32 $0x200;
	s1 =	simm.s32 $0x0  }
.LBB2_2:
0xe: {  	p0 =	sne.s32 s0, $0x3E00;
	[tilespmem:s1+$0xB500] =	vst v1;
	s19 =	smov.u32 s0;
	s0 =	sadd.s32 $0x200, s0  }
.Ltmp0:
0xf: {  	[tilespmem:s1+$0x9500] =	vst v1;
	(pc) =	sbr.rel @p0 .LBB2_2-.Ltmp0, $2  }
0x10: {  	[tilespmem:s1+$0xA500] =	vst v1;
	_ =	sdelay $0x2  }
0x11: {  	s1 =	sshra.s32 s19, $0x2  }
0x12: {  	[tilespmem:s1+$0xB500] =	vst v1  }
0x13: {  	[tilespmem:s1+$0x9500] =	vst v1  }
0x14: {  	s23 =	simm.s32 $0x0;
	[tilespmem:s1+$0xA500] =	vst v1;
	s24 =	simm.s32 $0x0  }
.LBB2_4:
0x15: {  	s25 =	smul.u32 $0x1880, s24;
	_ =	sdelay $0x1  }
0x16: {  	s0 =	sadd.s32 s4, s25  }
0x17: {  	s0 =	sshrl.u32 s0, $0x3  }
0x18: {  	s1 =	smul.u32 $0xC40, s24;
	s0 =	sadd.s32 s3, s0  }
0x19: {  	[tilespmem:s14], [sflag:$0x1] =	stream.linear.gather [hbm4b:s0+s23], $0x1960, $0x38;
	[tilespmem:$0xC500] =	vst v63  }
0x1a: {  	s31 =	sadd.s32 s5, s1  }
0x1b: {  	[tilespmem:s23], [sflag:$0x3] =	stream.linear.gather [hbm4b:s31+s23], $0x6200, $0x38;
	[tilespmem:$0xC500] =	vst v63  }
0x1c: {  	_ =	swait.ge [sflag:s15], $0x6200  }
0x1d: {  	[sflag:s15] =	ssyncset.done $0x0  }
0x1e: {  	s26 =	simm.s32 $0x0;
	[sflag:s15] =	ssyncadd.s32 $0xFFFF9E00  }
.LBB2_5:
0x1f: {  	s28 =	sshllo.u32 s26, $0x1  }
0x20: {  	s0 =	sadd.s32 s6, s28  }
0x21: {  	s0 =	smul.u32 $0xC400, s0;
	_ =	sdelay $0x1  }
0x22: {  	_ =	swait.ge [sflag:s16], $0x1960;
	s0 =	sadd.s32 s25, s0  }
0x23: {  	[sflag:s16] =	ssyncset.done $0x0;
	s0 =	sshrl.u32 s0, $0x3  }
0x24: {  	s30 =	simm.s32 $0x0;
	[sflag:s16] =	ssyncadd.s32 $0xFFFFE6A0;
	s0 =	sadd.s32 s3, s0  }
0x25: {  	[tilespmem:s17], [sflag:$0x2] =	stream.linear.gather [hbm4b:s0+s30], $0x1960, $0x38;
	[tilespmem:$0xC500] =	vst v63  }
0x26: {  	v15 =	vld [tilespmem:$0x6200]  }
0x27: {  	v17 =	vld [tilespmem:$0x6210]  }
0x28: {  	v19 =	vld [tilespmem:$0x6220]  }
0x29: {  	v20 =	vld [tilespmem:$0x6230]  }
0x2a: {  	v22 =	vld [tilespmem:$0x6240]  }
0x2b: {  	v28 =	vld [tilespmem:$0x6250]  }
0x2c: {  	v33 =	vld [tilespmem:$0x6260]  }
0x2d: {  	v34 =	vld [tilespmem:$0x6270]  }
0x2e: {  	v32 =	vld [tilespmem:$0x6280]  }
0x2f: {  	v35 =	vld [tilespmem:$0x6290]  }
0x30: {  	v31 =	vld [tilespmem:$0x62A0]  }
0x31: {  	v30 =	vld [tilespmem:$0x62B0]  }
0x32: {  	v29 =	vld [tilespmem:$0x62C0]  }
0x33: {  	s20 =	simm.s32 $0x0;
	v27 =	vld [tilespmem:$0x62D0]  }
0x34: {  	v23 =	vld [tilespmem:s20+$0x62D1]  }
0x35: {  	v25 =	vld [tilespmem:s20+$0x62C1]  }
0x36: {  	v26 =	vld [tilespmem:s20+$0x62B1]  }
0x37: {  	v18 =	vld [tilespmem:s20+$0x6370]  }
0x38: {  	v36 =	vld [tilespmem:s20+$0x6291]  }
0x39: {  	v16 =	vld [tilespmem:s20+$0x6360]  }
0x3a: {  	v37 =	vld [tilespmem:s20+$0x6281]  }
0x3b: {  	v14 =	vld [tilespmem:s20+$0x6350]  }
0x3c: {  	v38 =	vld [tilespmem:s20+$0x6271]  }
0x3d: {  	v39 =	vld [tilespmem:s20+$0x6231]  }
0x3e: {  	v40 =	vld [tilespmem:s20+$0x6201]  }
0x3f: {  	v24 =	vld [tilespmem:s20+$0x62E0]  }
0x40: {  	v41 =	vimm.f32 $0.0e+00;
	v42 =	vor.u32 s30, v0;
	v21 =	vld [tilespmem:s20+$0x62F0]  }
0x41: {  	v43 =	vld [tilespmem:s20+$0x6211];
	vm2 =	veq.s32 v30, v26;
	vm1 =	veq.s32 v29, v25;
	vm0 =	veq.s32 v27, v23  }
0x42: {  	v54 =	vld [tilespmem:s20+$0x6221];
	vm3 =	veq.s32 v35, v36;
	vm4 =	veq.s32 v32, v37;
	v53 =	vadd.s32 v15, v42  }
0x43: {  	v56 =	vld [tilespmem:s20+$0x6241];
	vm5 =	veq.s32 v34, v38;
	v23 =	vadd.s32 v42, v17;
	v55 =	vadd.s32 v42, v19  }
0x44: {  	s1 =	sand.u32 $0x1FE0, s30;
	v46 =	vld [tilespmem:s20+$0x6251];
	vm6 =	veq.s32 v15, v40;
	v42 =	vadd.s32 v42, v20;
	vm7 =	veq.s32 v15, v24  }
0x45: {  	v26 =	vld [tilespmem:s1+$0x6300];
	v48 =	vadd.s32 s30, v22;
	v62 =	vadd.s32 s30, v33;
	v63 =	vadd.s32 s30, v34  }
0x46: {  	v25 =	vld [tilespmem:s20+$0x6310];
	v44 =	vadd.s32 $0x40, v23;
	v38 =	vadd.s32 $0x80, v55;
	v45 =	vsel vm6, $0x3F800000, v1  }
0x47: {  	v15 =	vld [tilespmem:s20+$0x6261];
	vm6 =	veq.s32 v17, v43;
	v57 =	vsel vm7, $0x3F800000, v1;
	vm7 =	veq.s32 v17, v21  }
0x48: {  	s29 =	simm.s32 $0xE0;
	v23 =	vld [tilespmem:s20+$0x6320];
	v60 =	vadd.s32 $0xC0, v42;
	v48 =	vadd.s32 v2, v48;
	v45 =	vadd.f32 v45, v41  }
0x49: {  	v43 =	vld [tilespmem:s29+$0x6360];
	v17 =	vsel vm6, $0x3F800000, v1;
	vm6 =	veq.s32 v19, v54;
	v58 =	vsel vm7, $0x3F800000, v1  }
0x4a: {  	vm7 =	veq.s32 v20, v39;
	v59 =	vsel vm6, $0x3F800000, v1;
	v45 =	vadd.f32 v17, v45;
	v17 =	vld [tilespmem:s20+$0x63A0]  }
0x4b: {  	vm6 =	veq.s32 v19, v26;
	v36 =	vld.idx.msk [tilespmem:v53+s2+$0x0], $0xffff;
	v53 =	vadd.s32 v5, v63;
	v63 =	vadd.s32 s30, v31  }
0x4c: {  	v19 =	vld [tilespmem:s20+$0x6340];
	v47 =	vsel vm6, $0x3F800000, v1;
	vm6 =	veq.s32 v20, v25;
	v20 =	vsel vm7, $0x3F800000, v1  }
0x4d: {  	s0 =	simm.s32 $0x380;
	vm7 =	veq.s32 v22, v56;
	vm8 =	veq.s32 v22, v23;
	v44 =	vld.idx.msk [tilespmem:v44+s2+$0x0], $0xffff;
	v55 =	vadd.f32 v59, v45  }
0x4e: {  	v54 =	vld.idx.msk [tilespmem:v48+s2+$0x0], $0xffff;
	v48 =	vor.u32 s0, v0;
	vm9 =	veq.s32 v16, v43;
	v61 =	vsel vm6, $0x3F800000, v1  }
0x4f: {  	v22 =	vld [tilespmem:s20+$0x6330];
	v49 =	vsel vm7, $0x3F800000, v1;
	vm6 =	veq.s32 v33, v15;
	v50 =	vsel vm8, $0x3F800000, v1  }
0x50: {  	v38 =	vld.idx.msk [tilespmem:v38+s2+$0x0], $0xffff;
	vm7 =	veq.s32 v28, v46;
	v15 =	vadd.s32 s30, v28;
	v46 =	vadd.s32 v4, v62  }
0x51: {  	v40 =	vld.idx.msk [tilespmem:v60+s2+$0x0], $0xffff;
	v62 =	vadd.s32 s30, v29;
	v51 =	vadd.s32 v3, v15;
	v36 =	vadd.f32 v36, v41  }
0x52: {  	v45 =	vld [tilespmem:s29+$0x62C1];
	v52 =	vsel vm7, $0x3F800000, v1;
	v59 =	vsel vm6, $0x3F800000, v1;
	v41 =	vadd.f32 v57, v41  }
0x53: {  	v15 =	vld [tilespmem:s20+$0x63B0];
	vm6 =	veq.s32 v35, v18;
	v57 =	vadd.s32 s30, v32;
	v36 =	vadd.f32 v44, v36  }
0x54: {  	v37 =	vld.idx.msk [tilespmem:v53+s2+$0x0], $0xffff;
	v53 =	vadd.s32 s30, v30;
	vm7 =	veq.s32 v28, v22;
	v28 =	vadd.f32 v58, v41  }
0x55: {  	v56 =	vsel vm7, $0x3F800000, v1;
	v60 =	vld.idx.msk [tilespmem:v46+s2+$0x0], $0xffff;
	v46 =	vadd.s32 v8, v63;
	v36 =	vadd.f32 v38, v36  }
0x56: {  	vm7 =	veq.s32 v33, v19;
	v33 =	vadd.s32 v6, v57;
	v58 =	vld.idx.msk [tilespmem:v51+s2+$0x0], $0xffff;
	v28 =	vadd.f32 v47, v28  }
0x57: {  	v44 =	vld [tilespmem:s29+$0x62D1];
	v38 =	vadd.f32 v20, v55;
	v20 =	vadd.s32 s30, v35;
	v36 =	vadd.f32 v40, v36  }
0x58: {  	v57 =	vadd.s32 s30, v27;
	v55 =	vld [tilespmem:s20+$0x62A1];
	v28 =	vadd.f32 v61, v28;
	v61 =	vadd.s32 v7, v20  }
0x59: {  	v41 =	vadd.s32 v10, v62;
	v20 =	vld [tilespmem:s20+$0x6390];
	v38 =	vadd.f32 v49, v38;
	v36 =	vadd.f32 v54, v36  }
0x5a: {  	v63 =	vadd.s32 v11, v57;
	v62 =	vld.idx.msk [tilespmem:v46+s2+$0x0], $0xffff;
	v46 =	vsel vm4, $0x3F800000, v1;
	v28 =	vadd.f32 v50, v28  }
0x5b: {  	v49 =	vld [tilespmem:s29+$0x62B1];
	v38 =	vadd.f32 v52, v38;
	v54 =	vsel vm7, $0x3F800000, v1;
	v36 =	vadd.f32 v58, v36  }
0x5c: {  	v33 =	vld.idx.msk [tilespmem:v33+s2+$0x0], $0xffff;
	vm7 =	veq.s32 v34, v14;
	v52 =	vsel vm3, $0x3F800000, v1;
	v28 =	vadd.f32 v56, v28  }
0x5d: {  	v56 =	vadd.s32 v9, v53;
	v38 =	vadd.f32 v59, v38;
	v42 =	vld.idx.msk [tilespmem:v61+s2+$0x0], $0xffff;
	v35 =	vadd.f32 v60, v36  }
0x5e: {  	vm4 =	veq.s32 v31, v55;
	v59 =	vsel vm5, $0x3F800000, v1;
	v58 =	vadd.f32 v54, v28;
	v28 =	vld [tilespmem:s1+$0x6380]  }
0x5f: {  	v40 =	vld [tilespmem:s29+$0x6330];
	v61 =	vsel vm7, $0x3F800000, v1;
	v38 =	vadd.f32 v59, v38;
	v60 =	vadd.f32 v37, v35  }
0x60: {  	vm5 =	veq.s32 v32, v16;
	v53 =	vsel vm6, $0x3F800000, v1;
	v36 =	vld [tilespmem:s29+$0x6370];
	v35 =	vadd.f32 v61, v58  }
0x61: {  	v47 =	vsel vm5, $0x3F800000, v1;
	v58 =	vld [tilespmem:s29+$0x6281];
	v32 =	vadd.f32 v33, v60;
	v33 =	vadd.f32 v46, v38  }
0x62: {  	v55 =	vsel vm4, $0x3F800000, v1;
	vm4 =	veq.s32 v20, v49;
	v39 =	vld.idx.msk [tilespmem:v56+s2+$0x0], $0xffff;
	v35 =	vadd.f32 v47, v35  }
0x63: {  	v41 =	vld.idx.msk [tilespmem:v41+s2+$0x0], $0xffff;
	vm3 =	veq.s32 v31, v28;
	v32 =	vadd.f32 v42, v32;
	v33 =	vadd.f32 v52, v33  }
0x64: {  	v50 =	vld [tilespmem:s29+$0x6291];
	v54 =	vadd.f32 v53, v35;
	v56 =	vsel vm3, $0x3F800000, v1;
	vm3 =	veq.s32 v30, v20  }
0x65: {  	v57 =	vld.idx.msk [tilespmem:v63+s2+$0x0], $0xffff;
	vm6 =	veq.s32 v18, v36;
	v60 =	vsel vm3, $0x3F800000, v1;
	v31 =	vadd.f32 v62, v32  }
0x66: {  	v61 =	vld [tilespmem:s29+$0x6271];
	vm3 =	veq.s32 v17, v45;
	v32 =	vadd.f32 v55, v33;
	v59 =	vadd.f32 v56, v54  }
0x67: {  	v34 =	vld [tilespmem:s29+$0x6350];
	vm8 =	veq.s32 v16, v58;
	v30 =	vadd.f32 v39, v31;
	v31 =	vsel vm2, $0x3F800000, v1  }
0x68: {  	v49 =	vld [tilespmem:s29+$0x6241];
	v62 =	vadd.f32 v60, v59;
	vm2 =	veq.s32 v29, v17;
	v31 =	vadd.f32 v31, v32  }
0x69: {  	v47 =	vld [tilespmem:s29+$0x6251];
	v63 =	vsel vm2, $0x3F800000, v1;
	v29 =	vadd.f32 v41, v30;
	v30 =	vsel vm1, $0x3F800000, v1  }
0x6a: {  	v46 =	vld [tilespmem:s29+$0x6320];
	v45 =	vadd.s32 v24, v48;
	v30 =	vadd.f32 v30, v31;
	v31 =	vadd.f32 v63, v62  }
0x6b: {  	v35 =	vld [tilespmem:s29+$0x6340];
	vm7 =	veq.s32 v14, v61;
	vm1 =	veq.s32 v27, v15;
	v27 =	vnsel vm0, $0x0, v12  }
0x6c: {  	v42 =	vld [tilespmem:s29+$0x6261];
	vm2 =	veq.s32 v15, v44;
	v32 =	vadd.s32 s0, v20;
	v37 =	vadd.f32 v57, v29  }
0x6d: {  	v44 =	vld [tilespmem:s29+$0x6310];
	v29 =	vsel vm1, $0x3F800000, v1;
	vm1 =	veq.s32 v18, v50;
	v38 =	vadd.f32 v27, v30  }
0x6e: {  	s31 =	sshll.u32 s26, $0x1;
	s1 =	simm.s32 $0x700;
	v41 =	vld [tilespmem:s29+$0x6231];
	v39 =	vadd.f32 v29, v31;
	v30 =	vadd.s32 s0, v17;
	v29 =	vadd.s32 s0, v15;
	v27 =	vmovc v28;
	v31 =	vmovc v26  }
.LBB2_6:
0x6f: {  	v33 =	vimm.s32 $0x0  }
0x70: {  	v56 =	vimm.s32 $0x0;
	v57 =	vimm.s32 $0x0;
	v58 =	vadd.s32 v48, v21  }
0x71: {  	v51 =	vimm.s32 $0x0;
	v60 =	vimm.s32 $0x0;
	v26 =	vadd.s32 v48, v26  }
0x72: {  	v50 =	vld [tilespmem:s29+$0x62F0];
	v53 =	vadd.s32 s0, v14;
	v54 =	vadd.s32 s0, v19;
	v52 =	vadd.s32 $0x40, v58  }
0x73: {  	v59 =	vld [tilespmem:s29+$0x6211];
	vm5 =	vmmov vm1;
	v33 =	vsel vm4, $0xFFFFFFFF, v33;
	v62 =	vadd.s32 $0x80, v26  }
0x74: {  	v61 =	vld [tilespmem:s29+$0x6201];
	v28 =	vadd.s32 s0, v28;
	v26 =	vadd.s32 v48, v25;
	[tilespmem:$0x1FFD0] =	vst v33;
	v33 =	vsel vm3, $0xFFFFFFFF, v56  }
0x75: {  	v63 =	vld.idx.msk [tilespmem:v45+s2+$0x0], $0xffff;
	v48 =	vadd.s32 $0xC0, v26;
	[tilespmem:$0x1FFE0] =	vst v33;
	v33 =	vsel vm2, $0xFFFFFFFF, v57;
	vm0 =	veq.s32 v14, v34  }
0x76: {  	v45 =	vld [tilespmem:s29+$0x6221];
	vm15 =	veq.s32 v25, v41;
	v51 =	vsel vm0, $0xFFFFFFFF, v51;
	vm0 =	veq.s32 v19, v42  }
0x77: {  	[tilespmem:$0x1FFF0] =	vst v33;
	v33 =	vsel vm0, $0xFFFFFFFF, v60;
	v55 =	vld.idx.msk [tilespmem:v52+s2+$0x0], $0xffff;
	vm0 =	veq.s32 v25, v44;
	v25 =	vadd.s32 s0, v23  }
0x78: {  	s30 =	sadd.s32 $0xE0, s30;
	v32 =	vadd.s32 v9, v32;
	v30 =	vadd.s32 v10, v30;
	v58 =	vld.idx.msk [tilespmem:v62+s2+$0x0], $0xffff;
	v57 =	vadd.s32 v2, v25  }
0x79: {  	v29 =	vadd.s32 v11, v29;
	s19 =	sand.u32 $0x1FE0, s30;
	v56 =	vadd.s32 s0, v22;
	vm10 =	veq.s32 v19, v35;
	[tilespmem:$0x1FFB0] =	vst v33;
	v33 =	vld [tilespmem:s29+$0x62E0]  }
0x7a: {  	v26 =	vld [tilespmem:s19+$0x6300];
	v14 =	vmovc v34;
	vm1 =	veq.s32 v21, v59;
	v59 =	vadd.s32 v3, v56;
	v34 =	vadd.f32 v63, v37  }
0x7b: {  	vm11 =	veq.s32 v22, v47;
	vm13 =	veq.s32 v23, v49;
	v47 =	vadd.s32 v5, v53;
	v48 =	vld.idx.msk [tilespmem:v48+s2+$0x0], $0xffff  }
0x7c: {  	v41 =	vld [tilespmem:s29+$0x63B0];
	vm2 =	veq.s32 v21, v50;
	v60 =	vadd.s32 v4, v54;
	v34 =	vadd.f32 v55, v34  }
0x7d: {  	v42 =	vadd.s32 s0, v16;
	vm3 =	veq.s32 v24, v61;
	[tilespmem:$0x1FFC0] =	vst v51;
	v51 =	vadd.s32 s0, v18;
	v18 =	vmovc v36;
	v36 =	vld.idx.msk [tilespmem:v57+s2+$0x0], $0xffff  }
0x7e: {  	v32 =	vld.idx.msk [tilespmem:v32+s2+$0x0], $0xffff;
	v61 =	vsel vm3, $0x3F800000, v1;
	vm4 =	veq.s32 v24, v33;
	v34 =	vadd.f32 v58, v34  }
0x7f: {  	vm3 =	veq.s32 v31, v45;
	v37 =	vadd.f32 v61, v38;
	v55 =	vld.idx.msk [tilespmem:v59+s2+$0x0], $0xffff;
	v62 =	vsel vm4, $0x3F800000, v1  }
0x80: {  	v19 =	vmovc v35;
	v30 =	vld.idx.msk [tilespmem:v30+s2+$0x0], $0xffff;
	v49 =	vsel vm1, $0x3F800000, v1;
	v63 =	vadd.f32 v62, v39;
	v34 =	vadd.f32 v48, v34  }
0x81: {  	v21 =	vmovc v50;
	v50 =	vsel vm2, $0x3F800000, v1;
	vm1 =	veq.s32 v31, v26;
	v35 =	vadd.f32 v49, v37;
	v59 =	vld.idx.msk [tilespmem:v60+s2+$0x0], $0xffff  }
0x82: {  	v29 =	vld.idx.msk [tilespmem:v29+s2+$0x0], $0xffff;
	v53 =	vsel vm3, $0x3F800000, v1;
	v52 =	vadd.f32 v50, v63;
	v34 =	vadd.f32 v36, v34  }
0x83: {  	s20 =	sshra.s32 s1, $0x2;
	v45 =	vld [tilespmem:s29+$0x63A0];
	v56 =	vadd.s32 v6, v42;
	v54 =	vsel vm1, $0x3F800000, v1;
	v35 =	vadd.f32 v53, v35  }
0x84: {  	v25 =	vmovc v44;
	v44 =	vld [tilespmem:s20+$0x62D1];
	v53 =	vadd.s32 v8, v28;
	v37 =	vadd.f32 v54, v52;
	v28 =	vadd.f32 v55, v34  }
0x85: {  	v49 =	vld [tilespmem:s20+$0x62C1];
	v60 =	vadd.s32 v7, v51;
	v58 =	vsel vm0, $0x3F800000, v1  }
0x86: {  	v57 =	vsel vm15, $0x3F800000, v1;
	v37 =	vadd.f32 v58, v37;
	v58 =	vadd.f32 v59, v28;
	v28 =	vld [tilespmem:$0x1FFB0]  }
0x87: {  	v35 =	vadd.f32 v57, v35;
	v63 =	vld.idx.msk [tilespmem:v47+s2+$0x0], $0xffff  }
0x88: {  	v61 =	vsel vm13, $0x3F800000, v1;
	v51 =	vld [tilespmem:s20+$0x62B1]  }
0x89: {  	vm14 =	veq.s32 v23, v46;
	v38 =	vld.idx.msk [tilespmem:v56+s2+$0x0], $0xffff;
	v35 =	vadd.f32 v61, v35  }
0x8a: {  	vm12 =	veq.s32 v22, v40;
	v62 =	vsel vm14, $0x3F800000, v1;
	v39 =	vld.idx.msk [tilespmem:v60+s2+$0x0], $0xffff;
	v54 =	vsel vm11, $0x3F800000, v1  }
0x8b: {  	v34 =	vadd.f32 v54, v35;
	v52 =	vadd.f32 v62, v37;
	v62 =	vld [tilespmem:$0x1FFC0];
	vm0 =	vnez.u8 v28  }
0x8c: {  	v57 =	vld [tilespmem:s29+$0x62A1];
	vm3 =	veq.s32 v45, v49;
	v60 =	vadd.f32 v63, v58;
	v28 =	vsel vm0, $0x3F800000, v1  }
0x8d: {  	v61 =	vsel vm7, $0x3F800000, v1;
	v55 =	vsel vm12, $0x3F800000, v1;
	v37 =	vld.idx.msk [tilespmem:v53+s2+$0x0], $0xffff;
	v34 =	vadd.f32 v28, v34  }
0x8e: {  	v48 =	vsel vm9, $0x3F800000, v1;
	v50 =	vld [tilespmem:s29+$0x6390];
	v56 =	vadd.f32 v55, v52;
	v38 =	vadd.f32 v38, v60  }
0x8f: {  	v47 =	vsel vm8, $0x3F800000, v1;
	v59 =	vsel vm10, $0x3F800000, v1;
	v28 =	vld [tilespmem:s19+$0x6380];
	v34 =	vadd.f32 v61, v34  }
0x90: {  	s29 =	smov.u32 s20;
	v35 =	vadd.f32 v59, v56;
	v59 =	vld [tilespmem:$0x1FFD0];
	vm0 =	vnez.u8 v62;
	v38 =	vadd.f32 v39, v38  }
0x91: {  	v36 =	vld [tilespmem:s29+$0x6370];
	v54 =	vsel vm5, $0x3F800000, v1;
	v63 =	vsel vm0, $0x3F800000, v1;
	v34 =	vadd.f32 v47, v34  }
0x92: {  	v62 =	vld [tilespmem:$0x1FFE0];
	vm0 =	veq.s32 v27, v57;
	v35 =	vadd.f32 v63, v35;
	v37 =	vadd.f32 v37, v38  }
0x93: {  	v16 =	vmovc v43;
	v43 =	vld [tilespmem:s29+$0x6360];
	v55 =	vsel vm6, $0x3F800000, v1;
	v56 =	vsel vm0, $0x3F800000, v1;
	v34 =	vadd.f32 v54, v34  }
0x94: {  	v42 =	vld [tilespmem:s29+$0x6261];
	v35 =	vadd.f32 v48, v35;
	v32 =	vadd.f32 v32, v37;
	vm1 =	veq.s32 v27, v28  }
0x95: {  	v22 =	vmovc v40;
	v40 =	vld [tilespmem:s29+$0x6330];
	v57 =	vsel vm1, $0x3F800000, v1;
	vm1 =	vnez.u8 v59;
	v38 =	vadd.f32 v56, v34  }
0x96: {  	v23 =	vmovc v46;
	vm2 =	veq.s32 v41, v44;
	v46 =	vld [tilespmem:s29+$0x6320];
	v35 =	vadd.f32 v55, v35;
	v37 =	vsel vm1, $0x3F800000, v1  }
0x97: {  	v58 =	vld [tilespmem:s29+$0x6281];
	v30 =	vadd.f32 v30, v32;
	vm1 =	vnez.u8 v62;
	v37 =	vadd.f32 v37, v38  }
0x98: {  	vm0 =	veq.s32 v20, v50;
	v54 =	vld [tilespmem:s29+$0x6271];
	v35 =	vadd.f32 v57, v35;
	v32 =	vsel vm1, $0x3F800000, v1  }
0x99: {  	v60 =	vsel vm0, $0x3F800000, v1;
	v32 =	vadd.f32 v32, v37;
	v37 =	vadd.f32 v29, v30;
	v29 =	vld [tilespmem:$0x1FFF0]  }
0x9a: {  	vm4 =	veq.s32 v50, v51;
	v52 =	vld [tilespmem:s29+$0x6291];
	vm0 =	veq.s32 v17, v45;
	v61 =	vadd.f32 v60, v35  }
0x9b: {  	p0 =	sne.s32 s1, $0x5E80;
	v49 =	vld [tilespmem:s29+$0x6241];
	vm9 =	veq.s32 v16, v43;
	vm6 =	veq.s32 v18, v36;
	v63 =	vsel vm0, $0x3F800000, v1  }
.Ltmp1:
0x9c: {  	v44 =	vld [tilespmem:s29+$0x6310];
	vm8 =	veq.s32 v16, v58;
	vm0 =	veq.s32 v15, v41;
	v39 =	vadd.f32 v63, v61;
	(pc) =	sbr.rel @p0 .LBB2_6-.Ltmp1, $4  }
0x9d: {  	v48 =	vor.u32 s1, v0;
	v47 =	vld [tilespmem:s29+$0x6251];
	vm7 =	veq.s32 v14, v54;
	v30 =	vsel vm0, $0x3F800000, v1  }
0x9e: {  	v31 =	vmovc v26;
	v24 =	vmovc v33;
	v34 =	vld [tilespmem:s29+$0x6350];
	v39 =	vadd.f32 v30, v39;
	v30 =	vadd.s32 s1, v45;
	vm1 =	vnez.u8 v29  }
0x9f: {  	v20 =	vmovc v50;
	v17 =	vmovc v45;
	v35 =	vld [tilespmem:s29+$0x6340];
	v45 =	vadd.s32 v33, v48;
	v29 =	vnsel vm1, $0x0, v12;
	vm1 =	veq.s32 v18, v52  }
0xa0: {  	s0 =	smov.u32 s1;
	v15 =	vmovc v41;
	v27 =	vmovc v28;
	v38 =	vadd.f32 v29, v32;
	v29 =	vadd.s32 s1, v41;
	v32 =	vadd.s32 s1, v50;
	v41 =	vld [tilespmem:s29+$0x6231];
	s1 =	sadd.s32 $0x380, s1  }
0xa1: {  	v33 =	vld [tilespmem:s29+$0x6201]  }
0xa2: {  	v36 =	vld [tilespmem:s29+$0x62E0]  }
0xa3: {  	v43 =	vld [tilespmem:s29+$0x6211]  }
0xa4: {  	v50 =	vld [tilespmem:s29+$0x62F0];
	s1 =	sadd.s32 $0xE0, s30  }
0xa5: {  	v51 =	vld [tilespmem:s29+$0x6221];
	s1 =	sand.u32 $0x1FE0, s1  }
0xa6: {  	v52 =	vld [tilespmem:s1+$0x6300];
	vm0 =	veq.s32 v24, v33  }
0xa7: {  	v33 =	vsel vm0, $0x3F800000, v1;
	vm0 =	veq.s32 v24, v36  }
0xa8: {  	v24 =	vadd.s32 v48, v21;
	v36 =	vsel vm0, $0x3F800000, v1;
	vm0 =	veq.s32 v21, v43  }
0xa9: {  	v43 =	vsel vm0, $0x3F800000, v1;
	vm0 =	veq.s32 v21, v50;
	v21 =	vadd.s32 $0x40, v24  }
0xaa: {  	v24 =	vadd.s32 v48, v26;
	v26 =	vsel vm0, $0x3F800000, v1;
	vm0 =	veq.s32 v31, v51  }
0xab: {  	v24 =	vadd.s32 $0x80, v24;
	v60 =	vsel vm0, $0x3F800000, v1;
	vm0 =	veq.s32 v31, v52  }
0xac: {  	v61 =	vadd.s32 v48, v25;
	v31 =	vld.idx.msk [tilespmem:v45+s2+$0x0], $0xffff;
	v62 =	vsel vm0, $0x3F800000, v1;
	vm0 =	veq.s32 v25, v41  }
0xad: {  	v63 =	vadd.s32 $0xC0, v61;
	v52 =	vsel vm0, $0x3F800000, v1;
	vm0 =	veq.s32 v25, v44  }
0xae: {  	v53 =	vadd.s32 s0, v23;
	v25 =	vsel vm0, $0x3F800000, v1;
	vm0 =	veq.s32 v23, v49;
	v21 =	vld.idx.msk [tilespmem:v21+s2+$0x0], $0xffff  }
0xaf: {  	v49 =	vsel vm0, $0x3F800000, v1;
	vm0 =	veq.s32 v23, v46;
	v23 =	vadd.s32 v2, v53  }
0xb0: {  	v18 =	vadd.s32 s0, v18;
	v54 =	vadd.s32 s0, v22;
	v33 =	vadd.f32 v33, v38;
	v24 =	vld.idx.msk [tilespmem:v24+s2+$0x0], $0xffff  }
0xb1: {  	v36 =	vadd.f32 v36, v39;
	v44 =	vadd.s32 v3, v54;
	v31 =	vadd.f32 v31, v37  }
0xb2: {  	v55 =	vadd.s32 s0, v19;
	v16 =	vadd.s32 s0, v16;
	v33 =	vadd.f32 v43, v33;
	v41 =	vld.idx.msk [tilespmem:v63+s2+$0x0], $0xffff  }
0xb3: {  	v26 =	vadd.f32 v26, v36;
	v37 =	vadd.s32 v4, v55;
	v21 =	vadd.f32 v21, v31  }
0xb4: {  	v33 =	vadd.f32 v60, v33;
	v46 =	vsel vm0, $0x3F800000, v1;
	v31 =	vadd.s32 s0, v14;
	v23 =	vld.idx.msk [tilespmem:v23+s2+$0x0], $0xffff  }
0xb5: {  	vm0 =	veq.s32 v22, v47;
	v31 =	vadd.s32 v5, v31;
	v21 =	vadd.f32 v24, v21  }
0xb6: {  	v26 =	vadd.f32 v62, v26;
	v24 =	vsel vm0, $0x3F800000, v1;
	vm0 =	veq.s32 v22, v40;
	v22 =	vld.idx.msk [tilespmem:v44+s2+$0x0], $0xffff  }
0xb7: {  	v16 =	vadd.s32 v6, v16;
	v18 =	vadd.s32 v7, v18;
	v21 =	vadd.f32 v41, v21  }
0xb8: {  	v33 =	vadd.f32 v52, v33;
	v25 =	vadd.f32 v25, v26;
	v26 =	vadd.s32 s0, v28;
	v37 =	vld.idx.msk [tilespmem:v37+s2+$0x0], $0xffff  }
0xb9: {  	v56 =	vsel vm0, $0x3F800000, v1;
	vm0 =	veq.s32 v19, v42;
	v21 =	vadd.f32 v23, v21  }
0xba: {  	v28 =	vadd.f32 v49, v33;
	v25 =	vadd.f32 v46, v25;
	v23 =	vld.idx.msk [tilespmem:v31+s2+$0x0], $0xffff;
	v31 =	vsel vm0, $0x3F800000, v1  }
0xbb: {  	vm0 =	veq.s32 v19, v35;
	v19 =	vadd.s32 v8, v26;
	v21 =	vadd.f32 v22, v21  }
0xbc: {  	v57 =	vsel vm7, $0x3F800000, v1;
	v16 =	vld.idx.msk [tilespmem:v16+s2+$0x0], $0xffff;
	v24 =	vadd.f32 v24, v28;
	v25 =	vadd.f32 v56, v25  }
0xbd: {  	v28 =	vadd.s32 v9, v32;
	v26 =	vld [tilespmem:s29+$0x62A1];
	v22 =	vsel vm0, $0x3F800000, v1;
	v21 =	vadd.f32 v37, v21  }
0xbe: {  	vm0 =	veq.s32 v14, v34;
	v14 =	vld.idx.msk [tilespmem:v18+s2+$0x0], $0xffff;
	v18 =	vadd.f32 v31, v24;
	v22 =	vadd.f32 v22, v25  }
0xbf: {  	v24 =	vld [tilespmem:s1+$0x6380];
	v25 =	vadd.s32 v10, v30;
	v21 =	vadd.f32 v23, v21;
	v23 =	vsel vm0, $0x3F800000, v1  }
0xc0: {  	v18 =	vadd.f32 v57, v18;
	v19 =	vld.idx.msk [tilespmem:v19+s2+$0x0], $0xffff;
	v22 =	vadd.f32 v23, v22  }
0xc1: {  	v23 =	vadd.s32 v11, v29;
	v29 =	vld [tilespmem:s29+$0x6390];
	v16 =	vadd.f32 v16, v21;
	v21 =	vsel vm8, $0x3F800000, v1  }
0xc2: {  	v28 =	vld.idx.msk [tilespmem:v28+s2+$0x0], $0xffff;
	v30 =	vsel vm9, $0x3F800000, v1;
	vm0 =	veq.s32 v27, v26;
	v18 =	vadd.f32 v21, v18  }
0xc3: {  	v21 =	vadd.f32 v30, v22;
	v22 =	vld [tilespmem:s29+$0x63A0];
	v14 =	vadd.f32 v14, v16;
	v16 =	vsel vm1, $0x3F800000, v1  }
0xc4: {  	v26 =	vsel vm6, $0x3F800000, v1;
	v25 =	vld.idx.msk [tilespmem:v25+s2+$0x0], $0xffff;
	vm1 =	veq.s32 v27, v24;
	v16 =	vadd.f32 v16, v18  }
0xc5: {  	v18 =	vadd.f32 v26, v21;
	v21 =	vld [tilespmem:s29+$0x63B0];
	v14 =	vadd.f32 v19, v14;
	v19 =	vsel vm0, $0x3F800000, v1  }
0xc6: {  	v24 =	vsel vm1, $0x3F800000, v1;
	v23 =	vld.idx.msk [tilespmem:v23+s2+$0x0], $0xffff;
	vm0 =	veq.s32 v20, v29;
	v16 =	vadd.f32 v19, v16  }
0xc7: {  	v18 =	vadd.f32 v24, v18;
	v19 =	vsel vm4, $0x3F800000, v1;
	v14 =	vadd.f32 v28, v14  }
0xc8: {  	v20 =	vsel vm0, $0x3F800000, v1;
	vm0 =	veq.s32 v17, v22;
	v16 =	vadd.f32 v19, v16  }
0xc9: {  	v17 =	vsel vm3, $0x3F800000, v1;
	v18 =	vadd.f32 v20, v18;
	v14 =	vadd.f32 v25, v14  }
0xca: {  	v19 =	vsel vm0, $0x3F800000, v1;
	vm0 =	veq.s32 v15, v21;
	v16 =	vadd.f32 v17, v16  }
0xcb: {  	v15 =	vnsel vm2, $0x0, v12;
	v17 =	vadd.f32 v19, v18;
	v14 =	vadd.f32 v23, v14  }
0xcc: {  	s19 =	sshll.u32 s26, $0x8;
	p0 =	seq.s32 s26, $0xF;
	v18 =	vsel vm0, $0x3F800000, v1;
	v15 =	vadd.f32 v15, v16  }
0xcd: {  	s1 =	sadd.s32 @!p0 s31, s7;
	v16 =	vadd.f32 v18, v17;
	[tilespmem:s19+$0x9500] =	vst.add.f32.msk $0xffff, v14  }
0xce: {  	s0 =	smul.u32 @!p0 $0xC400, s1;
	[tilespmem:s19+$0xA500] =	vst.add.f32.msk $0xffff, v15  }
0xcf: {  	[tilespmem:s19+$0xB500] =	vst.add.f32.msk $0xffff, v16  }
0xd0: {  	s0 =	sadd.s32 @!p0 s25, s0;
	_ =	swait.ge [sflag:s18], $0x1960  }
0xd1: {  	s1 =	simm.s32 @!p0 $0x0;
	s0 =	sshrl.u32 @!p0 s0, $0x3;
	[sflag:s18] =	ssyncset.done $0x0  }
0xd2: {  	s0 =	sadd.s32 @!p0 s3, s0;
	s19 =	simm.s32 @!p0 $0x6200;
	[sflag:s18] =	ssyncadd.s32 $0xFFFFE6A0  }
0xd3: {  	[tilespmem:s19], [sflag:$0x1] =	stream.linear.gather @!p0 [hbm4b:s0+s1], $0x1960, $0x38;
	[tilespmem:$0xC500] =	vst v63  }
0xd4: {  	v15 =	vld [tilespmem:$0x7B80]  }
0xd5: {  	v17 =	vld [tilespmem:$0x7B90]  }
0xd6: {  	v19 =	vld [tilespmem:$0x7BA0]  }
0xd7: {  	v20 =	vld [tilespmem:$0x7BB0]  }
0xd8: {  	v22 =	vld [tilespmem:$0x7BC0]  }
0xd9: {  	v28 =	vld [tilespmem:$0x7BD0]  }
0xda: {  	v33 =	vld [tilespmem:$0x7BE0]  }
0xdb: {  	v34 =	vld [tilespmem:$0x7BF0]  }
0xdc: {  	v32 =	vld [tilespmem:$0x7C00]  }
0xdd: {  	v35 =	vld [tilespmem:$0x7C10]  }
0xde: {  	v31 =	vld [tilespmem:$0x7C20]  }
0xdf: {  	v30 =	vld [tilespmem:$0x7C30]  }
0xe0: {  	v29 =	vld [tilespmem:$0x7C40]  }
0xe1: {  	s20 =	simm.s32 $0x0;
	v27 =	vld [tilespmem:$0x7C50]  }
0xe2: {  	v23 =	vld [tilespmem:s20+$0x7C51]  }
0xe3: {  	v25 =	vld [tilespmem:s20+$0x7C41]  }
0xe4: {  	v26 =	vld [tilespmem:s20+$0x7C31]  }
0xe5: {  	v18 =	vld [tilespmem:s20+$0x7CF0]  }
0xe6: {  	v58 =	vld [tilespmem:s20+$0x7C11]  }
0xe7: {  	v16 =	vld [tilespmem:s20+$0x7CE0]  }
0xe8: {  	v59 =	vld [tilespmem:s20+$0x7C01]  }
0xe9: {  	v14 =	vld [tilespmem:s20+$0x7CD0]  }
0xea: {  	v60 =	vld [tilespmem:s20+$0x7BF1]  }
0xeb: {  	v61 =	vld [tilespmem:s20+$0x7BB1]  }
0xec: {  	v62 =	vld [tilespmem:s20+$0x7B81]  }
0xed: {  	s30 =	simm.s32 $0x0;
	s29 =	simm.s32 $0xE0;
	v24 =	vld [tilespmem:s20+$0x7C60]  }
0xee: {  	v63 =	vor.u32 s30, v0;
	v41 =	vimm.f32 $0.0e+00;
	v43 =	vld [tilespmem:s29+$0x7CE0]  }
0xef: {  	v21 =	vld [tilespmem:s20+$0x7C70];
	vm2 =	veq.s32 v30, v26;
	vm1 =	veq.s32 v29, v25;
	vm0 =	veq.s32 v27, v23  }
0xf0: {  	v48 =	vld [tilespmem:s20+$0x7B91];
	vm3 =	veq.s32 v35, v58;
	vm4 =	veq.s32 v32, v59;
	v49 =	vadd.s32 v15, v63  }
0xf1: {  	v50 =	vld [tilespmem:s20+$0x7BA1];
	vm5 =	veq.s32 v34, v60;
	v23 =	vadd.s32 v63, v17;
	v51 =	vadd.s32 v63, v19  }
0xf2: {  	v53 =	vld [tilespmem:s20+$0x7BC1];
	vm6 =	veq.s32 v15, v62;
	v42 =	vadd.s32 v63, v20;
	vm7 =	veq.s32 v15, v24  }
0xf3: {  	s31 =	sand.u32 $0x1FE0, s30;
	v56 =	vld [tilespmem:s20+$0x7BD1];
	v60 =	vadd.s32 s30, v22;
	v63 =	vadd.s32 s30, v34;
	vm9 =	veq.s32 v16, v43  }
0xf4: {  	v26 =	vld [tilespmem:s31+$0x7C80];
	v52 =	vadd.s32 $0x40, v23;
	v38 =	vadd.s32 $0x80, v51;
	v54 =	vsel vm6, $0x3F800000, v1  }
0xf5: {  	v25 =	vld [tilespmem:s20+$0x7C90];
	vm6 =	veq.s32 v17, v48;
	v55 =	vsel vm7, $0x3F800000, v1;
	vm7 =	veq.s32 v17, v21  }
0xf6: {  	v23 =	vld [tilespmem:s20+$0x7CA0];
	v59 =	vadd.s32 $0xC0, v42;
	v48 =	vadd.s32 v2, v60;
	v45 =	vadd.f32 v54, v41  }
0xf7: {  	v15 =	vld [tilespmem:s20+$0x7BE1];
	v17 =	vsel vm6, $0x3F800000, v1;
	vm6 =	veq.s32 v19, v50;
	v37 =	vsel vm7, $0x3F800000, v1  }
0xf8: {  	vm7 =	veq.s32 v20, v61;
	v61 =	vadd.s32 s30, v33;
	v45 =	vadd.f32 v17, v45;
	v17 =	vld [tilespmem:s20+$0x7D20]  }
0xf9: {  	v57 =	vsel vm6, $0x3F800000, v1;
	v46 =	vadd.s32 v4, v61;
	vm6 =	veq.s32 v19, v26;
	v36 =	vld.idx.msk [tilespmem:v49+s2+$0x0], $0xffff  }
0xfa: {  	v58 =	vsel vm6, $0x3F800000, v1;
	vm6 =	veq.s32 v20, v25;
	v20 =	vsel vm7, $0x3F800000, v1;
	v44 =	vld.idx.msk [tilespmem:v52+s2+$0x0], $0xffff  }
0xfb: {  	s0 =	simm.s32 $0x380;
	vm7 =	veq.s32 v22, v53;
	vm8 =	veq.s32 v22, v23;
	v22 =	vld [tilespmem:s20+$0x7CB0];
	v53 =	vadd.s32 v5, v63  }
0xfc: {  	v54 =	vld.idx.msk [tilespmem:v48+s2+$0x0], $0xffff;
	v63 =	vadd.s32 s30, v31;
	v48 =	vor.u32 s0, v0;
	v42 =	vsel vm6, $0x3F800000, v1  }
0xfd: {  	v19 =	vld [tilespmem:s20+$0x7CC0];
	v49 =	vsel vm7, $0x3F800000, v1;
	vm6 =	veq.s32 v33, v15;
	v15 =	vadd.s32 s30, v28  }
0xfe: {  	v38 =	vld.idx.msk [tilespmem:v38+s2+$0x0], $0xffff;
	v50 =	vsel vm8, $0x3F800000, v1;
	vm7 =	veq.s32 v28, v56;
	v62 =	vadd.s32 v3, v15  }
0xff: {  	v40 =	vld.idx.msk [tilespmem:v59+s2+$0x0], $0xffff;
	v52 =	vsel vm7, $0x3F800000, v1;
	v59 =	vsel vm6, $0x3F800000, v1;
	v36 =	vadd.f32 v36, v41  }
0x100: {  	vm6 =	veq.s32 v35, v18;
	v60 =	vld.idx.msk [tilespmem:v46+s2+$0x0], $0xffff;
	v46 =	vadd.s32 v8, v63;
	v41 =	vadd.f32 v55, v41  }
0x101: {  	v15 =	vld [tilespmem:s20+$0x7D30];
	v55 =	vadd.f32 v57, v45;
	vm7 =	veq.s32 v28, v22;
	v36 =	vadd.f32 v44, v36  }
0x102: {  	v57 =	vadd.s32 s30, v32;
	v45 =	vld [tilespmem:s29+$0x7C41];
	v28 =	vadd.f32 v37, v41;
	v56 =	vsel vm7, $0x3F800000, v1  }
0x103: {  	vm7 =	veq.s32 v33, v19;
	v33 =	vadd.s32 v6, v57;
	v37 =	vld.idx.msk [tilespmem:v53+s2+$0x0], $0xffff;
	v36 =	vadd.f32 v38, v36  }
0x104: {  	v53 =	vadd.s32 s30, v30;
	v57 =	vadd.s32 s30, v27;
	v28 =	vadd.f32 v58, v28;
	v58 =	vld.idx.msk [tilespmem:v62+s2+$0x0], $0xffff  }
0x105: {  	v44 =	vld [tilespmem:s29+$0x7C51];
	v38 =	vadd.f32 v20, v55;
	v20 =	vadd.s32 s30, v35;
	v36 =	vadd.f32 v40, v36  }
0x106: {  	v63 =	vadd.s32 v11, v57;
	v55 =	vld [tilespmem:s20+$0x7C21];
	v61 =	vadd.s32 v7, v20;
	v28 =	vadd.f32 v42, v28  }
0x107: {  	v62 =	vadd.s32 s30, v29;
	v20 =	vld [tilespmem:s20+$0x7D10];
	v38 =	vadd.f32 v49, v38;
	v36 =	vadd.f32 v54, v36  }
0x108: {  	v41 =	vadd.s32 v10, v62;
	v62 =	vld.idx.msk [tilespmem:v46+s2+$0x0], $0xffff;
	v46 =	vsel vm4, $0x3F800000, v1;
	v28 =	vadd.f32 v50, v28  }
0x109: {  	v49 =	vld [tilespmem:s29+$0x7C31];
	v38 =	vadd.f32 v52, v38;
	v54 =	vsel vm7, $0x3F800000, v1;
	v36 =	vadd.f32 v58, v36  }
0x10a: {  	v33 =	vld.idx.msk [tilespmem:v33+s2+$0x0], $0xffff;
	vm7 =	veq.s32 v34, v14;
	v52 =	vsel vm3, $0x3F800000, v1;
	v28 =	vadd.f32 v56, v28  }
0x10b: {  	v56 =	vadd.s32 v9, v53;
	v42 =	vld.idx.msk [tilespmem:v61+s2+$0x0], $0xffff;
	v38 =	vadd.f32 v59, v38;
	v35 =	vadd.f32 v60, v36  }
0x10c: {  	vm4 =	veq.s32 v31, v55;
	v59 =	vsel vm5, $0x3F800000, v1;
	v58 =	vadd.f32 v54, v28;
	v28 =	vld [tilespmem:s31+$0x7D00]  }
0x10d: {  	v40 =	vld [tilespmem:s29+$0x7CB0];
	v61 =	vsel vm7, $0x3F800000, v1;
	v38 =	vadd.f32 v59, v38;
	v60 =	vadd.f32 v37, v35  }
0x10e: {  	vm5 =	veq.s32 v32, v16;
	v53 =	vsel vm6, $0x3F800000, v1;
	v36 =	vld [tilespmem:s29+$0x7CF0];
	v35 =	vadd.f32 v61, v58  }
0x10f: {  	v47 =	vsel vm5, $0x3F800000, v1;
	v58 =	vld [tilespmem:s29+$0x7C01];
	v32 =	vadd.f32 v33, v60;
	v33 =	vadd.f32 v46, v38  }
0x110: {  	v55 =	vsel vm4, $0x3F800000, v1;
	vm4 =	veq.s32 v20, v49;
	v39 =	vld.idx.msk [tilespmem:v56+s2+$0x0], $0xffff;
	v35 =	vadd.f32 v47, v35  }
0x111: {  	v50 =	vld [tilespmem:s29+$0x7C11];
	vm3 =	veq.s32 v31, v28;
	v32 =	vadd.f32 v42, v32;
	v33 =	vadd.f32 v52, v33  }
0x112: {  	v41 =	vld.idx.msk [tilespmem:v41+s2+$0x0], $0xffff;
	v54 =	vadd.f32 v53, v35;
	v56 =	vsel vm3, $0x3F800000, v1;
	vm3 =	veq.s32 v30, v20  }
0x113: {  	v57 =	vld.idx.msk [tilespmem:v63+s2+$0x0], $0xffff;
	vm6 =	veq.s32 v18, v36;
	v60 =	vsel vm3, $0x3F800000, v1;
	v31 =	vadd.f32 v62, v32  }
0x114: {  	v61 =	vld [tilespmem:s29+$0x7BF1];
	vm3 =	veq.s32 v17, v45;
	v32 =	vadd.f32 v55, v33;
	v59 =	vadd.f32 v56, v54  }
0x115: {  	v34 =	vld [tilespmem:s29+$0x7CD0];
	vm8 =	veq.s32 v16, v58;
	v30 =	vadd.f32 v39, v31;
	v31 =	vsel vm2, $0x3F800000, v1  }
0x116: {  	v49 =	vld [tilespmem:s29+$0x7BC1];
	v62 =	vadd.f32 v60, v59;
	vm2 =	veq.s32 v29, v17;
	v31 =	vadd.f32 v31, v32  }
0x117: {  	v47 =	vld [tilespmem:s29+$0x7BD1];
	v63 =	vsel vm2, $0x3F800000, v1;
	v29 =	vadd.f32 v41, v30;
	v30 =	vsel vm1, $0x3F800000, v1  }
0x118: {  	v46 =	vld [tilespmem:s29+$0x7CA0];
	v45 =	vadd.s32 v24, v48;
	v30 =	vadd.f32 v30, v31;
	v31 =	vadd.f32 v63, v62  }
0x119: {  	v35 =	vld [tilespmem:s29+$0x7CC0];
	vm7 =	veq.s32 v14, v61;
	vm1 =	veq.s32 v27, v15;
	v27 =	vnsel vm0, $0x0, v12  }
0x11a: {  	v42 =	vld [tilespmem:s29+$0x7BE1];
	vm2 =	veq.s32 v15, v44;
	v32 =	vadd.s32 s0, v20;
	v37 =	vadd.f32 v57, v29  }
0x11b: {  	v44 =	vld [tilespmem:s29+$0x7C90];
	v29 =	vsel vm1, $0x3F800000, v1;
	vm1 =	veq.s32 v18, v50;
	v39 =	vadd.f32 v27, v30  }
0x11c: {  	s1 =	simm.s32 $0x700;
	v41 =	vld [tilespmem:s29+$0x7BB1];
	v38 =	vadd.f32 v29, v31;
	v30 =	vadd.s32 s0, v17;
	v29 =	vadd.s32 s0, v15;
	v27 =	vmovc v28;
	v31 =	vmovc v26  }
.LBB2_8:
0x11d: {  	v33 =	vimm.s32 $0x0  }
0x11e: {  	v56 =	vimm.s32 $0x0;
	v57 =	vimm.s32 $0x0;
	v58 =	vadd.s32 v48, v21  }
0x11f: {  	v51 =	vimm.s32 $0x0;
	v60 =	vimm.s32 $0x0;
	v26 =	vadd.s32 v48, v26  }
0x120: {  	v50 =	vld [tilespmem:s29+$0x7C70];
	v53 =	vadd.s32 s0, v14;
	v55 =	vadd.s32 s0, v19;
	v52 =	vadd.s32 $0x40, v58  }
0x121: {  	v59 =	vld [tilespmem:s29+$0x7B91];
	vm5 =	vmmov vm1;
	v33 =	vsel vm4, $0xFFFFFFFF, v33;
	v62 =	vadd.s32 $0x80, v26  }
0x122: {  	v61 =	vld [tilespmem:s29+$0x7B81];
	v28 =	vadd.s32 s0, v28;
	v26 =	vadd.s32 v48, v25;
	[tilespmem:$0x1FF80] =	vst v33;
	v33 =	vsel vm3, $0xFFFFFFFF, v56  }
0x123: {  	v63 =	vld.idx.msk [tilespmem:v45+s2+$0x0], $0xffff;
	v48 =	vadd.s32 $0xC0, v26;
	[tilespmem:$0x1FF90] =	vst v33;
	v33 =	vsel vm2, $0xFFFFFFFF, v57;
	vm0 =	veq.s32 v14, v34  }
0x124: {  	v54 =	vld [tilespmem:s29+$0x7BA1];
	vm15 =	veq.s32 v25, v41;
	v51 =	vsel vm0, $0xFFFFFFFF, v51;
	vm0 =	veq.s32 v19, v42  }
0x125: {  	[tilespmem:$0x1FFA0] =	vst v33;
	v33 =	vsel vm0, $0xFFFFFFFF, v60;
	v56 =	vld.idx.msk [tilespmem:v52+s2+$0x0], $0xffff;
	vm0 =	veq.s32 v25, v44;
	v25 =	vadd.s32 s0, v23  }
0x126: {  	v32 =	vadd.s32 v9, v32;
	vm1 =	veq.s32 v21, v59;
	v59 =	vld.idx.msk [tilespmem:v62+s2+$0x0], $0xffff;
	v58 =	vadd.s32 v2, v25  }
0x127: {  	v30 =	vadd.s32 v10, v30;
	v29 =	vadd.s32 v11, v29;
	v57 =	vadd.s32 s0, v22;
	[tilespmem:$0x1FF60] =	vst v33;
	v33 =	vld [tilespmem:s29+$0x7C60]  }
0x128: {  	s30 =	sadd.s32 $0xE0, s30;
	v45 =	vld [tilespmem:s29+$0x7D20];
	vm10 =	veq.s32 v19, v35;
	v14 =	vmovc v34;
	v34 =	vadd.f32 v63, v37;
	v60 =	vadd.s32 v3, v57  }
0x129: {  	s19 =	sand.u32 $0x1FE0, s30;
	vm11 =	veq.s32 v22, v47;
	vm13 =	veq.s32 v23, v49;
	v47 =	vadd.s32 v5, v53;
	v48 =	vld.idx.msk [tilespmem:v48+s2+$0x0], $0xffff  }
0x12a: {  	v26 =	vld [tilespmem:s19+$0x7C80];
	vm3 =	veq.s32 v24, v61;
	v61 =	vadd.s32 v4, v55;
	v34 =	vadd.f32 v56, v34  }
0x12b: {  	v42 =	vadd.s32 s0, v16;
	vm2 =	veq.s32 v21, v50;
	[tilespmem:$0x1FF70] =	vst v51;
	v51 =	vadd.s32 s0, v18;
	v18 =	vmovc v36;
	v36 =	vld.idx.msk [tilespmem:v58+s2+$0x0], $0xffff  }
0x12c: {  	v41 =	vld [tilespmem:s29+$0x7D30];
	v62 =	vsel vm3, $0x3F800000, v1;
	vm4 =	veq.s32 v24, v33;
	v34 =	vadd.f32 v59, v34  }
0x12d: {  	vm3 =	veq.s32 v31, v54;
	v37 =	vadd.f32 v62, v39;
	v55 =	vld.idx.msk [tilespmem:v60+s2+$0x0], $0xffff;
	v63 =	vsel vm4, $0x3F800000, v1  }
0x12e: {  	v19 =	vmovc v35;
	v32 =	vld.idx.msk [tilespmem:v32+s2+$0x0], $0xffff;
	v49 =	vsel vm1, $0x3F800000, v1;
	v38 =	vadd.f32 v63, v38;
	v34 =	vadd.f32 v48, v34  }
0x12f: {  	v21 =	vmovc v50;
	v50 =	vsel vm2, $0x3F800000, v1;
	vm1 =	veq.s32 v31, v26;
	v35 =	vadd.f32 v49, v37;
	v59 =	vld.idx.msk [tilespmem:v61+s2+$0x0], $0xffff  }
0x130: {  	v30 =	vld.idx.msk [tilespmem:v30+s2+$0x0], $0xffff;
	v53 =	vsel vm3, $0x3F800000, v1;
	v52 =	vadd.f32 v50, v38;
	v34 =	vadd.f32 v36, v34  }
0x131: {  	s20 =	sshra.s32 s1, $0x2;
	v29 =	vld.idx.msk [tilespmem:v29+s2+$0x0], $0xffff;
	v54 =	vsel vm1, $0x3F800000, v1;
	v35 =	vadd.f32 v53, v35;
	v56 =	vadd.s32 v6, v42  }
0x132: {  	v25 =	vmovc v44;
	v44 =	vld [tilespmem:s20+$0x7C51];
	v53 =	vadd.s32 v8, v28;
	v37 =	vadd.f32 v54, v52;
	v28 =	vadd.f32 v55, v34  }
0x133: {  	v49 =	vld [tilespmem:s20+$0x7C41];
	v60 =	vadd.s32 v7, v51;
	v58 =	vsel vm0, $0x3F800000, v1  }
0x134: {  	v57 =	vsel vm15, $0x3F800000, v1;
	v37 =	vadd.f32 v58, v37;
	v58 =	vadd.f32 v59, v28;
	v28 =	vld [tilespmem:$0x1FF60]  }
0x135: {  	v35 =	vadd.f32 v57, v35;
	v63 =	vld.idx.msk [tilespmem:v47+s2+$0x0], $0xffff  }
0x136: {  	v51 =	vld [tilespmem:s20+$0x7C31];
	v61 =	vsel vm13, $0x3F800000, v1  }
0x137: {  	vm14 =	veq.s32 v23, v46;
	v35 =	vadd.f32 v61, v35;
	v38 =	vld.idx.msk [tilespmem:v56+s2+$0x0], $0xffff  }
0x138: {  	vm12 =	veq.s32 v22, v40;
	v62 =	vsel vm14, $0x3F800000, v1;
	v39 =	vld.idx.msk [tilespmem:v60+s2+$0x0], $0xffff;
	v54 =	vsel vm11, $0x3F800000, v1  }
0x139: {  	v34 =	vadd.f32 v54, v35;
	v52 =	vadd.f32 v62, v37;
	v62 =	vld [tilespmem:$0x1FF70];
	vm0 =	vnez.u8 v28  }
0x13a: {  	v57 =	vld [tilespmem:s29+$0x7C21];
	v47 =	vsel vm8, $0x3F800000, v1;
	v60 =	vadd.f32 v63, v58;
	v28 =	vsel vm0, $0x3F800000, v1  }
0x13b: {  	vm3 =	veq.s32 v45, v49;
	v55 =	vsel vm12, $0x3F800000, v1;
	v37 =	vld.idx.msk [tilespmem:v53+s2+$0x0], $0xffff;
	v34 =	vadd.f32 v28, v34  }
0x13c: {  	v61 =	vsel vm7, $0x3F800000, v1;
	v50 =	vld [tilespmem:s29+$0x7D10];
	v56 =	vadd.f32 v55, v52;
	v38 =	vadd.f32 v38, v60  }
0x13d: {  	v48 =	vsel vm9, $0x3F800000, v1;
	v59 =	vsel vm10, $0x3F800000, v1;
	v28 =	vld [tilespmem:s19+$0x7D00];
	v34 =	vadd.f32 v61, v34  }
0x13e: {  	s29 =	smov.u32 s20;
	v35 =	vadd.f32 v59, v56;
	v59 =	vld [tilespmem:$0x1FF80];
	vm0 =	vnez.u8 v62;
	v38 =	vadd.f32 v39, v38  }
0x13f: {  	v36 =	vld [tilespmem:s29+$0x7CF0];
	v54 =	vsel vm5, $0x3F800000, v1;
	v63 =	vsel vm0, $0x3F800000, v1;
	v34 =	vadd.f32 v47, v34  }
0x140: {  	v62 =	vld [tilespmem:$0x1FF90];
	vm0 =	veq.s32 v27, v57;
	v35 =	vadd.f32 v63, v35;
	v37 =	vadd.f32 v37, v38  }
0x141: {  	v16 =	vmovc v43;
	v43 =	vld [tilespmem:s29+$0x7CE0];
	v55 =	vsel vm6, $0x3F800000, v1;
	v56 =	vsel vm0, $0x3F800000, v1;
	v34 =	vadd.f32 v54, v34  }
0x142: {  	v42 =	vld [tilespmem:s29+$0x7BE1];
	v35 =	vadd.f32 v48, v35;
	v32 =	vadd.f32 v32, v37;
	vm1 =	veq.s32 v27, v28  }
0x143: {  	v22 =	vmovc v40;
	v40 =	vld [tilespmem:s29+$0x7CB0];
	v57 =	vsel vm1, $0x3F800000, v1;
	vm1 =	vnez.u8 v59;
	v38 =	vadd.f32 v56, v34  }
0x144: {  	v23 =	vmovc v46;
	vm2 =	veq.s32 v41, v44;
	v46 =	vld [tilespmem:s29+$0x7CA0];
	v35 =	vadd.f32 v55, v35;
	v37 =	vsel vm1, $0x3F800000, v1  }
0x145: {  	v58 =	vld [tilespmem:s29+$0x7C01];
	v30 =	vadd.f32 v30, v32;
	vm1 =	vnez.u8 v62;
	v37 =	vadd.f32 v37, v38  }
0x146: {  	vm0 =	veq.s32 v20, v50;
	v54 =	vld [tilespmem:s29+$0x7BF1];
	v35 =	vadd.f32 v57, v35;
	v32 =	vsel vm1, $0x3F800000, v1  }
0x147: {  	v60 =	vsel vm0, $0x3F800000, v1;
	v32 =	vadd.f32 v32, v37;
	v37 =	vadd.f32 v29, v30;
	v29 =	vld [tilespmem:$0x1FFA0]  }
0x148: {  	vm4 =	veq.s32 v50, v51;
	v52 =	vld [tilespmem:s29+$0x7C11];
	vm0 =	veq.s32 v17, v45;
	v61 =	vadd.f32 v60, v35  }
0x149: {  	p0 =	sne.s32 s1, $0x5E80;
	v49 =	vld [tilespmem:s29+$0x7BC1];
	vm9 =	veq.s32 v16, v43;
	vm6 =	veq.s32 v18, v36;
	v63 =	vsel vm0, $0x3F800000, v1  }
.Ltmp2:
0x14a: {  	v44 =	vld [tilespmem:s29+$0x7C90];
	vm8 =	veq.s32 v16, v58;
	vm0 =	veq.s32 v15, v41;
	v38 =	vadd.f32 v63, v61;
	(pc) =	sbr.rel @p0 .LBB2_8-.Ltmp2, $4  }
0x14b: {  	v48 =	vor.u32 s1, v0;
	v47 =	vld [tilespmem:s29+$0x7BD1];
	vm7 =	veq.s32 v14, v54;
	v30 =	vsel vm0, $0x3F800000, v1  }
0x14c: {  	v31 =	vmovc v26;
	v24 =	vmovc v33;
	v34 =	vld [tilespmem:s29+$0x7CD0];
	v38 =	vadd.f32 v30, v38;
	v30 =	vadd.s32 s1, v45;
	vm1 =	vnez.u8 v29  }
0x14d: {  	v20 =	vmovc v50;
	v17 =	vmovc v45;
	v35 =	vld [tilespmem:s29+$0x7CC0];
	v45 =	vadd.s32 v33, v48;
	v29 =	vnsel vm1, $0x0, v12;
	vm1 =	veq.s32 v18, v52  }
0x14e: {  	s0 =	smov.u32 s1;
	v15 =	vmovc v41;
	v27 =	vmovc v28;
	v39 =	vadd.f32 v29, v32;
	v29 =	vadd.s32 s1, v41;
	v32 =	vadd.s32 s1, v50;
	v41 =	vld [tilespmem:s29+$0x7BB1];
	s1 =	sadd.s32 $0x380, s1  }
0x14f: {  	v33 =	vld [tilespmem:s29+$0x7B81]  }
0x150: {  	v36 =	vld [tilespmem:s29+$0x7C60];
	v55 =	vadd.s32 v48, v21;
	v57 =	vadd.s32 v48, v26  }
0x151: {  	v43 =	vld [tilespmem:s29+$0x7B91];
	v59 =	vadd.s32 v48, v25;
	vm10 =	veq.s32 v25, v44;
	v63 =	vadd.s32 s0, v23  }
0x152: {  	v50 =	vld [tilespmem:s29+$0x7C70];
	v53 =	vadd.s32 s0, v22;
	v18 =	vadd.s32 s0, v18;
	v16 =	vadd.s32 s0, v16  }
0x153: {  	v51 =	vld [tilespmem:s29+$0x7BA1];
	v44 =	vsel vm7, $0x3F800000, v1;
	v30 =	vadd.s32 v10, v30;
	v56 =	vadd.s32 $0x40, v55  }
0x154: {  	s1 =	sadd.s32 $0xE0, s30;
	v61 =	vadd.s32 $0xC0, v59;
	v54 =	vadd.s32 v3, v53;
	v55 =	vadd.s32 s0, v19  }
0x155: {  	v58 =	vld.idx.msk [tilespmem:v45+s2+$0x0], $0xffff;
	s1 =	sand.u32 $0x1FE0, s1;
	vm0 =	veq.s32 v24, v33;
	vm11 =	veq.s32 v24, v36;
	v24 =	vadd.s32 $0x80, v57  }
0x156: {  	v16 =	vadd.s32 v6, v16;
	v18 =	vadd.s32 v7, v18;
	v52 =	vld [tilespmem:s1+$0x7C80];
	vm5 =	veq.s32 v25, v41  }
0x157: {  	v25 =	vsel vm10, $0x3F800000, v1;
	vm12 =	veq.s32 v21, v43;
	vm13 =	veq.s32 v21, v50  }
0x158: {  	vm14 =	veq.s32 v31, v51;
	v62 =	vsel vm5, $0x3F800000, v1;
	v51 =	vadd.s32 v2, v63;
	v21 =	vld.idx.msk [tilespmem:v56+s2+$0x0], $0xffff  }
0x159: {  	v57 =	vadd.s32 s0, v14;
	v33 =	vsel vm0, $0x3F800000, v1;
	v36 =	vsel vm11, $0x3F800000, v1  }
0x15a: {  	v43 =	vsel vm12, $0x3F800000, v1;
	v26 =	vsel vm13, $0x3F800000, v1;
	v33 =	vadd.f32 v33, v39;
	v24 =	vld.idx.msk [tilespmem:v24+s2+$0x0], $0xffff  }
0x15b: {  	v50 =	vsel vm14, $0x3F800000, v1;
	vm15 =	veq.s32 v31, v52;
	v31 =	vadd.f32 v58, v37  }
0x15c: {  	vm11 =	veq.s32 v23, v49;
	v41 =	vld.idx.msk [tilespmem:v61+s2+$0x0], $0xffff;
	v36 =	vadd.f32 v36, v38;
	v33 =	vadd.f32 v43, v33  }
0x15d: {  	vm12 =	veq.s32 v23, v46;
	v56 =	vadd.s32 v4, v55;
	v21 =	vadd.f32 v21, v31  }
0x15e: {  	vm13 =	veq.s32 v22, v47;
	v26 =	vadd.f32 v26, v36;
	v23 =	vld.idx.msk [tilespmem:v51+s2+$0x0], $0xffff;
	v33 =	vadd.f32 v50, v33  }
0x15f: {  	v60 =	vsel vm15, $0x3F800000, v1;
	v31 =	vadd.s32 v5, v57;
	v21 =	vadd.f32 v24, v21  }
0x160: {  	vm14 =	veq.s32 v22, v40;
	v59 =	vld.idx.msk [tilespmem:v54+s2+$0x0], $0xffff;
	v26 =	vadd.f32 v60, v26;
	v33 =	vadd.f32 v62, v33  }
0x161: {  	v49 =	vsel vm11, $0x3F800000, v1;
	v52 =	vsel vm12, $0x3F800000, v1;
	v21 =	vadd.f32 v41, v21  }
0x162: {  	vm15 =	veq.s32 v19, v42;
	v61 =	vld.idx.msk [tilespmem:v56+s2+$0x0], $0xffff;
	v25 =	vadd.f32 v25, v26;
	v38 =	vadd.f32 v49, v33  }
0x163: {  	v58 =	vsel vm13, $0x3F800000, v1;
	v39 =	vsel vm15, $0x3F800000, v1;
	v21 =	vadd.f32 v23, v21  }
0x164: {  	v62 =	vadd.s32 s0, v28;
	v25 =	vadd.f32 v52, v25;
	v63 =	vld.idx.msk [tilespmem:v31+s2+$0x0], $0xffff;
	v24 =	vadd.f32 v58, v38  }
0x165: {  	v60 =	vsel vm14, $0x3F800000, v1;
	v40 =	vadd.s32 v8, v62;
	v21 =	vadd.f32 v59, v21  }
0x166: {  	vm5 =	veq.s32 v19, v35;
	v16 =	vld.idx.msk [tilespmem:v16+s2+$0x0], $0xffff;
	v25 =	vadd.f32 v60, v25;
	v45 =	vadd.f32 v39, v24  }
0x167: {  	v42 =	vld [tilespmem:s29+$0x7C21];
	v43 =	vadd.s32 v9, v32;
	v41 =	vsel vm5, $0x3F800000, v1;
	v21 =	vadd.f32 v61, v21  }
0x168: {  	vm10 =	veq.s32 v14, v34;
	v14 =	vld.idx.msk [tilespmem:v18+s2+$0x0], $0xffff;
	v22 =	vadd.f32 v41, v25;
	v18 =	vadd.f32 v44, v45  }
0x169: {  	v48 =	vsel vm8, $0x3F800000, v1;
	v46 =	vsel vm10, $0x3F800000, v1;
	v47 =	vld [tilespmem:s1+$0x7D00];
	v21 =	vadd.f32 v63, v21  }
0x16a: {  	v29 =	vadd.s32 v11, v29;
	v19 =	vld.idx.msk [tilespmem:v40+s2+$0x0], $0xffff;
	v22 =	vadd.f32 v46, v22;
	v18 =	vadd.f32 v48, v18  }
0x16b: {  	v50 =	vld [tilespmem:s29+$0x7D10];
	v49 =	vsel vm9, $0x3F800000, v1;
	v52 =	vsel vm1, $0x3F800000, v1;
	v16 =	vadd.f32 v16, v21  }
0x16c: {  	vm11 =	veq.s32 v27, v42;
	v51 =	vld.idx.msk [tilespmem:v43+s2+$0x0], $0xffff;
	v22 =	vadd.f32 v49, v22;
	v18 =	vadd.f32 v52, v18  }
0x16d: {  	v53 =	vld [tilespmem:s29+$0x7D20];
	v54 =	vsel vm6, $0x3F800000, v1;
	v56 =	vsel vm11, $0x3F800000, v1;
	v14 =	vadd.f32 v14, v16  }
0x16e: {  	v55 =	vld.idx.msk [tilespmem:v30+s2+$0x0], $0xffff;
	vm12 =	veq.s32 v27, v47;
	v18 =	vadd.f32 v56, v18;
	v16 =	vadd.f32 v54, v22  }
0x16f: {  	v57 =	vld [tilespmem:s29+$0x7D30];
	v58 =	vsel vm12, $0x3F800000, v1;
	v60 =	vsel vm4, $0x3F800000, v1;
	v14 =	vadd.f32 v19, v14  }
0x170: {  	vm13 =	veq.s32 v20, v50;
	v59 =	vld.idx.msk [tilespmem:v29+s2+$0x0], $0xffff;
	v18 =	vadd.f32 v60, v18;
	v16 =	vadd.f32 v58, v16  }
0x171: {  	v20 =	vsel vm13, $0x3F800000, v1;
	v61 =	vsel vm3, $0x3F800000, v1;
	v14 =	vadd.f32 v51, v14  }
0x172: {  	s26 =	sadd.s32 $0x1, s26;
	vm14 =	veq.s32 v17, v53;
	v17 =	vadd.f32 v61, v18;
	v16 =	vadd.f32 v20, v16  }
0x173: {  	p0 =	sne.s32 s26, $0x10;
	v62 =	vsel vm14, $0x3F800000, v1;
	v63 =	vnsel vm2, $0x0, v12;
	v14 =	vadd.f32 v55, v14  }
.Ltmp3:
0x174: {  	vm15 =	veq.s32 v15, v57;
	v17 =	vadd.f32 v63, v17;
	v16 =	vadd.f32 v62, v16;
	(pc) =	sbr.rel @p0 .LBB2_5-.Ltmp3, $4  }
0x175: {  	s31 =	sshll.u32 s28, $0x7;
	v15 =	vsel vm15, $0x3F800000, v1;
	v14 =	vadd.f32 v59, v14  }
0x176: {  	[tilespmem:s31+$0xA500] =	vst.add.f32.msk $0xffff, v17;
	v15 =	vadd.f32 v15, v16  }
0x177: {  	[tilespmem:s31+$0x9500] =	vst.add.f32.msk $0xffff, v14  }
0x178: {  	[tilespmem:s31+$0xB500] =	vst.add.f32.msk $0xffff, v15  }
0x179: {  	s24 =	sadd.s32 $0x1, s24  }
0x17a: {  	p0 =	sne.s32 s24, $0x7  }
.Ltmp4:
0x17b: {  	_ = 	snop;
	(pc) =	sbr.rel @p0 .LBB2_4-.Ltmp4, $1  }
0x17c: {  	_ =	sdelay $0x3  }
0x17d: {  	[tilespmem:$0x7A80] =	vst v13  }
0x17e: {  	[tilespmem:$0x9400] =	vst v13  }
0x17f: {  	[tilespmem:$0x7A90] =	vst v13  }
0x180: {  	[tilespmem:$0x9410] =	vst v13  }
0x181: {  	[tilespmem:$0x7AA0] =	vst v13  }
0x182: {  	[tilespmem:$0x9420] =	vst v13  }
0x183: {  	[tilespmem:$0x7AB0] =	vst v13  }
0x184: {  	[tilespmem:$0x9430] =	vst v13  }
0x185: {  	[tilespmem:$0x7AC0] =	vst v13  }
0x186: {  	[tilespmem:$0x9440] =	vst v13  }
0x187: {  	[tilespmem:$0x7AD0] =	vst v13  }
0x188: {  	[tilespmem:$0x9450] =	vst v13  }
0x189: {  	[tilespmem:$0x7AE0] =	vst v13  }
0x18a: {  	[tilespmem:$0x9460] =	vst v13  }
0x18b: {  	[tilespmem:$0x7AF0] =	vst v13  }
0x18c: {  	[tilespmem:$0x9470] =	vst v13  }
0x18d: {  	[tilespmem:$0x7B00] =	vst v13  }
0x18e: {  	[tilespmem:$0x9480] =	vst v13  }
0x18f: {  	[tilespmem:$0x7B10] =	vst v13  }
0x190: {  	[tilespmem:$0x9490] =	vst v13  }
0x191: {  	[tilespmem:$0x7B20] =	vst v13  }
0x192: {  	[tilespmem:$0x94A0] =	vst v13  }
0x193: {  	[tilespmem:$0x7B30] =	vst v13  }
0x194: {  	[tilespmem:$0x94B0] =	vst v13  }
0x195: {  	[tilespmem:$0x7B40] =	vst v13  }
0x196: {  	[tilespmem:$0x94C0] =	vst v13  }
0x197: {  	[tilespmem:$0x7B50] =	vst v13  }
0x198: {  	[tilespmem:$0x94D0] =	vst v13;
	s23 =	simm.s32 $0x0  }
0x199: {  	[tilespmem:s14], [sflag:$0x1] =	stream.linear.gather [hbm4b:s8+s23], $0x1880, $0x38;
	[tilespmem:$0xC500] =	vst v63  }
0x19a: {  	_ = 	snop  }
0x19b: {  	[tilespmem:s23], [sflag:$0x3] =	stream.linear.gather [hbm4b:s9+s23], $0x6200, $0x38;
	[tilespmem:$0xC500] =	vst v63  }
0x19c: {  	_ =	swait.ge [sflag:s15], $0x6200  }
0x19d: {  	[sflag:s15] =	ssyncset.done $0x0  }
0x19e: {  	s24 =	simm.s32 $0x0;
	[sflag:s15] =	ssyncadd.s32 $0xFFFF9E00  }
.LBB2_12:
0x19f: {  	s25 =	sshllo.u32 s24, $0x1  }
0x1a0: {  	s0 =	sadd.s32 s6, s25  }
0x1a1: {  	s0 =	smul.u32 $0xC400, s0;
	_ =	sdelay $0x1  }
0x1a2: {  	_ =	swait.ge [sflag:s16], $0x1880;
	s0 =	sshrl.u32 s0, $0x3  }
0x1a3: {  	[sflag:s16] =	ssyncset.done $0x0;
	s0 =	sadd.s32 s3, s0  }
0x1a4: {  	[sflag:s16] =	ssyncadd.s32 $0xFFFFE780;
	s0 =	sadd.s32 $0x1570, s0  }
0x1a5: {  	[tilespmem:s17], [sflag:$0x2] =	stream.linear.gather [hbm4b:s0+s23], $0x1880, $0x38;
	[tilespmem:$0xC500] =	vst v63  }
0x1a6: {  	v15 =	vld [tilespmem:$0x6200]  }
0x1a7: {  	v17 =	vld [tilespmem:$0x6210]  }
0x1a8: {  	v19 =	vld [tilespmem:$0x6220]  }
0x1a9: {  	v20 =	vld [tilespmem:$0x6230]  }
0x1aa: {  	v22 =	vld [tilespmem:$0x6240]  }
0x1ab: {  	v28 =	vld [tilespmem:$0x6250]  }
0x1ac: {  	v33 =	vld [tilespmem:$0x6260]  }
0x1ad: {  	v34 =	vld [tilespmem:$0x6270]  }
0x1ae: {  	v32 =	vld [tilespmem:$0x6280]  }
0x1af: {  	v35 =	vld [tilespmem:$0x6290]  }
0x1b0: {  	v31 =	vld [tilespmem:$0x62A0]  }
0x1b1: {  	v30 =	vld [tilespmem:$0x62B0]  }
0x1b2: {  	v29 =	vld [tilespmem:$0x62C0]  }
0x1b3: {  	s31 =	simm.s32 $0x0;
	v27 =	vld [tilespmem:$0x62D0]  }
0x1b4: {  	v23 =	vld [tilespmem:s31+$0x62D1]  }
0x1b5: {  	v25 =	vld [tilespmem:s31+$0x62C1]  }
0x1b6: {  	v26 =	vld [tilespmem:s31+$0x62B1]  }
0x1b7: {  	v18 =	vld [tilespmem:s31+$0x6370]  }
0x1b8: {  	v36 =	vld [tilespmem:s31+$0x6291]  }
0x1b9: {  	v16 =	vld [tilespmem:s31+$0x6360]  }
0x1ba: {  	v37 =	vld [tilespmem:s31+$0x6281]  }
0x1bb: {  	v14 =	vld [tilespmem:s31+$0x6350]  }
0x1bc: {  	v38 =	vld [tilespmem:s31+$0x6271]  }
0x1bd: {  	v39 =	vld [tilespmem:s31+$0x6231]  }
0x1be: {  	v40 =	vld [tilespmem:s31+$0x6201]  }
0x1bf: {  	v24 =	vld [tilespmem:s31+$0x62E0]  }
0x1c0: {  	v41 =	vimm.f32 $0.0e+00;
	v42 =	vor.u32 s23, v0;
	v21 =	vld [tilespmem:s31+$0x62F0]  }
0x1c1: {  	v43 =	vld [tilespmem:s31+$0x6211];
	vm2 =	veq.s32 v30, v26;
	vm1 =	veq.s32 v29, v25;
	vm0 =	veq.s32 v27, v23  }
0x1c2: {  	v54 =	vld [tilespmem:s31+$0x6221];
	vm3 =	veq.s32 v35, v36;
	vm4 =	veq.s32 v32, v37;
	v53 =	vadd.s32 v15, v42  }
0x1c3: {  	v56 =	vld [tilespmem:s31+$0x6241];
	vm5 =	veq.s32 v34, v38;
	v23 =	vadd.s32 v42, v17;
	v55 =	vadd.s32 v42, v19  }
0x1c4: {  	s1 =	sand.u32 $0x1FE0, s23;
	v46 =	vld [tilespmem:s31+$0x6251];
	vm6 =	veq.s32 v15, v40;
	v42 =	vadd.s32 v42, v20;
	vm7 =	veq.s32 v15, v24  }
0x1c5: {  	v26 =	vld [tilespmem:s1+$0x6300];
	v48 =	vadd.s32 s23, v22;
	v62 =	vadd.s32 s23, v33;
	v63 =	vadd.s32 s23, v34  }
0x1c6: {  	v25 =	vld [tilespmem:s31+$0x6310];
	v44 =	vadd.s32 $0x40, v23;
	v38 =	vadd.s32 $0x80, v55;
	v45 =	vsel vm6, $0x3F800000, v1  }
0x1c7: {  	v15 =	vld [tilespmem:s31+$0x6261];
	vm6 =	veq.s32 v17, v43;
	v57 =	vsel vm7, $0x3F800000, v1;
	vm7 =	veq.s32 v17, v21  }
0x1c8: {  	s26 =	simm.s32 $0xE0;
	v23 =	vld [tilespmem:s31+$0x6320];
	v60 =	vadd.s32 $0xC0, v42;
	v48 =	vadd.s32 v2, v48;
	v45 =	vadd.f32 v45, v41  }
0x1c9: {  	v43 =	vld [tilespmem:s26+$0x6360];
	v17 =	vsel vm6, $0x3F800000, v1;
	vm6 =	veq.s32 v19, v54;
	v58 =	vsel vm7, $0x3F800000, v1  }
0x1ca: {  	vm7 =	veq.s32 v20, v39;
	v59 =	vsel vm6, $0x3F800000, v1;
	v45 =	vadd.f32 v17, v45;
	v17 =	vld [tilespmem:s31+$0x63A0]  }
0x1cb: {  	vm6 =	veq.s32 v19, v26;
	v36 =	vld.idx.msk [tilespmem:v53+s2+$0x0], $0xffff;
	v53 =	vadd.s32 v5, v63;
	v63 =	vadd.s32 s23, v31  }
0x1cc: {  	v47 =	vsel vm6, $0x3F800000, v1;
	vm6 =	veq.s32 v20, v25;
	v20 =	vsel vm7, $0x3F800000, v1;
	v44 =	vld.idx.msk [tilespmem:v44+s2+$0x0], $0xffff  }
0x1cd: {  	s29 =	simm.s32 $0x380;
	vm7 =	veq.s32 v22, v56;
	vm8 =	veq.s32 v22, v23;
	v22 =	vld [tilespmem:s31+$0x6330];
	v55 =	vadd.f32 v59, v45  }
0x1ce: {  	v54 =	vld.idx.msk [tilespmem:v48+s2+$0x0], $0xffff;
	v48 =	vor.u32 s29, v0;
	v61 =	vsel vm6, $0x3F800000, v1;
	v49 =	vsel vm7, $0x3F800000, v1  }
0x1cf: {  	v19 =	vld [tilespmem:s31+$0x6340];
	vm6 =	veq.s32 v33, v15;
	v50 =	vsel vm8, $0x3F800000, v1;
	vm7 =	veq.s32 v28, v46  }
0x1d0: {  	v38 =	vld.idx.msk [tilespmem:v38+s2+$0x0], $0xffff;
	v15 =	vadd.s32 s23, v28;
	v46 =	vadd.s32 v4, v62;
	v62 =	vadd.s32 s23, v29  }
0x1d1: {  	v40 =	vld.idx.msk [tilespmem:v60+s2+$0x0], $0xffff;
	v51 =	vadd.s32 v3, v15;
	v52 =	vsel vm7, $0x3F800000, v1;
	v36 =	vadd.f32 v36, v41  }
0x1d2: {  	v45 =	vld [tilespmem:s26+$0x62C1];
	v59 =	vsel vm6, $0x3F800000, v1;
	vm6 =	veq.s32 v35, v18;
	v41 =	vadd.f32 v57, v41  }
0x1d3: {  	v15 =	vld [tilespmem:s31+$0x63B0];
	v57 =	vadd.s32 s23, v32;
	vm7 =	veq.s32 v28, v22;
	v36 =	vadd.f32 v44, v36  }
0x1d4: {  	v37 =	vld.idx.msk [tilespmem:v53+s2+$0x0], $0xffff;
	v53 =	vadd.s32 s23, v30;
	v28 =	vadd.f32 v58, v41;
	v56 =	vsel vm7, $0x3F800000, v1  }
0x1d5: {  	vm7 =	veq.s32 v33, v19;
	v60 =	vld.idx.msk [tilespmem:v46+s2+$0x0], $0xffff;
	v46 =	vadd.s32 v8, v63;
	v36 =	vadd.f32 v38, v36  }
0x1d6: {  	v33 =	vadd.s32 v6, v57;
	v58 =	vld.idx.msk [tilespmem:v51+s2+$0x0], $0xffff;
	v28 =	vadd.f32 v47, v28;
	v38 =	vadd.f32 v20, v55  }
0x1d7: {  	v57 =	vadd.s32 s23, v27;
	v20 =	vadd.s32 s23, v35;
	v55 =	vld [tilespmem:s31+$0x62A1];
	v36 =	vadd.f32 v40, v36  }
0x1d8: {  	v44 =	vld [tilespmem:s26+$0x62D1];
	v28 =	vadd.f32 v61, v28;
	v61 =	vadd.s32 v7, v20;
	v38 =	vadd.f32 v49, v38  }
0x1d9: {  	v41 =	vadd.s32 v10, v62;
	v63 =	vadd.s32 v11, v57;
	v20 =	vld [tilespmem:s31+$0x6390];
	v36 =	vadd.f32 v54, v36  }
0x1da: {  	v62 =	vld.idx.msk [tilespmem:v46+s2+$0x0], $0xffff;
	v46 =	vsel vm4, $0x3F800000, v1;
	v28 =	vadd.f32 v50, v28;
	v38 =	vadd.f32 v52, v38  }
0x1db: {  	v49 =	vld [tilespmem:s26+$0x62B1];
	v54 =	vsel vm7, $0x3F800000, v1;
	vm7 =	veq.s32 v34, v14;
	v36 =	vadd.f32 v58, v36  }
0x1dc: {  	v33 =	vld.idx.msk [tilespmem:v33+s2+$0x0], $0xffff;
	v52 =	vsel vm3, $0x3F800000, v1;
	vm4 =	veq.s32 v31, v55;
	v28 =	vadd.f32 v56, v28  }
0x1dd: {  	v56 =	vadd.s32 v9, v53;
	v38 =	vadd.f32 v59, v38;
	v42 =	vld.idx.msk [tilespmem:v61+s2+$0x0], $0xffff;
	v35 =	vadd.f32 v60, v36  }
0x1de: {  	v59 =	vsel vm5, $0x3F800000, v1;
	vm5 =	veq.s32 v32, v16;
	v58 =	vadd.f32 v54, v28;
	v28 =	vld [tilespmem:s1+$0x6380]  }
0x1df: {  	v40 =	vld [tilespmem:s26+$0x6330];
	v61 =	vsel vm7, $0x3F800000, v1;
	v38 =	vadd.f32 v59, v38;
	v60 =	vadd.f32 v37, v35  }
0x1e0: {  	v53 =	vsel vm6, $0x3F800000, v1;
	v55 =	vsel vm4, $0x3F800000, v1;
	v36 =	vld [tilespmem:s26+$0x6370];
	v35 =	vadd.f32 v61, v58  }
0x1e1: {  	v47 =	vsel vm5, $0x3F800000, v1;
	v58 =	vld [tilespmem:s26+$0x6281];
	v32 =	vadd.f32 v33, v60;
	v33 =	vadd.f32 v46, v38  }
0x1e2: {  	vm6 =	veq.s32 v16, v43;
	vm4 =	veq.s32 v20, v49;
	v39 =	vld.idx.msk [tilespmem:v56+s2+$0x0], $0xffff;
	v35 =	vadd.f32 v47, v35  }
0x1e3: {  	v41 =	vld.idx.msk [tilespmem:v41+s2+$0x0], $0xffff;
	vm3 =	veq.s32 v31, v28;
	v32 =	vadd.f32 v42, v32;
	v33 =	vadd.f32 v52, v33  }
0x1e4: {  	v50 =	vld [tilespmem:s26+$0x6291];
	v54 =	vadd.f32 v53, v35;
	v56 =	vsel vm3, $0x3F800000, v1;
	vm3 =	veq.s32 v30, v20  }
0x1e5: {  	v57 =	vld.idx.msk [tilespmem:v63+s2+$0x0], $0xffff;
	vm9 =	veq.s32 v18, v36;
	v60 =	vsel vm3, $0x3F800000, v1;
	v31 =	vadd.f32 v62, v32  }
0x1e6: {  	v61 =	vld [tilespmem:s26+$0x6271];
	vm3 =	veq.s32 v17, v45;
	v32 =	vadd.f32 v55, v33;
	v59 =	vadd.f32 v56, v54  }
0x1e7: {  	v34 =	vld [tilespmem:s26+$0x6350];
	vm8 =	veq.s32 v16, v58;
	v30 =	vadd.f32 v39, v31;
	v31 =	vsel vm2, $0x3F800000, v1  }
0x1e8: {  	v49 =	vld [tilespmem:s26+$0x6241];
	v62 =	vadd.f32 v60, v59;
	vm2 =	veq.s32 v29, v17;
	v31 =	vadd.f32 v31, v32  }
0x1e9: {  	v47 =	vld [tilespmem:s26+$0x6251];
	v63 =	vsel vm2, $0x3F800000, v1;
	v29 =	vadd.f32 v41, v30;
	v30 =	vsel vm1, $0x3F800000, v1  }
0x1ea: {  	v46 =	vld [tilespmem:s26+$0x6320];
	v45 =	vadd.s32 v24, v48;
	v30 =	vadd.f32 v30, v31;
	v31 =	vadd.f32 v63, v62  }
0x1eb: {  	v35 =	vld [tilespmem:s26+$0x6340];
	vm7 =	veq.s32 v14, v61;
	vm1 =	veq.s32 v27, v15;
	v27 =	vnsel vm0, $0x0, v12  }
0x1ec: {  	v42 =	vld [tilespmem:s26+$0x6261];
	vm2 =	veq.s32 v15, v44;
	v32 =	vadd.s32 s29, v20;
	v37 =	vadd.f32 v57, v29  }
0x1ed: {  	v44 =	vld [tilespmem:s26+$0x6310];
	v29 =	vsel vm1, $0x3F800000, v1;
	vm1 =	veq.s32 v18, v50;
	v38 =	vadd.f32 v27, v30  }
0x1ee: {  	s28 =	sshll.u32 s24, $0x1;
	s30 =	simm.s32 $0x700;
	s0 =	simm.s32 $0x0;
	v41 =	vld [tilespmem:s26+$0x6231];
	v39 =	vadd.f32 v29, v31;
	v30 =	vadd.s32 s29, v17;
	v29 =	vadd.s32 s29, v15;
	v27 =	vmovc v28;
	v31 =	vmovc v26  }
.LBB2_13:
0x1ef: {  	v33 =	vimm.s32 $0x0  }
0x1f0: {  	v56 =	vimm.s32 $0x0;
	v57 =	vimm.s32 $0x0;
	v58 =	vadd.s32 v48, v21  }
0x1f1: {  	v51 =	vimm.s32 $0x0;
	v60 =	vimm.s32 $0x0;
	v26 =	vadd.s32 v48, v26  }
0x1f2: {  	v50 =	vld [tilespmem:s26+$0x62F0];
	v53 =	vadd.s32 s29, v14;
	v54 =	vadd.s32 s29, v19;
	v52 =	vadd.s32 $0x40, v58  }
0x1f3: {  	v59 =	vld [tilespmem:s26+$0x6211];
	vm5 =	vmmov vm1;
	v33 =	vsel vm4, $0xFFFFFFFF, v33;
	v62 =	vadd.s32 $0x80, v26  }
0x1f4: {  	v61 =	vld [tilespmem:s26+$0x6201];
	v28 =	vadd.s32 s29, v28;
	v26 =	vadd.s32 v48, v25;
	[tilespmem:$0x1FF30] =	vst v33;
	v33 =	vsel vm3, $0xFFFFFFFF, v56  }
0x1f5: {  	v63 =	vld.idx.msk [tilespmem:v45+s2+$0x0], $0xffff;
	v48 =	vadd.s32 $0xC0, v26;
	[tilespmem:$0x1FF40] =	vst v33;
	v33 =	vsel vm2, $0xFFFFFFFF, v57;
	vm0 =	veq.s32 v14, v34  }
0x1f6: {  	v45 =	vld [tilespmem:s26+$0x6221];
	vm15 =	veq.s32 v25, v41;
	v51 =	vsel vm0, $0xFFFFFFFF, v51;
	vm0 =	veq.s32 v19, v42  }
0x1f7: {  	[tilespmem:$0x1FF50] =	vst v33;
	v33 =	vsel vm0, $0xFFFFFFFF, v60;
	v55 =	vld.idx.msk [tilespmem:v52+s2+$0x0], $0xffff;
	vm0 =	veq.s32 v25, v44;
	v25 =	vadd.s32 s29, v23  }
0x1f8: {  	s0 =	sadd.s32 $0xE0, s0;
	v32 =	vadd.s32 v9, v32;
	v30 =	vadd.s32 v10, v30;
	v58 =	vld.idx.msk [tilespmem:v62+s2+$0x0], $0xffff;
	v57 =	vadd.s32 v2, v25  }
0x1f9: {  	v29 =	vadd.s32 v11, v29;
	s1 =	sand.u32 $0x1FE0, s0;
	v56 =	vadd.s32 s29, v22;
	vm10 =	veq.s32 v19, v35;
	[tilespmem:$0x1FF10] =	vst v33;
	v33 =	vld [tilespmem:s26+$0x62E0]  }
0x1fa: {  	v26 =	vld [tilespmem:s1+$0x6300];
	v14 =	vmovc v34;
	vm1 =	veq.s32 v21, v59;
	v59 =	vadd.s32 v3, v56;
	v34 =	vadd.f32 v63, v37  }
0x1fb: {  	vm11 =	veq.s32 v22, v47;
	vm13 =	veq.s32 v23, v49;
	v47 =	vadd.s32 v5, v53;
	v48 =	vld.idx.msk [tilespmem:v48+s2+$0x0], $0xffff  }
0x1fc: {  	v41 =	vld [tilespmem:s26+$0x63B0];
	vm2 =	veq.s32 v21, v50;
	v60 =	vadd.s32 v4, v54;
	v34 =	vadd.f32 v55, v34  }
0x1fd: {  	v42 =	vadd.s32 s29, v16;
	vm3 =	veq.s32 v24, v61;
	[tilespmem:$0x1FF20] =	vst v51;
	v51 =	vadd.s32 s29, v18;
	v18 =	vmovc v36;
	v36 =	vld.idx.msk [tilespmem:v57+s2+$0x0], $0xffff  }
0x1fe: {  	v32 =	vld.idx.msk [tilespmem:v32+s2+$0x0], $0xffff;
	v61 =	vsel vm3, $0x3F800000, v1;
	vm4 =	veq.s32 v24, v33;
	v34 =	vadd.f32 v58, v34  }
0x1ff: {  	vm3 =	veq.s32 v31, v45;
	v37 =	vadd.f32 v61, v38;
	v55 =	vld.idx.msk [tilespmem:v59+s2+$0x0], $0xffff;
	v62 =	vsel vm4, $0x3F800000, v1  }
0x200: {  	v19 =	vmovc v35;
	v30 =	vld.idx.msk [tilespmem:v30+s2+$0x0], $0xffff;
	v49 =	vsel vm1, $0x3F800000, v1;
	v63 =	vadd.f32 v62, v39;
	v34 =	vadd.f32 v48, v34  }
0x201: {  	v21 =	vmovc v50;
	v50 =	vsel vm2, $0x3F800000, v1;
	vm1 =	veq.s32 v31, v26;
	v35 =	vadd.f32 v49, v37;
	v59 =	vld.idx.msk [tilespmem:v60+s2+$0x0], $0xffff  }
0x202: {  	v29 =	vld.idx.msk [tilespmem:v29+s2+$0x0], $0xffff;
	v53 =	vsel vm3, $0x3F800000, v1;
	v52 =	vadd.f32 v50, v63;
	v34 =	vadd.f32 v36, v34  }
0x203: {  	s19 =	sshra.s32 s30, $0x2;
	v45 =	vld [tilespmem:s26+$0x63A0];
	v56 =	vadd.s32 v6, v42;
	v54 =	vsel vm1, $0x3F800000, v1;
	v35 =	vadd.f32 v53, v35  }
0x204: {  	v25 =	vmovc v44;
	v44 =	vld [tilespmem:s19+$0x62D1];
	v53 =	vadd.s32 v8, v28;
	v37 =	vadd.f32 v54, v52;
	v28 =	vadd.f32 v55, v34  }
0x205: {  	v49 =	vld [tilespmem:s19+$0x62C1];
	v60 =	vadd.s32 v7, v51;
	v58 =	vsel vm0, $0x3F800000, v1  }
0x206: {  	v57 =	vsel vm15, $0x3F800000, v1;
	v37 =	vadd.f32 v58, v37;
	v58 =	vadd.f32 v59, v28;
	v28 =	vld [tilespmem:$0x1FF10]  }
0x207: {  	v35 =	vadd.f32 v57, v35;
	v63 =	vld.idx.msk [tilespmem:v47+s2+$0x0], $0xffff  }
0x208: {  	v61 =	vsel vm13, $0x3F800000, v1;
	v51 =	vld [tilespmem:s19+$0x62B1]  }
0x209: {  	vm14 =	veq.s32 v23, v46;
	v38 =	vld.idx.msk [tilespmem:v56+s2+$0x0], $0xffff;
	v35 =	vadd.f32 v61, v35  }
0x20a: {  	vm12 =	veq.s32 v22, v40;
	v62 =	vsel vm14, $0x3F800000, v1;
	v39 =	vld.idx.msk [tilespmem:v60+s2+$0x0], $0xffff;
	v54 =	vsel vm11, $0x3F800000, v1  }
0x20b: {  	v34 =	vadd.f32 v54, v35;
	v52 =	vadd.f32 v62, v37;
	v62 =	vld [tilespmem:$0x1FF20];
	vm0 =	vnez.u8 v28  }
0x20c: {  	v57 =	vld [tilespmem:s26+$0x62A1];
	vm3 =	veq.s32 v45, v49;
	v60 =	vadd.f32 v63, v58;
	v28 =	vsel vm0, $0x3F800000, v1  }
0x20d: {  	v61 =	vsel vm7, $0x3F800000, v1;
	v55 =	vsel vm12, $0x3F800000, v1;
	v37 =	vld.idx.msk [tilespmem:v53+s2+$0x0], $0xffff;
	v34 =	vadd.f32 v28, v34  }
0x20e: {  	v48 =	vsel vm6, $0x3F800000, v1;
	v50 =	vld [tilespmem:s26+$0x6390];
	v56 =	vadd.f32 v55, v52;
	v38 =	vadd.f32 v38, v60  }
0x20f: {  	v47 =	vsel vm8, $0x3F800000, v1;
	v59 =	vsel vm10, $0x3F800000, v1;
	v28 =	vld [tilespmem:s1+$0x6380];
	v34 =	vadd.f32 v61, v34  }
0x210: {  	s26 =	smov.u32 s19;
	v35 =	vadd.f32 v59, v56;
	v59 =	vld [tilespmem:$0x1FF30];
	vm0 =	vnez.u8 v62;
	v38 =	vadd.f32 v39, v38  }
0x211: {  	v36 =	vld [tilespmem:s26+$0x6370];
	v54 =	vsel vm5, $0x3F800000, v1;
	v63 =	vsel vm0, $0x3F800000, v1;
	v34 =	vadd.f32 v47, v34  }
0x212: {  	v62 =	vld [tilespmem:$0x1FF40];
	vm0 =	veq.s32 v27, v57;
	v35 =	vadd.f32 v63, v35;
	v37 =	vadd.f32 v37, v38  }
0x213: {  	v16 =	vmovc v43;
	v43 =	vld [tilespmem:s26+$0x6360];
	v55 =	vsel vm9, $0x3F800000, v1;
	v56 =	vsel vm0, $0x3F800000, v1;
	v34 =	vadd.f32 v54, v34  }
0x214: {  	v42 =	vld [tilespmem:s26+$0x6261];
	v35 =	vadd.f32 v48, v35;
	v32 =	vadd.f32 v32, v37;
	vm1 =	veq.s32 v27, v28  }
0x215: {  	v22 =	vmovc v40;
	v40 =	vld [tilespmem:s26+$0x6330];
	v57 =	vsel vm1, $0x3F800000, v1;
	vm1 =	vnez.u8 v59;
	v38 =	vadd.f32 v56, v34  }
0x216: {  	v23 =	vmovc v46;
	vm2 =	veq.s32 v41, v44;
	v46 =	vld [tilespmem:s26+$0x6320];
	v35 =	vadd.f32 v55, v35;
	v37 =	vsel vm1, $0x3F800000, v1  }
0x217: {  	v58 =	vld [tilespmem:s26+$0x6281];
	v30 =	vadd.f32 v30, v32;
	vm1 =	vnez.u8 v62;
	v37 =	vadd.f32 v37, v38  }
0x218: {  	vm0 =	veq.s32 v20, v50;
	v54 =	vld [tilespmem:s26+$0x6271];
	v35 =	vadd.f32 v57, v35;
	v32 =	vsel vm1, $0x3F800000, v1  }
0x219: {  	v60 =	vsel vm0, $0x3F800000, v1;
	v32 =	vadd.f32 v32, v37;
	v37 =	vadd.f32 v29, v30;
	v29 =	vld [tilespmem:$0x1FF50]  }
0x21a: {  	vm4 =	veq.s32 v50, v51;
	v52 =	vld [tilespmem:s26+$0x6291];
	vm0 =	veq.s32 v17, v45;
	v61 =	vadd.f32 v60, v35  }
0x21b: {  	p0 =	sne.s32 s30, $0x5E80;
	v49 =	vld [tilespmem:s26+$0x6241];
	vm6 =	veq.s32 v16, v43;
	vm9 =	veq.s32 v18, v36;
	v63 =	vsel vm0, $0x3F800000, v1  }
.Ltmp5:
0x21c: {  	v44 =	vld [tilespmem:s26+$0x6310];
	vm8 =	veq.s32 v16, v58;
	vm0 =	veq.s32 v15, v41;
	v39 =	vadd.f32 v63, v61;
	(pc) =	sbr.rel @p0 .LBB2_13-.Ltmp5, $4  }
0x21d: {  	v48 =	vor.u32 s30, v0;
	v47 =	vld [tilespmem:s26+$0x6251];
	vm7 =	veq.s32 v14, v54;
	v30 =	vsel vm0, $0x3F800000, v1  }
0x21e: {  	v31 =	vmovc v26;
	v24 =	vmovc v33;
	v34 =	vld [tilespmem:s26+$0x6350];
	v39 =	vadd.f32 v30, v39;
	v30 =	vadd.s32 s30, v45;
	vm1 =	vnez.u8 v29  }
0x21f: {  	v20 =	vmovc v50;
	v17 =	vmovc v45;
	v35 =	vld [tilespmem:s26+$0x6340];
	v45 =	vadd.s32 v33, v48;
	v29 =	vnsel vm1, $0x0, v12;
	vm1 =	veq.s32 v18, v52  }
0x220: {  	s29 =	smov.u32 s30;
	v15 =	vmovc v41;
	v27 =	vmovc v28;
	v38 =	vadd.f32 v29, v32;
	v29 =	vadd.s32 s30, v41;
	v32 =	vadd.s32 s30, v50;
	v41 =	vld [tilespmem:s26+$0x6231];
	s30 =	sadd.s32 $0x380, s30  }
0x221: {  	v33 =	vld [tilespmem:s26+$0x6201]  }
0x222: {  	v36 =	vld [tilespmem:s26+$0x62E0]  }
0x223: {  	v43 =	vld [tilespmem:s26+$0x6211]  }
0x224: {  	v50 =	vld [tilespmem:s26+$0x62F0];
	s0 =	sadd.s32 $0xE0, s0  }
0x225: {  	v51 =	vld [tilespmem:s26+$0x6221];
	s0 =	sand.u32 $0x1FE0, s0  }
0x226: {  	v52 =	vld [tilespmem:s0+$0x6300];
	vm0 =	veq.s32 v24, v33  }
0x227: {  	v33 =	vsel vm0, $0x3F800000, v1;
	vm0 =	veq.s32 v24, v36  }
0x228: {  	v24 =	vadd.s32 v48, v21;
	v36 =	vsel vm0, $0x3F800000, v1;
	vm0 =	veq.s32 v21, v43  }
0x229: {  	v43 =	vsel vm0, $0x3F800000, v1;
	vm0 =	veq.s32 v21, v50;
	v21 =	vadd.s32 $0x40, v24  }
0x22a: {  	v24 =	vadd.s32 v48, v26;
	v26 =	vsel vm0, $0x3F800000, v1;
	vm0 =	veq.s32 v31, v51  }
0x22b: {  	v24 =	vadd.s32 $0x80, v24;
	v60 =	vsel vm0, $0x3F800000, v1;
	vm0 =	veq.s32 v31, v52  }
0x22c: {  	v61 =	vadd.s32 v48, v25;
	v31 =	vld.idx.msk [tilespmem:v45+s2+$0x0], $0xffff;
	v62 =	vsel vm0, $0x3F800000, v1;
	vm0 =	veq.s32 v25, v41  }
0x22d: {  	v63 =	vadd.s32 $0xC0, v61;
	v52 =	vsel vm0, $0x3F800000, v1;
	vm0 =	veq.s32 v25, v44  }
0x22e: {  	v53 =	vadd.s32 s29, v23;
	v25 =	vsel vm0, $0x3F800000, v1;
	vm0 =	veq.s32 v23, v49;
	v21 =	vld.idx.msk [tilespmem:v21+s2+$0x0], $0xffff  }
0x22f: {  	v49 =	vsel vm0, $0x3F800000, v1;
	vm0 =	veq.s32 v23, v46;
	v23 =	vadd.s32 v2, v53  }
0x230: {  	v18 =	vadd.s32 s29, v18;
	v54 =	vadd.s32 s29, v22;
	v33 =	vadd.f32 v33, v38;
	v24 =	vld.idx.msk [tilespmem:v24+s2+$0x0], $0xffff  }
0x231: {  	v36 =	vadd.f32 v36, v39;
	v44 =	vadd.s32 v3, v54;
	v31 =	vadd.f32 v31, v37  }
0x232: {  	v55 =	vadd.s32 s29, v19;
	v16 =	vadd.s32 s29, v16;
	v33 =	vadd.f32 v43, v33;
	v41 =	vld.idx.msk [tilespmem:v63+s2+$0x0], $0xffff  }
0x233: {  	v26 =	vadd.f32 v26, v36;
	v37 =	vadd.s32 v4, v55;
	v21 =	vadd.f32 v21, v31  }
0x234: {  	v33 =	vadd.f32 v60, v33;
	v46 =	vsel vm0, $0x3F800000, v1;
	v31 =	vadd.s32 s29, v14;
	v23 =	vld.idx.msk [tilespmem:v23+s2+$0x0], $0xffff  }
0x235: {  	vm0 =	veq.s32 v22, v47;
	v31 =	vadd.s32 v5, v31;
	v21 =	vadd.f32 v24, v21  }
0x236: {  	v26 =	vadd.f32 v62, v26;
	v24 =	vsel vm0, $0x3F800000, v1;
	vm0 =	veq.s32 v22, v40;
	v22 =	vld.idx.msk [tilespmem:v44+s2+$0x0], $0xffff  }
0x237: {  	v16 =	vadd.s32 v6, v16;
	v18 =	vadd.s32 v7, v18;
	v21 =	vadd.f32 v41, v21  }
0x238: {  	v33 =	vadd.f32 v52, v33;
	v25 =	vadd.f32 v25, v26;
	v26 =	vadd.s32 s29, v28;
	v37 =	vld.idx.msk [tilespmem:v37+s2+$0x0], $0xffff  }
0x239: {  	v56 =	vsel vm0, $0x3F800000, v1;
	vm0 =	veq.s32 v19, v42;
	v21 =	vadd.f32 v23, v21  }
0x23a: {  	v28 =	vadd.f32 v49, v33;
	v25 =	vadd.f32 v46, v25;
	v23 =	vld.idx.msk [tilespmem:v31+s2+$0x0], $0xffff;
	v31 =	vsel vm0, $0x3F800000, v1  }
0x23b: {  	vm0 =	veq.s32 v19, v35;
	v19 =	vadd.s32 v8, v26;
	v21 =	vadd.f32 v22, v21  }
0x23c: {  	v57 =	vsel vm7, $0x3F800000, v1;
	v16 =	vld.idx.msk [tilespmem:v16+s2+$0x0], $0xffff;
	v24 =	vadd.f32 v24, v28;
	v25 =	vadd.f32 v56, v25  }
0x23d: {  	v28 =	vadd.s32 v9, v32;
	v26 =	vld [tilespmem:s26+$0x62A1];
	v22 =	vsel vm0, $0x3F800000, v1;
	v21 =	vadd.f32 v37, v21  }
0x23e: {  	vm0 =	veq.s32 v14, v34;
	v14 =	vld.idx.msk [tilespmem:v18+s2+$0x0], $0xffff;
	v18 =	vadd.f32 v31, v24;
	v22 =	vadd.f32 v22, v25  }
0x23f: {  	v24 =	vld [tilespmem:s0+$0x6380];
	v25 =	vadd.s32 v10, v30;
	v21 =	vadd.f32 v23, v21;
	v23 =	vsel vm0, $0x3F800000, v1  }
0x240: {  	v18 =	vadd.f32 v57, v18;
	v19 =	vld.idx.msk [tilespmem:v19+s2+$0x0], $0xffff;
	v22 =	vadd.f32 v23, v22  }
0x241: {  	v23 =	vadd.s32 v11, v29;
	v29 =	vld [tilespmem:s26+$0x6390];
	v16 =	vadd.f32 v16, v21;
	v21 =	vsel vm8, $0x3F800000, v1  }
0x242: {  	v28 =	vld.idx.msk [tilespmem:v28+s2+$0x0], $0xffff;
	v30 =	vsel vm6, $0x3F800000, v1;
	vm0 =	veq.s32 v27, v26;
	v18 =	vadd.f32 v21, v18  }
0x243: {  	v21 =	vadd.f32 v30, v22;
	v22 =	vld [tilespmem:s26+$0x63A0];
	v14 =	vadd.f32 v14, v16;
	v16 =	vsel vm1, $0x3F800000, v1  }
0x244: {  	v26 =	vsel vm9, $0x3F800000, v1;
	v25 =	vld.idx.msk [tilespmem:v25+s2+$0x0], $0xffff;
	vm1 =	veq.s32 v27, v24;
	v16 =	vadd.f32 v16, v18  }
0x245: {  	v18 =	vadd.f32 v26, v21;
	v21 =	vld [tilespmem:s26+$0x63B0];
	v14 =	vadd.f32 v19, v14;
	v19 =	vsel vm0, $0x3F800000, v1  }
0x246: {  	v24 =	vsel vm1, $0x3F800000, v1;
	v23 =	vld.idx.msk [tilespmem:v23+s2+$0x0], $0xffff;
	vm0 =	veq.s32 v20, v29;
	v16 =	vadd.f32 v19, v16  }
0x247: {  	v18 =	vadd.f32 v24, v18;
	v19 =	vsel vm4, $0x3F800000, v1;
	v14 =	vadd.f32 v28, v14  }
0x248: {  	v20 =	vsel vm0, $0x3F800000, v1;
	vm0 =	veq.s32 v17, v22;
	v16 =	vadd.f32 v19, v16  }
0x249: {  	v17 =	vsel vm3, $0x3F800000, v1;
	v18 =	vadd.f32 v20, v18;
	v14 =	vadd.f32 v25, v14  }
0x24a: {  	v19 =	vsel vm0, $0x3F800000, v1;
	vm0 =	veq.s32 v15, v21;
	v16 =	vadd.f32 v17, v16  }
0x24b: {  	v15 =	vnsel vm2, $0x0, v12;
	v17 =	vadd.f32 v19, v18;
	v14 =	vadd.f32 v23, v14  }
0x24c: {  	p0 =	seq.s32 s24, $0xF;
	s29 =	sshll.u32 s24, $0x8;
	v18 =	vsel vm0, $0x3F800000, v1;
	v15 =	vadd.f32 v15, v16  }
0x24d: {  	s1 =	sadd.s32 @!p0 s28, s7;
	v16 =	vadd.f32 v18, v17;
	[tilespmem:s29+$0x9500] =	vst.add.f32.msk $0xffff, v14  }
0x24e: {  	s0 =	smul.u32 @!p0 $0xC400, s1;
	[tilespmem:s29+$0xA500] =	vst.add.f32.msk $0xffff, v15  }
0x24f: {  	[tilespmem:s29+$0xB500] =	vst.add.f32.msk $0xffff, v16  }
0x250: {  	s0 =	sshrl.u32 @!p0 s0, $0x3;
	_ =	swait.ge [sflag:s18], $0x1880  }
0x251: {  	s19 =	simm.s32 @!p0 $0x6200;
	s0 =	sadd.s32 @!p0 s3, s0;
	[sflag:s18] =	ssyncset.done $0x0  }
0x252: {  	s1 =	simm.s32 @!p0 $0x0;
	s0 =	sadd.s32 @!p0 $0x1570, s0;
	[sflag:s18] =	ssyncadd.s32 $0xFFFFE780  }
0x253: {  	[tilespmem:s19], [sflag:$0x1] =	stream.linear.gather @!p0 [hbm4b:s0+s1], $0x1880, $0x38;
	[tilespmem:$0xC500] =	vst v63  }
0x254: {  	v15 =	vld [tilespmem:$0x7B80]  }
0x255: {  	v17 =	vld [tilespmem:$0x7B90]  }
0x256: {  	v19 =	vld [tilespmem:$0x7BA0]  }
0x257: {  	v20 =	vld [tilespmem:$0x7BB0]  }
0x258: {  	v22 =	vld [tilespmem:$0x7BC0]  }
0x259: {  	v28 =	vld [tilespmem:$0x7BD0]  }
0x25a: {  	v33 =	vld [tilespmem:$0x7BE0]  }
0x25b: {  	v34 =	vld [tilespmem:$0x7BF0]  }
0x25c: {  	v32 =	vld [tilespmem:$0x7C00]  }
0x25d: {  	v35 =	vld [tilespmem:$0x7C10]  }
0x25e: {  	v31 =	vld [tilespmem:$0x7C20]  }
0x25f: {  	v30 =	vld [tilespmem:$0x7C30]  }
0x260: {  	v29 =	vld [tilespmem:$0x7C40]  }
0x261: {  	s30 =	simm.s32 $0x0;
	v27 =	vld [tilespmem:$0x7C50]  }
0x262: {  	v23 =	vld [tilespmem:s30+$0x7C51]  }
0x263: {  	v25 =	vld [tilespmem:s30+$0x7C41]  }
0x264: {  	v26 =	vld [tilespmem:s30+$0x7C31]  }
0x265: {  	v18 =	vld [tilespmem:s30+$0x7CF0]  }
0x266: {  	v58 =	vld [tilespmem:s30+$0x7C11]  }
0x267: {  	v16 =	vld [tilespmem:s30+$0x7CE0]  }
0x268: {  	v59 =	vld [tilespmem:s30+$0x7C01]  }
0x269: {  	v14 =	vld [tilespmem:s30+$0x7CD0]  }
0x26a: {  	v60 =	vld [tilespmem:s30+$0x7BF1]  }
0x26b: {  	v61 =	vld [tilespmem:s30+$0x7BB1]  }
0x26c: {  	v62 =	vld [tilespmem:s30+$0x7B81]  }
0x26d: {  	s28 =	simm.s32 $0x0;
	s26 =	simm.s32 $0xE0;
	v24 =	vld [tilespmem:s30+$0x7C60]  }
0x26e: {  	v63 =	vor.u32 s28, v0;
	v41 =	vimm.f32 $0.0e+00;
	v43 =	vld [tilespmem:s26+$0x7CE0]  }
0x26f: {  	v21 =	vld [tilespmem:s30+$0x7C70];
	vm2 =	veq.s32 v30, v26;
	vm1 =	veq.s32 v29, v25;
	vm0 =	veq.s32 v27, v23  }
0x270: {  	v48 =	vld [tilespmem:s30+$0x7B91];
	vm3 =	veq.s32 v35, v58;
	vm4 =	veq.s32 v32, v59;
	v49 =	vadd.s32 v15, v63  }
0x271: {  	v50 =	vld [tilespmem:s30+$0x7BA1];
	vm5 =	veq.s32 v34, v60;
	v23 =	vadd.s32 v63, v17;
	v51 =	vadd.s32 v63, v19  }
0x272: {  	v53 =	vld [tilespmem:s30+$0x7BC1];
	vm6 =	veq.s32 v15, v62;
	v42 =	vadd.s32 v63, v20;
	vm7 =	veq.s32 v15, v24  }
0x273: {  	s31 =	sand.u32 $0x1FE0, s28;
	v56 =	vld [tilespmem:s30+$0x7BD1];
	v60 =	vadd.s32 s28, v22;
	v63 =	vadd.s32 s28, v34;
	vm9 =	veq.s32 v16, v43  }
0x274: {  	v26 =	vld [tilespmem:s31+$0x7C80];
	v52 =	vadd.s32 $0x40, v23;
	v38 =	vadd.s32 $0x80, v51;
	v54 =	vsel vm6, $0x3F800000, v1  }
0x275: {  	v25 =	vld [tilespmem:s30+$0x7C90];
	vm6 =	veq.s32 v17, v48;
	v55 =	vsel vm7, $0x3F800000, v1;
	vm7 =	veq.s32 v17, v21  }
0x276: {  	v23 =	vld [tilespmem:s30+$0x7CA0];
	v59 =	vadd.s32 $0xC0, v42;
	v48 =	vadd.s32 v2, v60;
	v45 =	vadd.f32 v54, v41  }
0x277: {  	v15 =	vld [tilespmem:s30+$0x7BE1];
	v17 =	vsel vm6, $0x3F800000, v1;
	vm6 =	veq.s32 v19, v50;
	v37 =	vsel vm7, $0x3F800000, v1  }
0x278: {  	vm7 =	veq.s32 v20, v61;
	v61 =	vadd.s32 s28, v33;
	v45 =	vadd.f32 v17, v45;
	v17 =	vld [tilespmem:s30+$0x7D20]  }
0x279: {  	v57 =	vsel vm6, $0x3F800000, v1;
	v46 =	vadd.s32 v4, v61;
	vm6 =	veq.s32 v19, v26;
	v36 =	vld.idx.msk [tilespmem:v49+s2+$0x0], $0xffff  }
0x27a: {  	v58 =	vsel vm6, $0x3F800000, v1;
	vm6 =	veq.s32 v20, v25;
	v20 =	vsel vm7, $0x3F800000, v1;
	v44 =	vld.idx.msk [tilespmem:v52+s2+$0x0], $0xffff  }
0x27b: {  	s0 =	simm.s32 $0x380;
	vm7 =	veq.s32 v22, v53;
	vm8 =	veq.s32 v22, v23;
	v22 =	vld [tilespmem:s30+$0x7CB0];
	v53 =	vadd.s32 v5, v63  }
0x27c: {  	v54 =	vld.idx.msk [tilespmem:v48+s2+$0x0], $0xffff;
	v63 =	vadd.s32 s28, v31;
	v48 =	vor.u32 s0, v0;
	v42 =	vsel vm6, $0x3F800000, v1  }
0x27d: {  	v19 =	vld [tilespmem:s30+$0x7CC0];
	v49 =	vsel vm7, $0x3F800000, v1;
	vm6 =	veq.s32 v33, v15;
	v15 =	vadd.s32 s28, v28  }
0x27e: {  	v38 =	vld.idx.msk [tilespmem:v38+s2+$0x0], $0xffff;
	v50 =	vsel vm8, $0x3F800000, v1;
	vm7 =	veq.s32 v28, v56;
	v62 =	vadd.s32 v3, v15  }
0x27f: {  	v40 =	vld.idx.msk [tilespmem:v59+s2+$0x0], $0xffff;
	v52 =	vsel vm7, $0x3F800000, v1;
	v59 =	vsel vm6, $0x3F800000, v1;
	v36 =	vadd.f32 v36, v41  }
0x280: {  	vm6 =	veq.s32 v35, v18;
	v60 =	vld.idx.msk [tilespmem:v46+s2+$0x0], $0xffff;
	v46 =	vadd.s32 v8, v63;
	v41 =	vadd.f32 v55, v41  }
0x281: {  	v15 =	vld [tilespmem:s30+$0x7D30];
	v55 =	vadd.f32 v57, v45;
	vm7 =	veq.s32 v28, v22;
	v36 =	vadd.f32 v44, v36  }
0x282: {  	v57 =	vadd.s32 s28, v32;
	v45 =	vld [tilespmem:s26+$0x7C41];
	v28 =	vadd.f32 v37, v41;
	v56 =	vsel vm7, $0x3F800000, v1  }
0x283: {  	vm7 =	veq.s32 v33, v19;
	v33 =	vadd.s32 v6, v57;
	v37 =	vld.idx.msk [tilespmem:v53+s2+$0x0], $0xffff;
	v36 =	vadd.f32 v38, v36  }
0x284: {  	v53 =	vadd.s32 s28, v30;
	v57 =	vadd.s32 s28, v27;
	v28 =	vadd.f32 v58, v28;
	v58 =	vld.idx.msk [tilespmem:v62+s2+$0x0], $0xffff  }
0x285: {  	v44 =	vld [tilespmem:s26+$0x7C51];
	v38 =	vadd.f32 v20, v55;
	v20 =	vadd.s32 s28, v35;
	v36 =	vadd.f32 v40, v36  }
0x286: {  	v63 =	vadd.s32 v11, v57;
	v55 =	vld [tilespmem:s30+$0x7C21];
	v61 =	vadd.s32 v7, v20;
	v28 =	vadd.f32 v42, v28  }
0x287: {  	v62 =	vadd.s32 s28, v29;
	v20 =	vld [tilespmem:s30+$0x7D10];
	v38 =	vadd.f32 v49, v38;
	v36 =	vadd.f32 v54, v36  }
0x288: {  	v41 =	vadd.s32 v10, v62;
	v62 =	vld.idx.msk [tilespmem:v46+s2+$0x0], $0xffff;
	v46 =	vsel vm4, $0x3F800000, v1;
	v28 =	vadd.f32 v50, v28  }
0x289: {  	v49 =	vld [tilespmem:s26+$0x7C31];
	v38 =	vadd.f32 v52, v38;
	v54 =	vsel vm7, $0x3F800000, v1;
	v36 =	vadd.f32 v58, v36  }
0x28a: {  	v33 =	vld.idx.msk [tilespmem:v33+s2+$0x0], $0xffff;
	vm7 =	veq.s32 v34, v14;
	v52 =	vsel vm3, $0x3F800000, v1;
	v28 =	vadd.f32 v56, v28  }
0x28b: {  	v56 =	vadd.s32 v9, v53;
	v42 =	vld.idx.msk [tilespmem:v61+s2+$0x0], $0xffff;
	v38 =	vadd.f32 v59, v38;
	v35 =	vadd.f32 v60, v36  }
0x28c: {  	vm4 =	veq.s32 v31, v55;
	v59 =	vsel vm5, $0x3F800000, v1;
	v58 =	vadd.f32 v54, v28;
	v28 =	vld [tilespmem:s31+$0x7D00]  }
0x28d: {  	v40 =	vld [tilespmem:s26+$0x7CB0];
	v61 =	vsel vm7, $0x3F800000, v1;
	v38 =	vadd.f32 v59, v38;
	v60 =	vadd.f32 v37, v35  }
0x28e: {  	vm5 =	veq.s32 v32, v16;
	v53 =	vsel vm6, $0x3F800000, v1;
	v36 =	vld [tilespmem:s26+$0x7CF0];
	v35 =	vadd.f32 v61, v58  }
0x28f: {  	v47 =	vsel vm5, $0x3F800000, v1;
	v58 =	vld [tilespmem:s26+$0x7C01];
	v32 =	vadd.f32 v33, v60;
	v33 =	vadd.f32 v46, v38  }
0x290: {  	v55 =	vsel vm4, $0x3F800000, v1;
	vm4 =	veq.s32 v20, v49;
	v39 =	vld.idx.msk [tilespmem:v56+s2+$0x0], $0xffff;
	v35 =	vadd.f32 v47, v35  }
0x291: {  	v50 =	vld [tilespmem:s26+$0x7C11];
	vm3 =	veq.s32 v31, v28;
	v32 =	vadd.f32 v42, v32;
	v33 =	vadd.f32 v52, v33  }
0x292: {  	v41 =	vld.idx.msk [tilespmem:v41+s2+$0x0], $0xffff;
	v54 =	vadd.f32 v53, v35;
	v56 =	vsel vm3, $0x3F800000, v1;
	vm3 =	veq.s32 v30, v20  }
0x293: {  	v57 =	vld.idx.msk [tilespmem:v63+s2+$0x0], $0xffff;
	vm6 =	veq.s32 v18, v36;
	v60 =	vsel vm3, $0x3F800000, v1;
	v31 =	vadd.f32 v62, v32  }
0x294: {  	v61 =	vld [tilespmem:s26+$0x7BF1];
	vm3 =	veq.s32 v17, v45;
	v32 =	vadd.f32 v55, v33;
	v59 =	vadd.f32 v56, v54  }
0x295: {  	v34 =	vld [tilespmem:s26+$0x7CD0];
	vm8 =	veq.s32 v16, v58;
	v30 =	vadd.f32 v39, v31;
	v31 =	vsel vm2, $0x3F800000, v1  }
0x296: {  	v49 =	vld [tilespmem:s26+$0x7BC1];
	v62 =	vadd.f32 v60, v59;
	vm2 =	veq.s32 v29, v17;
	v31 =	vadd.f32 v31, v32  }
0x297: {  	v47 =	vld [tilespmem:s26+$0x7BD1];
	v63 =	vsel vm2, $0x3F800000, v1;
	v29 =	vadd.f32 v41, v30;
	v30 =	vsel vm1, $0x3F800000, v1  }
0x298: {  	v46 =	vld [tilespmem:s26+$0x7CA0];
	v45 =	vadd.s32 v24, v48;
	v30 =	vadd.f32 v30, v31;
	v31 =	vadd.f32 v63, v62  }
0x299: {  	v35 =	vld [tilespmem:s26+$0x7CC0];
	vm7 =	veq.s32 v14, v61;
	vm1 =	veq.s32 v27, v15;
	v27 =	vnsel vm0, $0x0, v12  }
0x29a: {  	v42 =	vld [tilespmem:s26+$0x7BE1];
	vm2 =	veq.s32 v15, v44;
	v32 =	vadd.s32 s0, v20;
	v37 =	vadd.f32 v57, v29  }
0x29b: {  	v44 =	vld [tilespmem:s26+$0x7C90];
	v29 =	vsel vm1, $0x3F800000, v1;
	vm1 =	veq.s32 v18, v50;
	v39 =	vadd.f32 v27, v30  }
0x29c: {  	s1 =	simm.s32 $0x700;
	v41 =	vld [tilespmem:s26+$0x7BB1];
	v38 =	vadd.f32 v29, v31;
	v30 =	vadd.s32 s0, v17;
	v29 =	vadd.s32 s0, v15;
	v27 =	vmovc v28;
	v31 =	vmovc v26  }
.LBB2_15:
0x29d: {  	v33 =	vimm.s32 $0x0  }
0x29e: {  	v56 =	vimm.s32 $0x0;
	v57 =	vimm.s32 $0x0;
	v58 =	vadd.s32 v48, v21  }
0x29f: {  	v51 =	vimm.s32 $0x0;
	v60 =	vimm.s32 $0x0;
	v26 =	vadd.s32 v48, v26  }
0x2a0: {  	v50 =	vld [tilespmem:s26+$0x7C70];
	v53 =	vadd.s32 s0, v14;
	v55 =	vadd.s32 s0, v19;
	v52 =	vadd.s32 $0x40, v58  }
0x2a1: {  	v59 =	vld [tilespmem:s26+$0x7B91];
	vm5 =	vmmov vm1;
	v33 =	vsel vm4, $0xFFFFFFFF, v33;
	v62 =	vadd.s32 $0x80, v26  }
0x2a2: {  	v61 =	vld [tilespmem:s26+$0x7B81];
	v28 =	vadd.s32 s0, v28;
	v26 =	vadd.s32 v48, v25;
	[tilespmem:$0x1FEE0] =	vst v33;
	v33 =	vsel vm3, $0xFFFFFFFF, v56  }
0x2a3: {  	v63 =	vld.idx.msk [tilespmem:v45+s2+$0x0], $0xffff;
	v48 =	vadd.s32 $0xC0, v26;
	[tilespmem:$0x1FEF0] =	vst v33;
	v33 =	vsel vm2, $0xFFFFFFFF, v57;
	vm0 =	veq.s32 v14, v34  }
0x2a4: {  	v54 =	vld [tilespmem:s26+$0x7BA1];
	vm15 =	veq.s32 v25, v41;
	v51 =	vsel vm0, $0xFFFFFFFF, v51;
	vm0 =	veq.s32 v19, v42  }
0x2a5: {  	[tilespmem:$0x1FF00] =	vst v33;
	v33 =	vsel vm0, $0xFFFFFFFF, v60;
	v56 =	vld.idx.msk [tilespmem:v52+s2+$0x0], $0xffff;
	vm0 =	veq.s32 v25, v44;
	v25 =	vadd.s32 s0, v23  }
0x2a6: {  	v32 =	vadd.s32 v9, v32;
	vm1 =	veq.s32 v21, v59;
	v59 =	vld.idx.msk [tilespmem:v62+s2+$0x0], $0xffff;
	v58 =	vadd.s32 v2, v25  }
0x2a7: {  	v30 =	vadd.s32 v10, v30;
	v29 =	vadd.s32 v11, v29;
	v57 =	vadd.s32 s0, v22;
	[tilespmem:$0x1FEC0] =	vst v33;
	v33 =	vld [tilespmem:s26+$0x7C60]  }
0x2a8: {  	s28 =	sadd.s32 $0xE0, s28;
	v45 =	vld [tilespmem:s26+$0x7D20];
	vm10 =	veq.s32 v19, v35;
	v14 =	vmovc v34;
	v34 =	vadd.f32 v63, v37;
	v60 =	vadd.s32 v3, v57  }
0x2a9: {  	s19 =	sand.u32 $0x1FE0, s28;
	vm11 =	veq.s32 v22, v47;
	vm13 =	veq.s32 v23, v49;
	v47 =	vadd.s32 v5, v53;
	v48 =	vld.idx.msk [tilespmem:v48+s2+$0x0], $0xffff  }
0x2aa: {  	v26 =	vld [tilespmem:s19+$0x7C80];
	vm3 =	veq.s32 v24, v61;
	v61 =	vadd.s32 v4, v55;
	v34 =	vadd.f32 v56, v34  }
0x2ab: {  	v42 =	vadd.s32 s0, v16;
	vm2 =	veq.s32 v21, v50;
	[tilespmem:$0x1FED0] =	vst v51;
	v51 =	vadd.s32 s0, v18;
	v18 =	vmovc v36;
	v36 =	vld.idx.msk [tilespmem:v58+s2+$0x0], $0xffff  }
0x2ac: {  	v41 =	vld [tilespmem:s26+$0x7D30];
	v62 =	vsel vm3, $0x3F800000, v1;
	vm4 =	veq.s32 v24, v33;
	v34 =	vadd.f32 v59, v34  }
0x2ad: {  	vm3 =	veq.s32 v31, v54;
	v37 =	vadd.f32 v62, v39;
	v55 =	vld.idx.msk [tilespmem:v60+s2+$0x0], $0xffff;
	v63 =	vsel vm4, $0x3F800000, v1  }
0x2ae: {  	v19 =	vmovc v35;
	v32 =	vld.idx.msk [tilespmem:v32+s2+$0x0], $0xffff;
	v49 =	vsel vm1, $0x3F800000, v1;
	v38 =	vadd.f32 v63, v38;
	v34 =	vadd.f32 v48, v34  }
0x2af: {  	v21 =	vmovc v50;
	v50 =	vsel vm2, $0x3F800000, v1;
	vm1 =	veq.s32 v31, v26;
	v35 =	vadd.f32 v49, v37;
	v59 =	vld.idx.msk [tilespmem:v61+s2+$0x0], $0xffff  }
0x2b0: {  	v30 =	vld.idx.msk [tilespmem:v30+s2+$0x0], $0xffff;
	v53 =	vsel vm3, $0x3F800000, v1;
	v52 =	vadd.f32 v50, v38;
	v34 =	vadd.f32 v36, v34  }
0x2b1: {  	s20 =	sshra.s32 s1, $0x2;
	v29 =	vld.idx.msk [tilespmem:v29+s2+$0x0], $0xffff;
	v54 =	vsel vm1, $0x3F800000, v1;
	v35 =	vadd.f32 v53, v35;
	v56 =	vadd.s32 v6, v42  }
0x2b2: {  	v25 =	vmovc v44;
	v44 =	vld [tilespmem:s20+$0x7C51];
	v53 =	vadd.s32 v8, v28;
	v37 =	vadd.f32 v54, v52;
	v28 =	vadd.f32 v55, v34  }
0x2b3: {  	v49 =	vld [tilespmem:s20+$0x7C41];
	v60 =	vadd.s32 v7, v51;
	v58 =	vsel vm0, $0x3F800000, v1  }
0x2b4: {  	v57 =	vsel vm15, $0x3F800000, v1;
	v37 =	vadd.f32 v58, v37;
	v58 =	vadd.f32 v59, v28;
	v28 =	vld [tilespmem:$0x1FEC0]  }
0x2b5: {  	v35 =	vadd.f32 v57, v35;
	v63 =	vld.idx.msk [tilespmem:v47+s2+$0x0], $0xffff  }
0x2b6: {  	v51 =	vld [tilespmem:s20+$0x7C31];
	v61 =	vsel vm13, $0x3F800000, v1  }
0x2b7: {  	vm14 =	veq.s32 v23, v46;
	v35 =	vadd.f32 v61, v35;
	v38 =	vld.idx.msk [tilespmem:v56+s2+$0x0], $0xffff  }
0x2b8: {  	vm12 =	veq.s32 v22, v40;
	v62 =	vsel vm14, $0x3F800000, v1;
	v39 =	vld.idx.msk [tilespmem:v60+s2+$0x0], $0xffff;
	v54 =	vsel vm11, $0x3F800000, v1  }
0x2b9: {  	v34 =	vadd.f32 v54, v35;
	v52 =	vadd.f32 v62, v37;
	v62 =	vld [tilespmem:$0x1FED0];
	vm0 =	vnez.u8 v28  }
0x2ba: {  	v57 =	vld [tilespmem:s26+$0x7C21];
	v47 =	vsel vm8, $0x3F800000, v1;
	v60 =	vadd.f32 v63, v58;
	v28 =	vsel vm0, $0x3F800000, v1  }
0x2bb: {  	vm3 =	veq.s32 v45, v49;
	v55 =	vsel vm12, $0x3F800000, v1;
	v37 =	vld.idx.msk [tilespmem:v53+s2+$0x0], $0xffff;
	v34 =	vadd.f32 v28, v34  }
0x2bc: {  	v61 =	vsel vm7, $0x3F800000, v1;
	v50 =	vld [tilespmem:s26+$0x7D10];
	v56 =	vadd.f32 v55, v52;
	v38 =	vadd.f32 v38, v60  }
0x2bd: {  	v48 =	vsel vm9, $0x3F800000, v1;
	v59 =	vsel vm10, $0x3F800000, v1;
	v28 =	vld [tilespmem:s19+$0x7D00];
	v34 =	vadd.f32 v61, v34  }
0x2be: {  	s26 =	smov.u32 s20;
	v35 =	vadd.f32 v59, v56;
	v59 =	vld [tilespmem:$0x1FEE0];
	vm0 =	vnez.u8 v62;
	v38 =	vadd.f32 v39, v38  }
0x2bf: {  	v36 =	vld [tilespmem:s26+$0x7CF0];
	v54 =	vsel vm5, $0x3F800000, v1;
	v63 =	vsel vm0, $0x3F800000, v1;
	v34 =	vadd.f32 v47, v34  }
0x2c0: {  	v62 =	vld [tilespmem:$0x1FEF0];
	vm0 =	veq.s32 v27, v57;
	v35 =	vadd.f32 v63, v35;
	v37 =	vadd.f32 v37, v38  }
0x2c1: {  	v16 =	vmovc v43;
	v43 =	vld [tilespmem:s26+$0x7CE0];
	v55 =	vsel vm6, $0x3F800000, v1;
	v56 =	vsel vm0, $0x3F800000, v1;
	v34 =	vadd.f32 v54, v34  }
0x2c2: {  	v42 =	vld [tilespmem:s26+$0x7BE1];
	v35 =	vadd.f32 v48, v35;
	v32 =	vadd.f32 v32, v37;
	vm1 =	veq.s32 v27, v28  }
0x2c3: {  	v22 =	vmovc v40;
	v40 =	vld [tilespmem:s26+$0x7CB0];
	v57 =	vsel vm1, $0x3F800000, v1;
	vm1 =	vnez.u8 v59;
	v38 =	vadd.f32 v56, v34  }
0x2c4: {  	v23 =	vmovc v46;
	vm2 =	veq.s32 v41, v44;
	v46 =	vld [tilespmem:s26+$0x7CA0];
	v35 =	vadd.f32 v55, v35;
	v37 =	vsel vm1, $0x3F800000, v1  }
0x2c5: {  	v58 =	vld [tilespmem:s26+$0x7C01];
	v30 =	vadd.f32 v30, v32;
	vm1 =	vnez.u8 v62;
	v37 =	vadd.f32 v37, v38  }
0x2c6: {  	vm0 =	veq.s32 v20, v50;
	v54 =	vld [tilespmem:s26+$0x7BF1];
	v35 =	vadd.f32 v57, v35;
	v32 =	vsel vm1, $0x3F800000, v1  }
0x2c7: {  	v60 =	vsel vm0, $0x3F800000, v1;
	v32 =	vadd.f32 v32, v37;
	v37 =	vadd.f32 v29, v30;
	v29 =	vld [tilespmem:$0x1FF00]  }
0x2c8: {  	vm4 =	veq.s32 v50, v51;
	v52 =	vld [tilespmem:s26+$0x7C11];
	vm0 =	veq.s32 v17, v45;
	v61 =	vadd.f32 v60, v35  }
0x2c9: {  	p0 =	sne.s32 s1, $0x5E80;
	v49 =	vld [tilespmem:s26+$0x7BC1];
	vm9 =	veq.s32 v16, v43;
	vm6 =	veq.s32 v18, v36;
	v63 =	vsel vm0, $0x3F800000, v1  }
.Ltmp6:
0x2ca: {  	v44 =	vld [tilespmem:s26+$0x7C90];
	vm8 =	veq.s32 v16, v58;
	vm0 =	veq.s32 v15, v41;
	v38 =	vadd.f32 v63, v61;
	(pc) =	sbr.rel @p0 .LBB2_15-.Ltmp6, $4  }
0x2cb: {  	v48 =	vor.u32 s1, v0;
	v47 =	vld [tilespmem:s26+$0x7BD1];
	vm7 =	veq.s32 v14, v54;
	v30 =	vsel vm0, $0x3F800000, v1  }
0x2cc: {  	v31 =	vmovc v26;
	v24 =	vmovc v33;
	v34 =	vld [tilespmem:s26+$0x7CD0];
	v38 =	vadd.f32 v30, v38;
	v30 =	vadd.s32 s1, v45;
	vm1 =	vnez.u8 v29  }
0x2cd: {  	v20 =	vmovc v50;
	v17 =	vmovc v45;
	v35 =	vld [tilespmem:s26+$0x7CC0];
	v45 =	vadd.s32 v33, v48;
	v29 =	vnsel vm1, $0x0, v12;
	vm1 =	veq.s32 v18, v52  }
0x2ce: {  	s0 =	smov.u32 s1;
	v15 =	vmovc v41;
	v27 =	vmovc v28;
	v39 =	vadd.f32 v29, v32;
	v29 =	vadd.s32 s1, v41;
	v32 =	vadd.s32 s1, v50;
	v41 =	vld [tilespmem:s26+$0x7BB1];
	s1 =	sadd.s32 $0x380, s1  }
0x2cf: {  	v33 =	vld [tilespmem:s26+$0x7B81]  }
0x2d0: {  	v36 =	vld [tilespmem:s26+$0x7C60];
	v55 =	vadd.s32 v48, v21;
	v57 =	vadd.s32 v48, v26  }
0x2d1: {  	v43 =	vld [tilespmem:s26+$0x7B91];
	v59 =	vadd.s32 v48, v25;
	vm10 =	veq.s32 v25, v44;
	v63 =	vadd.s32 s0, v23  }
0x2d2: {  	v50 =	vld [tilespmem:s26+$0x7C70];
	v53 =	vadd.s32 s0, v22;
	v18 =	vadd.s32 s0, v18;
	v16 =	vadd.s32 s0, v16  }
0x2d3: {  	v51 =	vld [tilespmem:s26+$0x7BA1];
	v44 =	vsel vm7, $0x3F800000, v1;
	v30 =	vadd.s32 v10, v30;
	v56 =	vadd.s32 $0x40, v55  }
0x2d4: {  	s1 =	sadd.s32 $0xE0, s28;
	v61 =	vadd.s32 $0xC0, v59;
	v54 =	vadd.s32 v3, v53;
	v55 =	vadd.s32 s0, v19  }
0x2d5: {  	v58 =	vld.idx.msk [tilespmem:v45+s2+$0x0], $0xffff;
	s1 =	sand.u32 $0x1FE0, s1;
	vm0 =	veq.s32 v24, v33;
	vm11 =	veq.s32 v24, v36;
	v24 =	vadd.s32 $0x80, v57  }
0x2d6: {  	v16 =	vadd.s32 v6, v16;
	v18 =	vadd.s32 v7, v18;
	v52 =	vld [tilespmem:s1+$0x7C80];
	vm5 =	veq.s32 v25, v41  }
0x2d7: {  	v25 =	vsel vm10, $0x3F800000, v1;
	vm12 =	veq.s32 v21, v43;
	vm13 =	veq.s32 v21, v50  }
0x2d8: {  	vm14 =	veq.s32 v31, v51;
	v62 =	vsel vm5, $0x3F800000, v1;
	v51 =	vadd.s32 v2, v63;
	v21 =	vld.idx.msk [tilespmem:v56+s2+$0x0], $0xffff  }
0x2d9: {  	v57 =	vadd.s32 s0, v14;
	v33 =	vsel vm0, $0x3F800000, v1;
	v36 =	vsel vm11, $0x3F800000, v1  }
0x2da: {  	v43 =	vsel vm12, $0x3F800000, v1;
	v26 =	vsel vm13, $0x3F800000, v1;
	v33 =	vadd.f32 v33, v39;
	v24 =	vld.idx.msk [tilespmem:v24+s2+$0x0], $0xffff  }
0x2db: {  	v50 =	vsel vm14, $0x3F800000, v1;
	vm15 =	veq.s32 v31, v52;
	v31 =	vadd.f32 v58, v37  }
0x2dc: {  	vm11 =	veq.s32 v23, v49;
	v41 =	vld.idx.msk [tilespmem:v61+s2+$0x0], $0xffff;
	v36 =	vadd.f32 v36, v38;
	v33 =	vadd.f32 v43, v33  }
0x2dd: {  	vm12 =	veq.s32 v23, v46;
	v56 =	vadd.s32 v4, v55;
	v21 =	vadd.f32 v21, v31  }
0x2de: {  	vm13 =	veq.s32 v22, v47;
	v26 =	vadd.f32 v26, v36;
	v23 =	vld.idx.msk [tilespmem:v51+s2+$0x0], $0xffff;
	v33 =	vadd.f32 v50, v33  }
0x2df: {  	v60 =	vsel vm15, $0x3F800000, v1;
	v31 =	vadd.s32 v5, v57;
	v21 =	vadd.f32 v24, v21  }
0x2e0: {  	vm14 =	veq.s32 v22, v40;
	v59 =	vld.idx.msk [tilespmem:v54+s2+$0x0], $0xffff;
	v26 =	vadd.f32 v60, v26;
	v33 =	vadd.f32 v62, v33  }
0x2e1: {  	v49 =	vsel vm11, $0x3F800000, v1;
	v52 =	vsel vm12, $0x3F800000, v1;
	v21 =	vadd.f32 v41, v21  }
0x2e2: {  	vm15 =	veq.s32 v19, v42;
	v61 =	vld.idx.msk [tilespmem:v56+s2+$0x0], $0xffff;
	v25 =	vadd.f32 v25, v26;
	v38 =	vadd.f32 v49, v33  }
0x2e3: {  	v58 =	vsel vm13, $0x3F800000, v1;
	v39 =	vsel vm15, $0x3F800000, v1;
	v21 =	vadd.f32 v23, v21  }
0x2e4: {  	v62 =	vadd.s32 s0, v28;
	v25 =	vadd.f32 v52, v25;
	v63 =	vld.idx.msk [tilespmem:v31+s2+$0x0], $0xffff;
	v24 =	vadd.f32 v58, v38  }
0x2e5: {  	v60 =	vsel vm14, $0x3F800000, v1;
	v40 =	vadd.s32 v8, v62;
	v21 =	vadd.f32 v59, v21  }
0x2e6: {  	vm5 =	veq.s32 v19, v35;
	v16 =	vld.idx.msk [tilespmem:v16+s2+$0x0], $0xffff;
	v25 =	vadd.f32 v60, v25;
	v45 =	vadd.f32 v39, v24  }
0x2e7: {  	v42 =	vld [tilespmem:s26+$0x7C21];
	v43 =	vadd.s32 v9, v32;
	v41 =	vsel vm5, $0x3F800000, v1;
	v21 =	vadd.f32 v61, v21  }
0x2e8: {  	vm10 =	veq.s32 v14, v34;
	v14 =	vld.idx.msk [tilespmem:v18+s2+$0x0], $0xffff;
	v22 =	vadd.f32 v41, v25;
	v18 =	vadd.f32 v44, v45  }
0x2e9: {  	v48 =	vsel vm8, $0x3F800000, v1;
	v46 =	vsel vm10, $0x3F800000, v1;
	v47 =	vld [tilespmem:s1+$0x7D00];
	v21 =	vadd.f32 v63, v21  }
0x2ea: {  	v29 =	vadd.s32 v11, v29;
	v19 =	vld.idx.msk [tilespmem:v40+s2+$0x0], $0xffff;
	v22 =	vadd.f32 v46, v22;
	v18 =	vadd.f32 v48, v18  }
0x2eb: {  	v50 =	vld [tilespmem:s26+$0x7D10];
	v49 =	vsel vm9, $0x3F800000, v1;
	v52 =	vsel vm1, $0x3F800000, v1;
	v16 =	vadd.f32 v16, v21  }
0x2ec: {  	vm11 =	veq.s32 v27, v42;
	v51 =	vld.idx.msk [tilespmem:v43+s2+$0x0], $0xffff;
	v22 =	vadd.f32 v49, v22;
	v18 =	vadd.f32 v52, v18  }
0x2ed: {  	v53 =	vld [tilespmem:s26+$0x7D20];
	v54 =	vsel vm6, $0x3F800000, v1;
	v56 =	vsel vm11, $0x3F800000, v1;
	v14 =	vadd.f32 v14, v16  }
0x2ee: {  	v55 =	vld.idx.msk [tilespmem:v30+s2+$0x0], $0xffff;
	vm12 =	veq.s32 v27, v47;
	v18 =	vadd.f32 v56, v18;
	v16 =	vadd.f32 v54, v22  }
0x2ef: {  	v57 =	vld [tilespmem:s26+$0x7D30];
	v58 =	vsel vm12, $0x3F800000, v1;
	v60 =	vsel vm4, $0x3F800000, v1;
	v14 =	vadd.f32 v19, v14  }
0x2f0: {  	vm13 =	veq.s32 v20, v50;
	v59 =	vld.idx.msk [tilespmem:v29+s2+$0x0], $0xffff;
	v18 =	vadd.f32 v60, v18;
	v16 =	vadd.f32 v58, v16  }
0x2f1: {  	v20 =	vsel vm13, $0x3F800000, v1;
	v61 =	vsel vm3, $0x3F800000, v1;
	v14 =	vadd.f32 v51, v14  }
0x2f2: {  	s24 =	sadd.s32 $0x1, s24;
	vm14 =	veq.s32 v17, v53;
	v17 =	vadd.f32 v61, v18;
	v16 =	vadd.f32 v20, v16  }
0x2f3: {  	p0 =	sne.s32 s24, $0x10;
	v62 =	vsel vm14, $0x3F800000, v1;
	v63 =	vnsel vm2, $0x0, v12;
	v14 =	vadd.f32 v55, v14  }
.Ltmp7:
0x2f4: {  	vm15 =	veq.s32 v15, v57;
	v17 =	vadd.f32 v63, v17;
	v16 =	vadd.f32 v62, v16;
	(pc) =	sbr.rel @p0 .LBB2_12-.Ltmp7, $4  }
0x2f5: {  	s31 =	sshll.u32 s25, $0x7;
	v15 =	vsel vm15, $0x3F800000, v1;
	v14 =	vadd.f32 v59, v14  }
0x2f6: {  	[tilespmem:s31+$0xA500] =	vst.add.f32.msk $0xffff, v17;
	v15 =	vadd.f32 v15, v16  }
0x2f7: {  	[tilespmem:s31+$0x9500] =	vst.add.f32.msk $0xffff, v14  }
0x2f8: {  	[tilespmem:s31+$0xB500] =	vst.add.f32.msk $0xffff, v15  }
0x2f9: {  	s0 =	simm.s32 $0x9500  }
0x2fa: {  	[hbm4b:s10+s2] =	stream.linear.scatter [tilespmem:s0], [sflag:$0x3], $0x1000, $0x38;
	[tilespmem:$0xC500] =	vst v63  }
0x2fb: {  	_ =	swait.ge [sflag:s15], $0x1000  }
0x2fc: {  	[sflag:s15] =	ssyncset.done $0x0  }
0x2fd: {  	s31 =	simm.s32 $0xA500;
	[sflag:s15] =	ssyncadd.s32 $0xFFFFF000  }
0x2fe: {  	[hbm4b:s11+s2] =	stream.linear.scatter [tilespmem:s31], [sflag:$0x3], $0x1000, $0x38;
	[tilespmem:$0xC500] =	vst v63  }
0x2ff: {  	s22 =	sadd.s32 $0x1, s22;
	_ =	swait.ge [sflag:s15], $0x1000  }
0x300: {  	p0 =	sne.s32 s22, s13;
	[sflag:s15] =	ssyncset.done $0x0  }
.Ltmp8:
0x301: {  	[sflag:s15] =	ssyncadd.s32 $0xFFFFF000;
	(pc) =	sbr.rel @p0 .LBB2_1-.Ltmp8, $4  }
0x302: {  	[hbm4b:s12+s2] =	stream.linear.scatter [tilespmem:s21], [sflag:$0x3], $0x1000, $0x38;
	[tilespmem:$0xC500] =	vst v63  }
0x303: {  	_ =	swait.ge [sflag:s15], $0x1000  }
0x304: {  	[sflag:s15] =	ssyncset.done $0x0  }
0x305: {  	[sflag:s15] =	ssyncadd.s32 $0xFFFFF000  }
0x306: {  	_ =	sfence.sel $0x180000  }
0x307: {  	[bflag:$0x0] =	sbarrier.arrive $0xFFFF  }
0x308: {  	_ =	strace $0x90000047  }
0x309: {  	s0 =	stileid.u32;
	[bflag:$0x2] =	sbarrier.arrive $0xFFFF  }
0x30a: {  	p0 =	sne.s32 s0, $0x0;
	s0 =	rddreg [dreg:$0x1]  }
0x30b: {  	s0 =	sadd.s32 @!p0 $0x100000, s0  }
0x30c: {  	[sflag:s0] =	ssyncadd.tile.s32 @!p0 $0x1;
	_ =	shalt  }
.Lfunc_end2:
_tile_overlayer_lowered:
.L_overlay_start_2:
0x30d: {  	(tag) =	ssettag $0x2  }
0x30e: {  	s0 =	rddreg [dreg:$0x0];
	s2 =	stileid.u32  }
0x30f: {  	s1 =	rddreg [dreg:$0x1];
	p0 =	sne.s32 s2, $0x0  }
0x310: {  	s3 =	rddreg [dreg:$0x2];
	[bflag:$0x3] =	sbarrier.arrive $0xFFFF;
	s2 =	simm.s32 @!p0 $0x1C03  }
0x311: {  	[timem:s3], [sflag:s2] =	dma.local @!p0 [hbm:s0], s1  }
0x312: {  	s0 =	simm.s32 @!p0 $0x3  }
0x313: {  	_ =	swait.ge @!p0 [sflag:s0], s1  }
0x314: {  	s1 =	ssub.s32 @!p0 $0x0, s1;
	[sflag:s0] =	ssyncset.done @!p0 $0x0  }
0x315: {  	[sflag:s0] =	ssyncadd.s32 @!p0 s1  }
0x316: {  	[bflag:$0x3] =	sbarrier.arrive $0xFFFF  }
0x317: {  	_ =	shalt  }

</sc_bundles>
